<compile_context>
chip_gen: v7x
topology: tpu7x:2x2x1
jax: 0.10.2.dev20260603
libtpu: 0.0.44.dev20260713+nightly
codegen_flags: <defaults>
</compile_context>

<pallas_src>
import functools

import jax
import jax.numpy as jnp
from jax import lax
from jax.experimental import pallas as pl
from jax.experimental.pallas import tpu as pltpu
from jax.experimental.pallas import tpu_sc as plsc

B = 2
N = 10000
E = 160000
EMB = 128
H2 = 256
OUT = 128
EXT = 64
NPAD = 10240
NT = 16
NCHUNK = 125
CW = 80
SW = 8
RPT = NPAD // NT
RBK = 2048
NRB = NPAD // RBK


def _sc_mesh():
    return plsc.VectorSubcoreMesh(core_axis_name="c", subcore_axis_name="s")



def _gs_body(D, x_hbm, src_hbm, dst_hbm, z_hbm, out_hbm, si0, si1, dst_v,
             buf0, buf1, acc, semi0, semi1, semg0, semg1):
    c = lax.axis_index("c")
    s = lax.axis_index("s")
    w = c * NT + s
    pltpu.async_copy(z_hbm, acc.at[pl.ds(s * RPT, RPT)], semg1)
    pltpu.async_copy(src_hbm.at[w, 0], si0, semi0)
    pltpu.async_copy(src_hbm.at[w, 1], si1, semi1)
    pltpu.sync_copy(dst_hbm.at[w], dst_v)
    pltpu.make_async_copy(z_hbm, acc.at[pl.ds(s * RPT, RPT)], semg1).wait()
    pltpu.make_async_copy(src_hbm.at[w, 0], si0, semi0).wait()
    pltpu.make_async_copy(src_hbm.at[w, 1], si1, semi1).wait()
    pltpu.async_copy(x_hbm.at[si0], buf0, semg0)
    plsc.subcore_barrier()

    def body(j, carry):
        pltpu.make_async_copy(x_hbm.at[si0], buf0, semg0).wait()
        pltpu.async_copy(src_hbm.at[w, 2 * j + 2], si0, semi0)
        pltpu.async_copy(x_hbm.at[si1], buf1, semg1)
        pltpu.sync_copy(buf0, acc.at[dst_v.at[2 * j]], add=True)
        pltpu.make_async_copy(x_hbm.at[si1], buf1, semg1).wait()
        pltpu.make_async_copy(src_hbm.at[w, 0], si0, semi0).wait()
        pltpu.async_copy(src_hbm.at[w, 2 * j + 3], si1, semi1)
        pltpu.async_copy(x_hbm.at[si0], buf0, semg0)
        pltpu.sync_copy(buf1, acc.at[dst_v.at[2 * j + 1]], add=True)
        pltpu.make_async_copy(src_hbm.at[w, 0], si1, semi1).wait()
        return carry

    lax.fori_loop(0, (NCHUNK - 1) // 2, body, 0)
    pltpu.make_async_copy(x_hbm.at[si0], buf0, semg0).wait()
    pltpu.sync_copy(buf0, acc.at[dst_v.at[NCHUNK - 1]], add=True)
    plsc.subcore_barrier()
    pltpu.sync_copy(acc.at[pl.ds(s * RPT, RPT)],
                    out_hbm.at[pl.ds(c * NPAD + s * RPT, RPT)])


def _gs(x_flat, src_g, dst_l, D):
    zeros = jnp.zeros((RPT, D), jnp.float32)
    f = functools.partial(
        pl.kernel,
        out_type=jax.ShapeDtypeStruct((B * NPAD, D), jnp.float32),
        mesh=_sc_mesh(),
        scratch_types=[
            pltpu.VMEM((CW,), jnp.int32),
            pltpu.VMEM((CW,), jnp.int32),
            pltpu.VMEM((NCHUNK, CW), jnp.int32),
            pltpu.VMEM((CW, D), jnp.float32),
            pltpu.VMEM((CW, D), jnp.float32),
            pltpu.VMEM_SHARED((NPAD, D), jnp.float32),
            pltpu.SemaphoreType.DMA,
            pltpu.SemaphoreType.DMA,
            pltpu.SemaphoreType.DMA,
            pltpu.SemaphoreType.DMA,
        ],
        compiler_params=pltpu.CompilerParams(use_tc_tiling_on_sc=False),
    )(functools.partial(_gs_body, D))
    return f(x_flat, src_g, dst_l, zeros)



def _wc_call(W_ee, b_ee, W1):
    def body(we_ref, be_ref, w1_ref, o_ref):
        w1b = w1_ref[0, EMB:, :]
        r0 = we_ref[0] @ w1b
        r1 = be_ref[0] @ w1b
        o_ref[...] = jnp.concatenate(
            [r0, r1, jnp.zeros((SW - 2, H2), jnp.float32)], 0)[None]

    return pl.pallas_call(
        body,
        grid=(3,),
        in_specs=[
            pl.BlockSpec((1, 1, EMB), lambda l: (l, 0, 0)),
            pl.BlockSpec((1, 1, EMB), lambda l: (l, 0, 0)),
            pl.BlockSpec((1, 2 * EMB, H2), lambda l: (l, 0, 0)),
        ],
        out_specs=pl.BlockSpec((1, SW, H2), lambda l: (l, 0, 0)),
        out_shape=jax.ShapeDtypeStruct((3, SW, H2), jnp.float32),
    )(W_ee, b_ee.reshape(3, 1, EMB), W1)



def _x0_call(nf_pad, W_in_pad, b_in_row):
    def body(nf_ref, w_ref, b_ref, o_ref):
        o_ref[...] = (nf_ref[0] @ w_ref[...] + b_ref[...])[None]

    return pl.pallas_call(
        body,
        grid=(B, NRB),
        in_specs=[
            pl.BlockSpec((1, RBK, 24), lambda b, j: (b, j, 0)),
            pl.BlockSpec((24, EMB), lambda b, j: (0, 0)),
            pl.BlockSpec((1, EMB), lambda b, j: (0, 0)),
        ],
        out_specs=pl.BlockSpec((1, RBK, EMB), lambda b, j: (b, j, 0)),
        out_shape=jax.ShapeDtypeStruct((B, NPAD, EMB), jnp.float32),
    )(nf_pad, W_in_pad, b_in_row)



def _layer_call(aggr3, S3, W1t, Wc_l, b1_row, gamma_row, beta_row, W2_l,
                b2_row, last):
    def body(a_ref, s_ref, w_ref, wc_ref, b_ref, g_ref, be_ref, w2_ref,
             b2_ref, x_ref, oa_ref, os_ref, st_ref, *rest):
        j = pl.program_id(1)

        def compute_t():
            return (jnp.dot(a_ref[0].astype(jnp.bfloat16),
                            w_ref[...].astype(jnp.bfloat16),
                            preferred_element_type=jnp.float32)
                    + s_ref[0] @ wc_ref[...] + b_ref[...])

        @pl.when(j < NRB)
        def _():
            pa = jnp.concatenate(
                [jnp.sum(a_ref[0], 0, keepdims=True),
                 jnp.zeros((7, EMB), jnp.float32)], 0)[None]
            ps = jnp.concatenate(
                [jnp.sum(s_ref[0], 0, keepdims=True),
                 jnp.zeros((7, SW), jnp.float32)], 0)[None]
            oa_ref[...] = jnp.where(j == 0, pa, oa_ref[...] + pa)
            os_ref[...] = jnp.where(j == 0, ps, os_ref[...] + ps)

        @pl.when((j >= NRB) & (j < 2 * NRB))
        def _():
            mu = (oa_ref[0, 0:1, :] @ w_ref[...]
                  + os_ref[0, 0:1, :] @ wc_ref[...]) * (1.0 / N) + b_ref[...]
            t = compute_t()
            rid = lax.broadcasted_iota(jnp.int32, (RBK, 1), 0)
            m = rid < (N - (j - NRB) * RBK)
            tc = jnp.where(m, t - mu, 0.0)
            sq = jnp.sum(tc * tc, 0, keepdims=True)
            base = jnp.concatenate(
                [sq, mu, jnp.zeros((6, H2), jnp.float32)], 0)[None]
            inc = jnp.concatenate(
                [sq, jnp.zeros((7, H2), jnp.float32)], 0)[None]
            st_ref[...] = jnp.where(j == NRB, base, st_ref[...] + inc)

        @pl.when(j >= 2 * NRB)
        def _():
            var = st_ref[0, 0, :] * (1.0 / N)
            mean = st_ref[0, 1, :]
            inv = lax.rsqrt(var + 1e-5)
            t = compute_t()
            tn = (t - mean) * (inv * g_ref[0]) + be_ref[0]
            r = jnp.maximum(tn, 0.0)
            hb = jnp.dot(r.astype(jnp.bfloat16),
                         w2_ref[...].astype(jnp.bfloat16),
                         preferred_element_type=jnp.float32) + b2_ref[...]
            if not last:
                hb = jnp.maximum(hb, 0.0)
            x_ref[...] = hb[None]
            if last:
                p_ref = rest[0]
                rid = lax.broadcasted_iota(jnp.int32, (RBK, 1), 0)
                m = rid < (N - (j - 2 * NRB) * RBK)
                hm = jnp.where(m, hb, 0.0)
                p = jnp.concatenate(
                    [jnp.sum(hm, 0, keepdims=True),
                     jnp.zeros((7, EMB), jnp.float32)], 0)[None]
                p_ref[...] = jnp.where(j == 2 * NRB, p, p_ref[...] + p)

    out_specs = [
        pl.BlockSpec((1, RBK, EMB), lambda b, j: (b, j % NRB, 0)),
        pl.BlockSpec((1, 8, EMB), lambda b, j: (b, 0, 0)),
        pl.BlockSpec((1, 8, SW), lambda b, j: (b, 0, 0)),
        pl.BlockSpec((1, 8, H2), lambda b, j: (b, 0, 0)),
    ]
    out_shape = [
        jax.ShapeDtypeStruct((B, NPAD, EMB), jnp.float32),
        jax.ShapeDtypeStruct((B, 8, EMB), jnp.float32),
        jax.ShapeDtypeStruct((B, 8, SW), jnp.float32),
        jax.ShapeDtypeStruct((B, 8, H2), jnp.float32),
    ]
    if last:
        out_specs.append(pl.BlockSpec((1, 8, EMB), lambda b, j: (b, 0, 0)))
        out_shape.append(jax.ShapeDtypeStruct((B, 8, EMB), jnp.float32))
    res = pl.pallas_call(
        body,
        grid=(B, 3 * NRB),
        in_specs=[
            pl.BlockSpec((1, RBK, EMB), lambda b, j: (b, j % NRB, 0)),
            pl.BlockSpec((1, RBK, SW), lambda b, j: (b, j % NRB, 0)),
            pl.BlockSpec((EMB, H2), lambda b, j: (0, 0)),
            pl.BlockSpec((SW, H2), lambda b, j: (0, 0)),
            pl.BlockSpec((1, H2), lambda b, j: (0, 0)),
            pl.BlockSpec((1, H2), lambda b, j: (0, 0)),
            pl.BlockSpec((1, H2), lambda b, j: (0, 0)),
            pl.BlockSpec((H2, EMB), lambda b, j: (0, 0)),
            pl.BlockSpec((1, EMB), lambda b, j: (0, 0)),
        ],
        out_specs=out_specs,
        out_shape=out_shape,
    )(aggr3, S3, W1t, Wc_l, b1_row, gamma_row, beta_row, W2_l, b2_row)
    return (res[0], res[4]) if last else (res[0], None)



def _head_call(pooled, subj, W_ext, b_ext_row, W_pred, b_pred_row):
    def body(p_ref, s_ref, we_ref, be_ref, wp_ref, bp_ref, o_ref, l1_ref):
        pm = p_ref[:, 0, :] * (1.0 / N)
        ext = s_ref[...] @ we_ref[...] + be_ref[...]
        cat = jnp.concatenate([pm, ext], 1)
        o_ref[...] = cat @ wp_ref[...] + bp_ref[...]
        l1_ref[...] = jnp.mean(jnp.abs(wp_ref[...]))[None, None]

    return pl.pallas_call(
        body,
        out_shape=[
            jax.ShapeDtypeStruct((B, OUT), jnp.float32),
            jax.ShapeDtypeStruct((1, 1), jnp.float32),
        ],
    )(pooled, subj, W_ext, b_ext_row, W_pred, b_pred_row)



def kernel(node_features, edge_index, edge_attr, subject_features, W_in, b_in,
           W_ee, b_ee, W1, b1, gamma, beta, W2, b2, W_ext, b_ext, W_pred,
           b_pred):
    src = edge_index[:, 0, :]
    dst = edge_index[:, 1, :]
    offs = (jnp.arange(B, dtype=jnp.int32) * NPAD)[:, None]
    src_g = (src + offs).reshape(B * NT, NCHUNK, CW)
    src_g = jnp.pad(src_g, ((0, 0), (0, 1), (0, 0)))
    dst_l = dst.reshape(B * NT, NCHUNK, CW)
    a = edge_attr
    rows = jnp.concatenate(
        [a, jnp.ones_like(a), jnp.zeros((B, E, SW - 2), jnp.float32)], axis=2)
    rows_flat = rows.reshape(B * E, SW)
    eid = jnp.arange(B * E, dtype=jnp.int32).reshape(B * NT, NCHUNK, CW)
    eid = jnp.pad(eid, ((0, 0), (0, 1), (0, 0)))

    S_flat = _gs(rows_flat, eid, dst_l, SW)
    S3 = S_flat.reshape(B, NPAD, SW)
    Wc = _wc_call(W_ee, b_ee, W1)

    nf_pad = jnp.pad(node_features,
                     ((0, 0), (0, NPAD - N), (0, 24 - node_features.shape[2])))
    Win_pad = jnp.pad(W_in, ((0, 3), (0, 0)))
    x = _x0_call(nf_pad, Win_pad, b_in.reshape(1, EMB))

    pooled = None
    for l in range(3):
        aggr_flat = _gs(x.reshape(B * NPAD, EMB), src_g, dst_l, EMB)
        aggr3 = aggr_flat.reshape(B, NPAD, EMB)
        last = l == 2
        x, pooled = _layer_call(aggr3, S3, W1[l, :EMB, :], Wc[l],
                                b1[l].reshape(1, H2), gamma[l].reshape(1, H2),
                                beta[l].reshape(1, H2), W2[l],
                                b2[l].reshape(1, EMB), last)

    out, l1 = _head_call(pooled, subject_features, W_ext,
                         b_ext.reshape(1, EMB), W_pred,
                         b_pred.reshape(1, EMB))
    return out, l1.reshape(())

# --- scband reference (transcript-rebuilt; emitter-appended) ---
"""Pipeline reference for scband-gnn-graphpred2-91036126806392 (READ-ONLY COPY).

The authoritative reference and input builder live on the scoring server;
editing this copy changes nothing except your own understanding.
"""

import jax, jax.numpy as jnp
import numpy as np

NUM_LAYER = 3
EMB = 128
EXT = 64
OUT = 128
B = 2
N = 10000
E = 160000
NODE_FEAT = 21


def gnn_forward(node_features, edge_attr, subject_features, W_in, b_in, W_ee, b_ee, W1, b1, gamma, beta, W2, b2, W_ext, b_ext, W_pred, b_pred, edge_index):
    h = node_features
    num_layer = W_ee.shape[0]
    Bn = node_features.shape[0]
    Nn = node_features.shape[1]
    for l in range(num_layer):
        edge_emb = edge_attr @ W_ee[l] + b_ee[l]
        if l == 0:
            x = h @ W_in + b_in
        else:
            x = h
        outs = []
        for i in range(Bn):
            src = edge_index[i, 0]
            dst = edge_index[i, 1]
            x_j = jnp.take(x[i], src, axis=0)
            msg = jnp.concatenate([x_j, edge_emb[i]], axis=1)
            aggr = jnp.zeros((Nn, msg.shape[1]), dtype=msg.dtype).at[dst].add(msg)
            t = aggr @ W1[l] + b1[l]
            mean = t.mean(axis=0)
            var = t.var(axis=0)
            t = (t - mean) / jnp.sqrt(var + 1e-5) * gamma[l] + beta[l]
            t = jax.nn.relu(t)
            t = t @ W2[l] + b2[l]
            outs.append(t)
        h_new = jnp.stack(outs)
        if l == num_layer - 1:
            h = h_new
        else:
            h = jax.nn.relu(h_new)
    pooled = h.mean(axis=1)
    ext_embedding = subject_features @ W_ext + b_ext
    new_pooled = jnp.concatenate([pooled, ext_embedding], axis=1)
    output = new_pooled @ W_pred + b_pred
    l1_loss = jnp.mean(jnp.abs(W_pred))
    return (output, l1_loss)


def setup_inputs(seed: int = 0) -> dict:
    key = jax.random.key(seed)
    ks = jax.random.split(key, 16)
    s = 0.05
    inp = {}
    inp['node_features'] = jax.random.normal(ks[0], (B, N, NODE_FEAT), dtype=jnp.float32)
    inp['edge_index'] = jax.random.randint(ks[1], (B, 2, E), 0, N, dtype=jnp.int32)
    inp['edge_attr'] = jax.random.uniform(ks[2], (B, E, 1), dtype=jnp.float32)
    inp['subject_features'] = jax.random.normal(ks[3], (B, EXT), dtype=jnp.float32)
    inp['W_in'] = jax.random.normal(ks[4], (NODE_FEAT, EMB), dtype=jnp.float32) * s
    inp['b_in'] = jnp.zeros((EMB,), dtype=jnp.float32)
    inp['W_ee'] = jax.random.normal(ks[5], (NUM_LAYER, 1, EMB), dtype=jnp.float32) * s
    inp['b_ee'] = jnp.zeros((NUM_LAYER, EMB), dtype=jnp.float32)
    inp['W1'] = jax.random.normal(ks[6], (NUM_LAYER, 2 * EMB, 2 * EMB), dtype=jnp.float32) * s
    inp['b1'] = jnp.zeros((NUM_LAYER, 2 * EMB), dtype=jnp.float32)
    inp['gamma'] = jnp.ones((NUM_LAYER, 2 * EMB), dtype=jnp.float32)
    inp['beta'] = jnp.zeros((NUM_LAYER, 2 * EMB), dtype=jnp.float32)
    inp['W2'] = jax.random.normal(ks[7], (NUM_LAYER, 2 * EMB, EMB), dtype=jnp.float32) * s
    inp['b2'] = jnp.zeros((NUM_LAYER, EMB), dtype=jnp.float32)
    inp['W_ext'] = jax.random.normal(ks[8], (EXT, EMB), dtype=jnp.float32) * s
    inp['b_ext'] = jnp.zeros((EMB,), dtype=jnp.float32)
    inp['W_pred'] = jax.random.normal(ks[9], (2 * EMB, OUT), dtype=jnp.float32) * s
    inp['b_pred'] = jnp.zeros((OUT,), dtype=jnp.float32)
    return inp


def reference(node_features, edge_index, edge_attr, subject_features, W_in, b_in, W_ee, b_ee, W1, b1, gamma, beta, W2, b2, W_ext, b_ext, W_pred, b_pred):
    return gnn_forward(node_features, edge_attr, subject_features, W_in, b_in, W_ee, b_ee, W1, b1, gamma, beta, W2, b2, W_ext, b_ext, W_pred, b_pred, edge_index)

if __name__ == "__main__":
    import jax
    _d = setup_inputs()
    print(jax.jit(kernel)(*tuple(_d.values())))

</pallas_src>

<mosaic_0001>
#map = affine_map<(d0, d1) -> (0, 0)>
#map1 = affine_map<(d0, d1) -> (0, 0, 0)>
module attributes {stable_mosaic.version = 14 : i64} {
  func.func @_gs_body(%arg0: i32, %arg1: i32, %arg2: memref<20480x128xf32, #tpu.memory_space<hbm>>, %arg3: memref<32x126x80xi32, #tpu.memory_space<hbm>>, %arg4: memref<32x125x80xi32, #tpu.memory_space<hbm>>, %arg5: memref<640x128xf32, #tpu.memory_space<hbm>>, %arg6: memref<20480x128xf32, #tpu.memory_space<hbm>>, %arg7: memref<80xi32, #tpu.memory_space<vmem>>, %arg8: memref<80xi32, #tpu.memory_space<vmem>>, %arg9: memref<125x80xi32, #tpu.memory_space<vmem>>, %arg10: memref<80x128xf32, #tpu.memory_space<vmem>>, %arg11: memref<80x128xf32, #tpu.memory_space<vmem>>, %arg12: memref<10240x128xf32, #tpu.memory_space<vmem_shared>>, %arg13: memref<!tpu.dma_semaphore, #tpu.memory_space<semaphore_mem>>, %arg14: memref<!tpu.dma_semaphore, #tpu.memory_space<semaphore_mem>>, %arg15: memref<!tpu.dma_semaphore, #tpu.memory_space<semaphore_mem>>, %arg16: memref<!tpu.dma_semaphore, #tpu.memory_space<semaphore_mem>>) attributes {dimension_semantics = [#tpu.dimension_semantics<core_parallel>, #tpu.dimension_semantics<subcore_parallel>], iteration_bounds = array<i64: 2, 16>, scalar_prefetch = 0 : i64, scratch_operands = 10 : i64, tpu.core_type = #tpu.core_type<sc_vector_subcore>, window_params = [{transform_indices = #map}, {transform_indices = #map1}, {transform_indices = #map1}, {transform_indices = #map}, {transform_indices = #map}]} {
    %mul3A = arith.constant 16 : i32
    %mul3A_0 = arith.muli %arg0, %mul3A : i32
    %add3A = arith.addi %mul3A_0, %arg1 : i32
    %mul3A_1 = arith.constant 640 : i32
    %mul3A_2 = arith.muli %arg1, %mul3A_1 : i32
    %dma_start3A = arith.constant 0 : i32
    %dma_start3A_3 = tpu.memref_slice %arg12[%mul3A_2, %dma_start3A] : memref<10240x128xf32, #tpu.memory_space<vmem_shared>> -> memref<640x128xf32, #tpu.memory_space<vmem_shared>>
    tpu.enqueue_dma source(%arg5 : memref<640x128xf32, #tpu.memory_space<hbm>>) target(%dma_start3A_3 : memref<640x128xf32, #tpu.memory_space<vmem_shared>>) target_semaphore(%arg16 : memref<!tpu.dma_semaphore, #tpu.memory_space<semaphore_mem>>)
    %dma_start3A_4 = arith.constant 0 : i32
    %dma_start3A_5 = arith.constant 0 : i32
    %dma_start3A_6 = tpu.memref_slice %arg3[%add3A, %dma_start3A_4, %dma_start3A_5] : memref<32x126x80xi32, #tpu.memory_space<hbm>> -> memref<1x1x80xi32, #tpu.memory_space<hbm>>
    %dma_start3A_7 = tpu.memref_squeeze %dma_start3A_6 : memref<1x1x80xi32, #tpu.memory_space<hbm>> -> memref<80xi32, #tpu.memory_space<hbm>>
    %dma_start3A_8 = arith.constant 0 : i32
    %dma_start3A_9 = tpu.memref_slice %arg3[%add3A, %dma_start3A_4, %dma_start3A_8] : memref<32x126x80xi32, #tpu.memory_space<hbm>> -> memref<1x1x80xi32, #tpu.memory_space<hbm>>
    %dma_start3A_10 = tpu.memref_squeeze %dma_start3A_9 : memref<1x1x80xi32, #tpu.memory_space<hbm>> -> memref<80xi32, #tpu.memory_space<hbm>>
    tpu.enqueue_dma source(%dma_start3A_10 : memref<80xi32, #tpu.memory_space<hbm>>) target(%arg7 : memref<80xi32, #tpu.memory_space<vmem>>) target_semaphore(%arg13 : memref<!tpu.dma_semaphore, #tpu.memory_space<semaphore_mem>>)
    %dma_start3A_11 = arith.constant 1 : i32
    %dma_start3A_12 = arith.constant 0 : i32
    %dma_start3A_13 = tpu.memref_slice %arg3[%add3A, %dma_start3A_11, %dma_start3A_12] : memref<32x126x80xi32, #tpu.memory_space<hbm>> -> memref<1x1x80xi32, #tpu.memory_space<hbm>>
    %dma_start3A_14 = tpu.memref_squeeze %dma_start3A_13 : memref<1x1x80xi32, #tpu.memory_space<hbm>> -> memref<80xi32, #tpu.memory_space<hbm>>
    %dma_start3A_15 = arith.constant 0 : i32
    %dma_start3A_16 = tpu.memref_slice %arg3[%add3A, %dma_start3A_11, %dma_start3A_15] : memref<32x126x80xi32, #tpu.memory_space<hbm>> -> memref<1x1x80xi32, #tpu.memory_space<hbm>>
    %dma_start3A_17 = tpu.memref_squeeze %dma_start3A_16 : memref<1x1x80xi32, #tpu.memory_space<hbm>> -> memref<80xi32, #tpu.memory_space<hbm>>
    tpu.enqueue_dma source(%dma_start3A_17 : memref<80xi32, #tpu.memory_space<hbm>>) target(%arg8 : memref<80xi32, #tpu.memory_space<vmem>>) target_semaphore(%arg14 : memref<!tpu.dma_semaphore, #tpu.memory_space<semaphore_mem>>)
    "tpu.region"() ({
      %run_scoped3A_54 = tpu.sem_alloc : memref<!tpu.dma_semaphore, #tpu.memory_space<semaphore_mem>>
      %dma_start3A_55 = arith.constant 0 : i32
      %dma_start3A_56 = arith.constant 0 : i32
      %dma_start3A_57 = tpu.memref_slice %arg4[%add3A, %dma_start3A_55, %dma_start3A_56] : memref<32x125x80xi32, #tpu.memory_space<hbm>> -> memref<1x125x80xi32, #tpu.memory_space<hbm>>
      %dma_start3A_58 = tpu.memref_squeeze %dma_start3A_57 : memref<1x125x80xi32, #tpu.memory_space<hbm>> -> memref<125x80xi32, #tpu.memory_space<hbm>>
      %dma_start3A_59 = arith.constant 0 : i32
      %dma_start3A_60 = arith.constant 0 : i32
      %dma_start3A_61 = tpu.memref_slice %arg4[%add3A, %dma_start3A_59, %dma_start3A_60] : memref<32x125x80xi32, #tpu.memory_space<hbm>> -> memref<1x125x80xi32, #tpu.memory_space<hbm>>
      %dma_start3A_62 = tpu.memref_squeeze %dma_start3A_61 : memref<1x125x80xi32, #tpu.memory_space<hbm>> -> memref<125x80xi32, #tpu.memory_space<hbm>>
      tpu.enqueue_dma source(%dma_start3A_62 : memref<125x80xi32, #tpu.memory_space<hbm>>) target(%arg9 : memref<125x80xi32, #tpu.memory_space<vmem>>) target_semaphore(%run_scoped3A_54 : memref<!tpu.dma_semaphore, #tpu.memory_space<semaphore_mem>>)
      %dma_wait3A_63 = arith.constant 0 : i32
      %dma_wait3A_64 = arith.constant 0 : i32
      %dma_wait3A_65 = tpu.memref_slice %arg4[%add3A, %dma_wait3A_63, %dma_wait3A_64] : memref<32x125x80xi32, #tpu.memory_space<hbm>> -> memref<1x125x80xi32, #tpu.memory_space<hbm>>
      %dma_wait3A_66 = tpu.memref_squeeze %dma_wait3A_65 : memref<1x125x80xi32, #tpu.memory_space<hbm>> -> memref<125x80xi32, #tpu.memory_space<hbm>>
      %dma_wait3A_67 = arith.constant 0 : i32
      %dma_wait3A_68 = arith.constant 0 : i32
      %dma_wait3A_69 = tpu.memref_slice %arg4[%add3A, %dma_wait3A_67, %dma_wait3A_68] : memref<32x125x80xi32, #tpu.memory_space<hbm>> -> memref<1x125x80xi32, #tpu.memory_space<hbm>>
      %dma_wait3A_70 = tpu.memref_squeeze %dma_wait3A_69 : memref<1x125x80xi32, #tpu.memory_space<hbm>> -> memref<125x80xi32, #tpu.memory_space<hbm>>
      tpu.wait_dma2 semaphore(%run_scoped3A_54 : memref<!tpu.dma_semaphore, #tpu.memory_space<semaphore_mem>>) src(%dma_wait3A_70 : memref<125x80xi32, #tpu.memory_space<hbm>>) dst(%arg9 : memref<125x80xi32, #tpu.memory_space<vmem>>)
      tpu.yield
    }) : () -> ()
    %mul3A_18 = arith.constant 640 : i32
    %mul3A_19 = arith.muli %arg1, %mul3A_18 : i32
    %dma_wait3A = arith.constant 0 : i32
    %dma_wait3A_20 = tpu.memref_slice %arg12[%mul3A_19, %dma_wait3A] : memref<10240x128xf32, #tpu.memory_space<vmem_shared>> -> memref<640x128xf32, #tpu.memory_space<vmem_shared>>
    tpu.wait_dma2 semaphore(%arg16 : memref<!tpu.dma_semaphore, #tpu.memory_space<semaphore_mem>>) src(%arg5 : memref<640x128xf32, #tpu.memory_space<hbm>>) dst(%dma_wait3A_20 : memref<640x128xf32, #tpu.memory_space<vmem_shared>>)
    %dma_wait3A_21 = arith.constant 0 : i32
    %dma_wait3A_22 = arith.constant 0 : i32
    %dma_wait3A_23 = tpu.memref_slice %arg3[%add3A, %dma_wait3A_21, %dma_wait3A_22] : memref<32x126x80xi32, #tpu.memory_space<hbm>> -> memref<1x1x80xi32, #tpu.memory_space<hbm>>
    %dma_wait3A_24 = tpu.memref_squeeze %dma_wait3A_23 : memref<1x1x80xi32, #tpu.memory_space<hbm>> -> memref<80xi32, #tpu.memory_space<hbm>>
    %dma_wait3A_25 = arith.constant 0 : i32
    %dma_wait3A_26 = tpu.memref_slice %arg3[%add3A, %dma_wait3A_21, %dma_wait3A_25] : memref<32x126x80xi32, #tpu.memory_space<hbm>> -> memref<1x1x80xi32, #tpu.memory_space<hbm>>
    %dma_wait3A_27 = tpu.memref_squeeze %dma_wait3A_26 : memref<1x1x80xi32, #tpu.memory_space<hbm>> -> memref<80xi32, #tpu.memory_space<hbm>>
    tpu.wait_dma2 semaphore(%arg13 : memref<!tpu.dma_semaphore, #tpu.memory_space<semaphore_mem>>) src(%dma_wait3A_27 : memref<80xi32, #tpu.memory_space<hbm>>) dst(%arg7 : memref<80xi32, #tpu.memory_space<vmem>>)
    %dma_wait3A_28 = arith.constant 1 : i32
    %dma_wait3A_29 = arith.constant 0 : i32
    %dma_wait3A_30 = tpu.memref_slice %arg3[%add3A, %dma_wait3A_28, %dma_wait3A_29] : memref<32x126x80xi32, #tpu.memory_space<hbm>> -> memref<1x1x80xi32, #tpu.memory_space<hbm>>
    %dma_wait3A_31 = tpu.memref_squeeze %dma_wait3A_30 : memref<1x1x80xi32, #tpu.memory_space<hbm>> -> memref<80xi32, #tpu.memory_space<hbm>>
    %dma_wait3A_32 = arith.constant 0 : i32
    %dma_wait3A_33 = tpu.memref_slice %arg3[%add3A, %dma_wait3A_28, %dma_wait3A_32] : memref<32x126x80xi32, #tpu.memory_space<hbm>> -> memref<1x1x80xi32, #tpu.memory_space<hbm>>
    %dma_wait3A_34 = tpu.memref_squeeze %dma_wait3A_33 : memref<1x1x80xi32, #tpu.memory_space<hbm>> -> memref<80xi32, #tpu.memory_space<hbm>>
    tpu.wait_dma2 semaphore(%arg14 : memref<!tpu.dma_semaphore, #tpu.memory_space<semaphore_mem>>) src(%dma_wait3A_34 : memref<80xi32, #tpu.memory_space<hbm>>) dst(%arg8 : memref<80xi32, #tpu.memory_space<vmem>>)
    %dma_start3A_35 = arith.constant 0 : i32
    %dma_start3A_36 = arith.constant 0 : i32
    %dma_start3A_37 = tpu.memref_slice %arg2[%dma_start3A_35, %dma_start3A_36] : memref<20480x128xf32, #tpu.memory_space<hbm>> -> memref<20480x128xf32, #tpu.memory_space<hbm>>
    tpu.enqueue_indirect_dma source(%dma_start3A_37 : memref<20480x128xf32, #tpu.memory_space<hbm>>) target(%arg10 : memref<80x128xf32, #tpu.memory_space<vmem>>) offsets(%arg7 : memref<80xi32, #tpu.memory_space<vmem>>) semaphore(%arg15 : memref<!tpu.dma_semaphore, #tpu.memory_space<semaphore_mem>>)
    %barrier3A = arith.constant 0 : index
    tpu.barrier barrier_id(%barrier3A)
    %scan3A = arith.constant 0 : i32
    %scan3A_38 = arith.constant 0 : i32
    %scan3A_39 = arith.constant 62 : i32
    %scan3A_40 = arith.addi %scan3A_38, %scan3A_39 : i32
    %scan3A_41 = arith.constant 1 : i32
    scf.for %scan3A_54 = %scan3A_38 to %scan3A_40 step %scan3A_41  : i32 {
      %dma_wait3A_55 = arith.constant 0 : i32
      %dma_wait3A_56 = arith.constant 0 : i32
      %dma_wait3A_57 = tpu.memref_slice %arg2[%dma_wait3A_55, %dma_wait3A_56] : memref<20480x128xf32, #tpu.memory_space<hbm>> -> memref<20480x128xf32, #tpu.memory_space<hbm>>
      tpu.wait_indirect_dma semaphore(%arg15 : memref<!tpu.dma_semaphore, #tpu.memory_space<semaphore_mem>>) src(%dma_wait3A_57 : memref<20480x128xf32, #tpu.memory_space<hbm>>) dst(%arg10 : memref<80x128xf32, #tpu.memory_space<vmem>>)
      %mul3A_58 = arith.constant 2 : i32
      %mul3A_59 = arith.muli %mul3A_58, %scan3A_54 : i32
      %add3A_60 = arith.constant 2 : i32
      %add3A_61 = arith.addi %mul3A_59, %add3A_60 : i32
      %dma_start3A_62 = arith.constant 0 : i32
      %dma_start3A_63 = tpu.memref_slice %arg3[%add3A, %add3A_61, %dma_start3A_62] : memref<32x126x80xi32, #tpu.memory_space<hbm>> -> memref<1x1x80xi32, #tpu.memory_space<hbm>>
      %dma_start3A_64 = tpu.memref_squeeze %dma_start3A_63 : memref<1x1x80xi32, #tpu.memory_space<hbm>> -> memref<80xi32, #tpu.memory_space<hbm>>
      %dma_start3A_65 = arith.constant 0 : i32
      %dma_start3A_66 = tpu.memref_slice %arg3[%add3A, %add3A_61, %dma_start3A_65] : memref<32x126x80xi32, #tpu.memory_space<hbm>> -> memref<1x1x80xi32, #tpu.memory_space<hbm>>
      %dma_start3A_67 = tpu.memref_squeeze %dma_start3A_66 : memref<1x1x80xi32, #tpu.memory_space<hbm>> -> memref<80xi32, #tpu.memory_space<hbm>>
      tpu.enqueue_dma source(%dma_start3A_67 : memref<80xi32, #tpu.memory_space<hbm>>) target(%arg7 : memref<80xi32, #tpu.memory_space<vmem>>) target_semaphore(%arg13 : memref<!tpu.dma_semaphore, #tpu.memory_space<semaphore_mem>>)
      %dma_start3A_68 = arith.constant 0 : i32
      %dma_start3A_69 = arith.constant 0 : i32
      %dma_start3A_70 = tpu.memref_slice %arg2[%dma_start3A_68, %dma_start3A_69] : memref<20480x128xf32, #tpu.memory_space<hbm>> -> memref<20480x128xf32, #tpu.memory_space<hbm>>
      tpu.enqueue_indirect_dma source(%dma_start3A_70 : memref<20480x128xf32, #tpu.memory_space<hbm>>) target(%arg11 : memref<80x128xf32, #tpu.memory_space<vmem>>) offsets(%arg8 : memref<80xi32, #tpu.memory_space<vmem>>) semaphore(%arg16 : memref<!tpu.dma_semaphore, #tpu.memory_space<semaphore_mem>>)
      %mul3A_71 = arith.constant 2 : i32
      %mul3A_72 = arith.muli %mul3A_71, %scan3A_54 : i32
      "tpu.region"() ({
        %run_scoped3A_107 = tpu.sem_alloc : memref<!tpu.dma_semaphore, #tpu.memory_space<semaphore_mem>>
        %dma_start3A_108 = arith.constant 0 : i32
        %dma_start3A_109 = tpu.memref_slice %arg9[%mul3A_72, %dma_start3A_108] : memref<125x80xi32, #tpu.memory_space<vmem>> -> memref<1x80xi32, #tpu.memory_space<vmem>>
        %dma_start3A_110 = tpu.memref_squeeze %dma_start3A_109 : memref<1x80xi32, #tpu.memory_space<vmem>> -> memref<80xi32, #tpu.memory_space<vmem>>
        %dma_start3A_111 = arith.constant 0 : i32
        %dma_start3A_112 = arith.constant 0 : i32
        %dma_start3A_113 = tpu.memref_slice %arg12[%dma_start3A_111, %dma_start3A_112] : memref<10240x128xf32, #tpu.memory_space<vmem_shared>> -> memref<10240x128xf32, #tpu.memory_space<vmem_shared>>
        tpu.enqueue_indirect_dma source(%arg10 : memref<80x128xf32, #tpu.memory_space<vmem>>) target(%dma_start3A_113 : memref<10240x128xf32, #tpu.memory_space<vmem_shared>>) offsets(%dma_start3A_110 : memref<80xi32, #tpu.memory_space<vmem>>) semaphore(%run_scoped3A_107 : memref<!tpu.dma_semaphore, #tpu.memory_space<semaphore_mem>>) {add = true}
        %dma_wait3A_114 = arith.constant 0 : i32
        %dma_wait3A_115 = tpu.memref_slice %arg9[%mul3A_72, %dma_wait3A_114] : memref<125x80xi32, #tpu.memory_space<vmem>> -> memref<1x80xi32, #tpu.memory_space<vmem>>
        %dma_wait3A_116 = tpu.memref_squeeze %dma_wait3A_115 : memref<1x80xi32, #tpu.memory_space<vmem>> -> memref<80xi32, #tpu.memory_space<vmem>>
        %dma_wait3A_117 = arith.constant 0 : i32
        %dma_wait3A_118 = arith.constant 0 : i32
        %dma_wait3A_119 = tpu.memref_slice %arg12[%dma_wait3A_117, %dma_wait3A_118] : memref<10240x128xf32, #tpu.memory_space<vmem_shared>> -> memref<10240x128xf32, #tpu.memory_space<vmem_shared>>
        tpu.wait_indirect_dma semaphore(%run_scoped3A_107 : memref<!tpu.dma_semaphore, #tpu.memory_space<semaphore_mem>>) src(%arg10 : memref<80x128xf32, #tpu.memory_space<vmem>>) dst(%dma_wait3A_119 : memref<10240x128xf32, #tpu.memory_space<vmem_shared>>)
        tpu.yield
      }) : () -> ()
      %dma_wait3A_73 = arith.constant 0 : i32
      %dma_wait3A_74 = arith.constant 0 : i32
      %dma_wait3A_75 = tpu.memref_slice %arg2[%dma_wait3A_73, %dma_wait3A_74] : memref<20480x128xf32, #tpu.memory_space<hbm>> -> memref<20480x128xf32, #tpu.memory_space<hbm>>
      tpu.wait_indirect_dma semaphore(%arg16 : memref<!tpu.dma_semaphore, #tpu.memory_space<semaphore_mem>>) src(%dma_wait3A_75 : memref<20480x128xf32, #tpu.memory_space<hbm>>) dst(%arg11 : memref<80x128xf32, #tpu.memory_space<vmem>>)
      %dma_wait3A_76 = arith.constant 0 : i32
      %dma_wait3A_77 = arith.constant 0 : i32
      %dma_wait3A_78 = tpu.memref_slice %arg3[%add3A, %dma_wait3A_76, %dma_wait3A_77] : memref<32x126x80xi32, #tpu.memory_space<hbm>> -> memref<1x1x80xi32, #tpu.memory_space<hbm>>
      %dma_wait3A_79 = tpu.memref_squeeze %dma_wait3A_78 : memref<1x1x80xi32, #tpu.memory_space<hbm>> -> memref<80xi32, #tpu.memory_space<hbm>>
      %dma_wait3A_80 = arith.constant 0 : i32
      %dma_wait3A_81 = tpu.memref_slice %arg3[%add3A, %dma_wait3A_76, %dma_wait3A_80] : memref<32x126x80xi32, #tpu.memory_space<hbm>> -> memref<1x1x80xi32, #tpu.memory_space<hbm>>
      %dma_wait3A_82 = tpu.memref_squeeze %dma_wait3A_81 : memref<1x1x80xi32, #tpu.memory_space<hbm>> -> memref<80xi32, #tpu.memory_space<hbm>>
      tpu.wait_dma2 semaphore(%arg13 : memref<!tpu.dma_semaphore, #tpu.memory_space<semaphore_mem>>) src(%dma_wait3A_82 : memref<80xi32, #tpu.memory_space<hbm>>) dst(%arg7 : memref<80xi32, #tpu.memory_space<vmem>>)
      %mul3A_83 = arith.constant 2 : i32
      %mul3A_84 = arith.muli %mul3A_83, %scan3A_54 : i32
      %add3A_85 = arith.constant 3 : i32
      %add3A_86 = arith.addi %mul3A_84, %add3A_85 : i32
      %dma_start3A_87 = arith.constant 0 : i32
      %dma_start3A_88 = tpu.memref_slice %arg3[%add3A, %add3A_86, %dma_start3A_87] : memref<32x126x80xi32, #tpu.memory_space<hbm>> -> memref<1x1x80xi32, #tpu.memory_space<hbm>>
      %dma_start3A_89 = tpu.memref_squeeze %dma_start3A_88 : memref<1x1x80xi32, #tpu.memory_space<hbm>> -> memref<80xi32, #tpu.memory_space<hbm>>
      %dma_start3A_90 = arith.constant 0 : i32
      %dma_start3A_91 = tpu.memref_slice %arg3[%add3A, %add3A_86, %dma_start3A_90] : memref<32x126x80xi32, #tpu.memory_space<hbm>> -> memref<1x1x80xi32, #tpu.memory_space<hbm>>
      %dma_start3A_92 = tpu.memref_squeeze %dma_start3A_91 : memref<1x1x80xi32, #tpu.memory_space<hbm>> -> memref<80xi32, #tpu.memory_space<hbm>>
      tpu.enqueue_dma source(%dma_start3A_92 : memref<80xi32, #tpu.memory_space<hbm>>) target(%arg8 : memref<80xi32, #tpu.memory_space<vmem>>) target_semaphore(%arg14 : memref<!tpu.dma_semaphore, #tpu.memory_space<semaphore_mem>>)
      %dma_start3A_93 = arith.constant 0 : i32
      %dma_start3A_94 = arith.constant 0 : i32
      %dma_start3A_95 = tpu.memref_slice %arg2[%dma_start3A_93, %dma_start3A_94] : memref<20480x128xf32, #tpu.memory_space<hbm>> -> memref<20480x128xf32, #tpu.memory_space<hbm>>
      tpu.enqueue_indirect_dma source(%dma_start3A_95 : memref<20480x128xf32, #tpu.memory_space<hbm>>) target(%arg10 : memref<80x128xf32, #tpu.memory_space<vmem>>) offsets(%arg7 : memref<80xi32, #tpu.memory_space<vmem>>) semaphore(%arg15 : memref<!tpu.dma_semaphore, #tpu.memory_space<semaphore_mem>>)
      %mul3A_96 = arith.constant 2 : i32
      %mul3A_97 = arith.muli %mul3A_96, %scan3A_54 : i32
      %add3A_98 = arith.constant 1 : i32
      %add3A_99 = arith.addi %mul3A_97, %add3A_98 : i32
      "tpu.region"() ({
        %run_scoped3A_107 = tpu.sem_alloc : memref<!tpu.dma_semaphore, #tpu.memory_space<semaphore_mem>>
        %dma_start3A_108 = arith.constant 0 : i32
        %dma_start3A_109 = tpu.memref_slice %arg9[%add3A_99, %dma_start3A_108] : memref<125x80xi32, #tpu.memory_space<vmem>> -> memref<1x80xi32, #tpu.memory_space<vmem>>
        %dma_start3A_110 = tpu.memref_squeeze %dma_start3A_109 : memref<1x80xi32, #tpu.memory_space<vmem>> -> memref<80xi32, #tpu.memory_space<vmem>>
        %dma_start3A_111 = arith.constant 0 : i32
        %dma_start3A_112 = arith.constant 0 : i32
        %dma_start3A_113 = tpu.memref_slice %arg12[%dma_start3A_111, %dma_start3A_112] : memref<10240x128xf32, #tpu.memory_space<vmem_shared>> -> memref<10240x128xf32, #tpu.memory_space<vmem_shared>>
        tpu.enqueue_indirect_dma source(%arg11 : memref<80x128xf32, #tpu.memory_space<vmem>>) target(%dma_start3A_113 : memref<10240x128xf32, #tpu.memory_space<vmem_shared>>) offsets(%dma_start3A_110 : memref<80xi32, #tpu.memory_space<vmem>>) semaphore(%run_scoped3A_107 : memref<!tpu.dma_semaphore, #tpu.memory_space<semaphore_mem>>) {add = true}
        %dma_wait3A_114 = arith.constant 0 : i32
        %dma_wait3A_115 = tpu.memref_slice %arg9[%add3A_99, %dma_wait3A_114] : memref<125x80xi32, #tpu.memory_space<vmem>> -> memref<1x80xi32, #tpu.memory_space<vmem>>
        %dma_wait3A_116 = tpu.memref_squeeze %dma_wait3A_115 : memref<1x80xi32, #tpu.memory_space<vmem>> -> memref<80xi32, #tpu.memory_space<vmem>>
        %dma_wait3A_117 = arith.constant 0 : i32
        %dma_wait3A_118 = arith.constant 0 : i32
        %dma_wait3A_119 = tpu.memref_slice %arg12[%dma_wait3A_117, %dma_wait3A_118] : memref<10240x128xf32, #tpu.memory_space<vmem_shared>> -> memref<10240x128xf32, #tpu.memory_space<vmem_shared>>
        tpu.wait_indirect_dma semaphore(%run_scoped3A_107 : memref<!tpu.dma_semaphore, #tpu.memory_space<semaphore_mem>>) src(%arg11 : memref<80x128xf32, #tpu.memory_space<vmem>>) dst(%dma_wait3A_119 : memref<10240x128xf32, #tpu.memory_space<vmem_shared>>)
        tpu.yield
      }) : () -> ()
      %dma_wait3A_100 = arith.constant 0 : i32
      %dma_wait3A_101 = arith.constant 0 : i32
      %dma_wait3A_102 = tpu.memref_slice %arg3[%add3A, %dma_wait3A_100, %dma_wait3A_101] : memref<32x126x80xi32, #tpu.memory_space<hbm>> -> memref<1x1x80xi32, #tpu.memory_space<hbm>>
      %dma_wait3A_103 = tpu.memref_squeeze %dma_wait3A_102 : memref<1x1x80xi32, #tpu.memory_space<hbm>> -> memref<80xi32, #tpu.memory_space<hbm>>
      %dma_wait3A_104 = arith.constant 0 : i32
      %dma_wait3A_105 = tpu.memref_slice %arg3[%add3A, %dma_wait3A_100, %dma_wait3A_104] : memref<32x126x80xi32, #tpu.memory_space<hbm>> -> memref<1x1x80xi32, #tpu.memory_space<hbm>>
      %dma_wait3A_106 = tpu.memref_squeeze %dma_wait3A_105 : memref<1x1x80xi32, #tpu.memory_space<hbm>> -> memref<80xi32, #tpu.memory_space<hbm>>
      tpu.wait_dma2 semaphore(%arg14 : memref<!tpu.dma_semaphore, #tpu.memory_space<semaphore_mem>>) src(%dma_wait3A_106 : memref<80xi32, #tpu.memory_space<hbm>>) dst(%arg8 : memref<80xi32, #tpu.memory_space<vmem>>)
    }
    %scan3A_42 = arith.constant 62 : i32
    %dma_wait3A_43 = arith.constant 0 : i32
    %dma_wait3A_44 = arith.constant 0 : i32
    %dma_wait3A_45 = tpu.memref_slice %arg2[%dma_wait3A_43, %dma_wait3A_44] : memref<20480x128xf32, #tpu.memory_space<hbm>> -> memref<20480x128xf32, #tpu.memory_space<hbm>>
    tpu.wait_indirect_dma semaphore(%arg15 : memref<!tpu.dma_semaphore, #tpu.memory_space<semaphore_mem>>) src(%dma_wait3A_45 : memref<20480x128xf32, #tpu.memory_space<hbm>>) dst(%arg10 : memref<80x128xf32, #tpu.memory_space<vmem>>)
    %run_scoped3A = arith.constant 124 : i32
    "tpu.region"() ({
      %run_scoped3A_54 = tpu.sem_alloc : memref<!tpu.dma_semaphore, #tpu.memory_space<semaphore_mem>>
      %dma_start3A_55 = arith.constant 0 : i32
      %dma_start3A_56 = tpu.memref_slice %arg9[%run_scoped3A, %dma_start3A_55] : memref<125x80xi32, #tpu.memory_space<vmem>> -> memref<1x80xi32, #tpu.memory_space<vmem>>
      %dma_start3A_57 = tpu.memref_squeeze %dma_start3A_56 : memref<1x80xi32, #tpu.memory_space<vmem>> -> memref<80xi32, #tpu.memory_space<vmem>>
      %dma_start3A_58 = arith.constant 0 : i32
      %dma_start3A_59 = arith.constant 0 : i32
      %dma_start3A_60 = tpu.memref_slice %arg12[%dma_start3A_58, %dma_start3A_59] : memref<10240x128xf32, #tpu.memory_space<vmem_shared>> -> memref<10240x128xf32, #tpu.memory_space<vmem_shared>>
      tpu.enqueue_indirect_dma source(%arg10 : memref<80x128xf32, #tpu.memory_space<vmem>>) target(%dma_start3A_60 : memref<10240x128xf32, #tpu.memory_space<vmem_shared>>) offsets(%dma_start3A_57 : memref<80xi32, #tpu.memory_space<vmem>>) semaphore(%run_scoped3A_54 : memref<!tpu.dma_semaphore, #tpu.memory_space<semaphore_mem>>) {add = true}
      %dma_wait3A_61 = arith.constant 0 : i32
      %dma_wait3A_62 = tpu.memref_slice %arg9[%run_scoped3A, %dma_wait3A_61] : memref<125x80xi32, #tpu.memory_space<vmem>> -> memref<1x80xi32, #tpu.memory_space<vmem>>
      %dma_wait3A_63 = tpu.memref_squeeze %dma_wait3A_62 : memref<1x80xi32, #tpu.memory_space<vmem>> -> memref<80xi32, #tpu.memory_space<vmem>>
      %dma_wait3A_64 = arith.constant 0 : i32
      %dma_wait3A_65 = arith.constant 0 : i32
      %dma_wait3A_66 = tpu.memref_slice %arg12[%dma_wait3A_64, %dma_wait3A_65] : memref<10240x128xf32, #tpu.memory_space<vmem_shared>> -> memref<10240x128xf32, #tpu.memory_space<vmem_shared>>
      tpu.wait_indirect_dma semaphore(%run_scoped3A_54 : memref<!tpu.dma_semaphore, #tpu.memory_space<semaphore_mem>>) src(%arg10 : memref<80x128xf32, #tpu.memory_space<vmem>>) dst(%dma_wait3A_66 : memref<10240x128xf32, #tpu.memory_space<vmem_shared>>)
      tpu.yield
    }) : () -> ()
    %barrier3A_46 = arith.constant 0 : index
    tpu.barrier barrier_id(%barrier3A_46)
    %mul3A_47 = arith.constant 640 : i32
    %mul3A_48 = arith.muli %arg1, %mul3A_47 : i32
    %mul3A_49 = arith.constant 10240 : i32
    %mul3A_50 = arith.muli %arg0, %mul3A_49 : i32
    %mul3A_51 = arith.constant 640 : i32
    %mul3A_52 = arith.muli %arg1, %mul3A_51 : i32
    %add3A_53 = arith.addi %mul3A_50, %mul3A_52 : i32
    "tpu.region"() ({
      %run_scoped3A_54 = tpu.sem_alloc : memref<!tpu.dma_semaphore, #tpu.memory_space<semaphore_mem>>
      %dma_start3A_55 = arith.constant 0 : i32
      %dma_start3A_56 = tpu.memref_slice %arg6[%add3A_53, %dma_start3A_55] : memref<20480x128xf32, #tpu.memory_space<hbm>> -> memref<640x128xf32, #tpu.memory_space<hbm>>
      %dma_start3A_57 = arith.constant 0 : i32
      %dma_start3A_58 = tpu.memref_slice %arg12[%mul3A_48, %dma_start3A_57] : memref<10240x128xf32, #tpu.memory_space<vmem_shared>> -> memref<640x128xf32, #tpu.memory_space<vmem_shared>>
      tpu.enqueue_dma source(%dma_start3A_58 : memref<640x128xf32, #tpu.memory_space<vmem_shared>>) target(%dma_start3A_56 : memref<640x128xf32, #tpu.memory_space<hbm>>) target_semaphore(%run_scoped3A_54 : memref<!tpu.dma_semaphore, #tpu.memory_space<semaphore_mem>>)
      %dma_wait3A_59 = arith.constant 0 : i32
      %dma_wait3A_60 = tpu.memref_slice %arg6[%add3A_53, %dma_wait3A_59] : memref<20480x128xf32, #tpu.memory_space<hbm>> -> memref<640x128xf32, #tpu.memory_space<hbm>>
      %dma_wait3A_61 = arith.constant 0 : i32
      %dma_wait3A_62 = tpu.memref_slice %arg12[%mul3A_48, %dma_wait3A_61] : memref<10240x128xf32, #tpu.memory_space<vmem_shared>> -> memref<640x128xf32, #tpu.memory_space<vmem_shared>>
      tpu.wait_dma2 semaphore(%run_scoped3A_54 : memref<!tpu.dma_semaphore, #tpu.memory_space<semaphore_mem>>) src(%dma_wait3A_62 : memref<640x128xf32, #tpu.memory_space<vmem_shared>>) dst(%dma_wait3A_60 : memref<640x128xf32, #tpu.memory_space<hbm>>)
      tpu.yield
    }) : () -> ()
    return
  }
}

#map = affine_map<(d0, d1) -> (0, 0)>
#map1 = affine_map<(d0, d1) -> (0, 0, 0)>
module attributes {stable_mosaic.version = 14 : i64} {
  func.func @_gs_body(%arg0: i32, %arg1: i32, %arg2: memref<20480x128xf32, #tpu.memory_space<hbm>>, %arg3: memref<32x126x80xi32, #tpu.memory_space<hbm>>, %arg4: memref<32x125x80xi32, #tpu.memory_space<hbm>>, %arg5: memref<640x128xf32, #tpu.memory_space<hbm>>, %arg6: memref<20480x128xf32, #tpu.memory_space<hbm>>, %arg7: memref<80xi32, #tpu.memory_space<vmem>>, %arg8: memref<80xi32, #tpu.memory_space<vmem>>, %arg9: memref<125x80xi32, #tpu.memory_space<vmem>>, %arg10: memref<80x128xf32, #tpu.memory_space<vmem>>, %arg11: memref<80x128xf32, #tpu.memory_space<vmem>>, %arg12: memref<10240x128xf32, #tpu.memory_space<vmem_shared>>, %arg13: memref<!tpu.dma_semaphore, #tpu.memory_space<semaphore_mem>>, %arg14: memref<!tpu.dma_semaphore, #tpu.memory_space<semaphore_mem>>, %arg15: memref<!tpu.dma_semaphore, #tpu.memory_space<semaphore_mem>>, %arg16: memref<!tpu.dma_semaphore, #tpu.memory_space<semaphore_mem>>) attributes {dimension_semantics = [#tpu.dimension_semantics<core_parallel>, #tpu.dimension_semantics<subcore_parallel>], iteration_bounds = array<i64: 2, 16>, scalar_prefetch = 0 : i64, scratch_operands = 10 : i64, tpu.core_type = #tpu.core_type<sc_vector_subcore>, window_params = [{transform_indices = #map}, {transform_indices = #map1}, {transform_indices = #map1}, {transform_indices = #map}, {transform_indices = #map}]} {
    %mul3A = arith.constant 16 : i32
    %mul3A_0 = arith.muli %arg0, %mul3A : i32
    %add3A = arith.addi %mul3A_0, %arg1 : i32
    %mul3A_1 = arith.constant 640 : i32
    %mul3A_2 = arith.muli %arg1, %mul3A_1 : i32
    %dma_start3A = arith.constant 0 : i32
    %dma_start3A_3 = tpu.memref_slice %arg12[%mul3A_2, %dma_start3A] : memref<10240x128xf32, #tpu.memory_space<vmem_shared>> -> memref<640x128xf32, #tpu.memory_space<vmem_shared>>
    tpu.enqueue_dma source(%arg5 : memref<640x128xf32, #tpu.memory_space<hbm>>) target(%dma_start3A_3 : memref<640x128xf32, #tpu.memory_space<vmem_shared>>) target_semaphore(%arg16 : memref<!tpu.dma_semaphore, #tpu.memory_space<semaphore_mem>>)
    %dma_start3A_4 = arith.constant 0 : i32
    %dma_start3A_5 = arith.constant 0 : i32
    %dma_start3A_6 = tpu.memref_slice %arg3[%add3A, %dma_start3A_4, %dma_start3A_5] : memref<32x126x80xi32, #tpu.memory_space<hbm>> -> memref<1x1x80xi32, #tpu.memory_space<hbm>>
    %dma_start3A_7 = tpu.memref_squeeze %dma_start3A_6 : memref<1x1x80xi32, #tpu.memory_space<hbm>> -> memref<80xi32, #tpu.memory_space<hbm>>
    %dma_start3A_8 = arith.constant 0 : i32
    %dma_start3A_9 = tpu.memref_slice %arg3[%add3A, %dma_start3A_4, %dma_start3A_8] : memref<32x126x80xi32, #tpu.memory_space<hbm>> -> memref<1x1x80xi32, #tpu.memory_space<hbm>>
    %dma_start3A_10 = tpu.memref_squeeze %dma_start3A_9 : memref<1x1x80xi32, #tpu.memory_space<hbm>> -> memref<80xi32, #tpu.memory_space<hbm>>
    tpu.enqueue_dma source(%dma_start3A_10 : memref<80xi32, #tpu.memory_space<hbm>>) target(%arg7 : memref<80xi32, #tpu.memory_space<vmem>>) target_semaphore(%arg13 : memref<!tpu.dma_semaphore, #tpu.memory_space<semaphore_mem>>)
    %dma_start3A_11 = arith.constant 1 : i32
    %dma_start3A_12 = arith.constant 0 : i32
    %dma_start3A_13 = tpu.memref_slice %arg3[%add3A, %dma_start3A_11, %dma_start3A_12] : memref<32x126x80xi32, #tpu.memory_space<hbm>> -> memref<1x1x80xi32, #tpu.memory_space<hbm>>
    %dma_start3A_14 = tpu.memref_squeeze %dma_start3A_13 : memref<1x1x80xi32, #tpu.memory_space<hbm>> -> memref<80xi32, #tpu.memory_space<hbm>>
    %dma_start3A_15 = arith.constant 0 : i32
    %dma_start3A_16 = tpu.memref_slice %arg3[%add3A, %dma_start3A_11, %dma_start3A_15] : memref<32x126x80xi32, #tpu.memory_space<hbm>> -> memref<1x1x80xi32, #tpu.memory_space<hbm>>
    %dma_start3A_17 = tpu.memref_squeeze %dma_start3A_16 : memref<1x1x80xi32, #tpu.memory_space<hbm>> -> memref<80xi32, #tpu.memory_space<hbm>>
    tpu.enqueue_dma source(%dma_start3A_17 : memref<80xi32, #tpu.memory_space<hbm>>) target(%arg8 : memref<80xi32, #tpu.memory_space<vmem>>) target_semaphore(%arg14 : memref<!tpu.dma_semaphore, #tpu.memory_space<semaphore_mem>>)
    "tpu.region"() ({
      %run_scoped3A_54 = tpu.sem_alloc : memref<!tpu.dma_semaphore, #tpu.memory_space<semaphore_mem>>
      %dma_start3A_55 = arith.constant 0 : i32
      %dma_start3A_56 = arith.constant 0 : i32
      %dma_start3A_57 = tpu.memref_slice %arg4[%add3A, %dma_start3A_55, %dma_start3A_56] : memref<32x125x80xi32, #tpu.memory_space<hbm>> -> memref<1x125x80xi32, #tpu.memory_space<hbm>>
      %dma_start3A_58 = tpu.memref_squeeze %dma_start3A_57 : memref<1x125x80xi32, #tpu.memory_space<hbm>> -> memref<125x80xi32, #tpu.memory_space<hbm>>
      %dma_start3A_59 = arith.constant 0 : i32
      %dma_start3A_60 = arith.constant 0 : i32
      %dma_start3A_61 = tpu.memref_slice %arg4[%add3A, %dma_start3A_59, %dma_start3A_60] : memref<32x125x80xi32, #tpu.memory_space<hbm>> -> memref<1x125x80xi32, #tpu.memory_space<hbm>>
      %dma_start3A_62 = tpu.memref_squeeze %dma_start3A_61 : memref<1x125x80xi32, #tpu.memory_space<hbm>> -> memref<125x80xi32, #tpu.memory_space<hbm>>
      tpu.enqueue_dma source(%dma_start3A_62 : memref<125x80xi32, #tpu.memory_space<hbm>>) target(%arg9 : memref<125x80xi32, #tpu.memory_space<vmem>>) target_semaphore(%run_scoped3A_54 : memref<!tpu.dma_semaphore, #tpu.memory_space<semaphore_mem>>)
      %dma_wait3A_63 = arith.constant 0 : i32
      %dma_wait3A_64 = arith.constant 0 : i32
      %dma_wait3A_65 = tpu.memref_slice %arg4[%add3A, %dma_wait3A_63, %dma_wait3A_64] : memref<32x125x80xi32, #tpu.memory_space<hbm>> -> memref<1x125x80xi32, #tpu.memory_space<hbm>>
      %dma_wait3A_66 = tpu.memref_squeeze %dma_wait3A_65 : memref<1x125x80xi32, #tpu.memory_space<hbm>> -> memref<125x80xi32, #tpu.memory_space<hbm>>
      %dma_wait3A_67 = arith.constant 0 : i32
      %dma_wait3A_68 = arith.constant 0 : i32
      %dma_wait3A_69 = tpu.memref_slice %arg4[%add3A, %dma_wait3A_67, %dma_wait3A_68] : memref<32x125x80xi32, #tpu.memory_space<hbm>> -> memref<1x125x80xi32, #tpu.memory_space<hbm>>
      %dma_wait3A_70 = tpu.memref_squeeze %dma_wait3A_69 : memref<1x125x80xi32, #tpu.memory_space<hbm>> -> memref<125x80xi32, #tpu.memory_space<hbm>>
      tpu.wait_dma2 semaphore(%run_scoped3A_54 : memref<!tpu.dma_semaphore, #tpu.memory_space<semaphore_mem>>) src(%dma_wait3A_70 : memref<125x80xi32, #tpu.memory_space<hbm>>) dst(%arg9 : memref<125x80xi32, #tpu.memory_space<vmem>>)
      tpu.yield
    }) : () -> ()
    %mul3A_18 = arith.constant 640 : i32
    %mul3A_19 = arith.muli %arg1, %mul3A_18 : i32
    %dma_wait3A = arith.constant 0 : i32
    %dma_wait3A_20 = tpu.memref_slice %arg12[%mul3A_19, %dma_wait3A] : memref<10240x128xf32, #tpu.memory_space<vmem_shared>> -> memref<640x128xf32, #tpu.memory_space<vmem_shared>>
    tpu.wait_dma2 semaphore(%arg16 : memref<!tpu.dma_semaphore, #tpu.memory_space<semaphore_mem>>) src(%arg5 : memref<640x128xf32, #tpu.memory_space<hbm>>) dst(%dma_wait3A_20 : memref<640x128xf32, #tpu.memory_space<vmem_shared>>)
    %dma_wait3A_21 = arith.constant 0 : i32
    %dma_wait3A_22 = arith.constant 0 : i32
    %dma_wait3A_23 = tpu.memref_slice %arg3[%add3A, %dma_wait3A_21, %dma_wait3A_22] : memref<32x126x80xi32, #tpu.memory_space<hbm>> -> memref<1x1x80xi32, #tpu.memory_space<hbm>>
    %dma_wait3A_24 = tpu.memref_squeeze %dma_wait3A_23 : memref<1x1x80xi32, #tpu.memory_space<hbm>> -> memref<80xi32, #tpu.memory_space<hbm>>
    %dma_wait3A_25 = arith.constant 0 : i32
    %dma_wait3A_26 = tpu.memref_slice %arg3[%add3A, %dma_wait3A_21, %dma_wait3A_25] : memref<32x126x80xi32, #tpu.memory_space<hbm>> -> memref<1x1x80xi32, #tpu.memory_space<hbm>>
    %dma_wait3A_27 = tpu.memref_squeeze %dma_wait3A_26 : memref<1x1x80xi32, #tpu.memory_space<hbm>> -> memref<80xi32, #tpu.memory_space<hbm>>
    tpu.wait_dma2 semaphore(%arg13 : memref<!tpu.dma_semaphore, #tpu.memory_space<semaphore_mem>>) src(%dma_wait3A_27 : memref<80xi32, #tpu.memory_space<hbm>>) dst(%arg7 : memref<80xi32, #tpu.memory_space<vmem>>)
    %dma_wait3A_28 = arith.constant 1 : i32
    %dma_wait3A_29 = arith.constant 0 : i32
    %dma_wait3A_30 = tpu.memref_slice %arg3[%add3A, %dma_wait3A_28, %dma_wait3A_29] : memref<32x126x80xi32, #tpu.memory_space<hbm>> -> memref<1x1x80xi32, #tpu.memory_space<hbm>>
    %dma_wait3A_31 = tpu.memref_squeeze %dma_wait3A_30 : memref<1x1x80xi32, #tpu.memory_space<hbm>> -> memref<80xi32, #tpu.memory_space<hbm>>
    %dma_wait3A_32 = arith.constant 0 : i32
    %dma_wait3A_33 = tpu.memref_slice %arg3[%add3A, %dma_wait3A_28, %dma_wait3A_32] : memref<32x126x80xi32, #tpu.memory_space<hbm>> -> memref<1x1x80xi32, #tpu.memory_space<hbm>>
    %dma_wait3A_34 = tpu.memref_squeeze %dma_wait3A_33 : memref<1x1x80xi32, #tpu.memory_space<hbm>> -> memref<80xi32, #tpu.memory_space<hbm>>
    tpu.wait_dma2 semaphore(%arg14 : memref<!tpu.dma_semaphore, #tpu.memory_space<semaphore_mem>>) src(%dma_wait3A_34 : memref<80xi32, #tpu.memory_space<hbm>>) dst(%arg8 : memref<80xi32, #tpu.memory_space<vmem>>)
    %dma_start3A_35 = arith.constant 0 : i32
    %dma_start3A_36 = arith.constant 0 : i32
    %dma_start3A_37 = tpu.memref_slice %arg2[%dma_start3A_35, %dma_start3A_36] : memref<20480x128xf32, #tpu.memory_space<hbm>> -> memref<20480x128xf32, #tpu.memory_space<hbm>>
    tpu.enqueue_indirect_dma source(%dma_start3A_37 : memref<20480x128xf32, #tpu.memory_space<hbm>>) target(%arg10 : memref<80x128xf32, #tpu.memory_space<vmem>>) offsets(%arg7 : memref<80xi32, #tpu.memory_space<vmem>>) semaphore(%arg15 : memref<!tpu.dma_semaphore, #tpu.memory_space<semaphore_mem>>)
    %barrier3A = arith.constant 0 : index
    tpu.barrier barrier_id(%barrier3A)
    %scan3A = arith.constant 0 : i32
    %scan3A_38 = arith.constant 0 : i32
    %scan3A_39 = arith.constant 62 : i32
    %scan3A_40 = arith.addi %scan3A_38, %scan3A_39 : i32
    %scan3A_41 = arith.constant 1 : i32
    scf.for %scan3A_54 = %scan3A_38 to %scan3A_40 step %scan3A_41  : i32 {
      %dma_wait3A_55 = arith.constant 0 : i32
      %dma_wait3A_56 = arith.constant 0 : i32
      %dma_wait3A_57 = tpu.memref_slice %arg2[%dma_wait3A_55, %dma_wait3A_56] : memref<20480x128xf32, #tpu.memory_space<hbm>> -> memref<20480x128xf32, #tpu.memory_space<hbm>>
      tpu.wait_indirect_dma semaphore(%arg15 : memref<!tpu.dma_semaphore, #tpu.memory_space<semaphore_mem>>) src(%dma_wait3A_57 : memref<20480x128xf32, #tpu.memory_space<hbm>>) dst(%arg10 : memref<80x128xf32, #tpu.memory_space<vmem>>)
      %mul3A_58 = arith.constant 2 : i32
      %mul3A_59 = arith.muli %mul3A_58, %scan3A_54 : i32
      %add3A_60 = arith.constant 2 : i32
      %add3A_61 = arith.addi %mul3A_59, %add3A_60 : i32
      %dma_start3A_62 = arith.constant 0 : i32
      %dma_start3A_63 = tpu.memref_slice %arg3[%add3A, %add3A_61, %dma_start3A_62] : memref<32x126x80xi32, #tpu.memory_space<hbm>> -> memref<1x1x80xi32, #tpu.memory_space<hbm>>
      %dma_start3A_64 = tpu.memref_squeeze %dma_start3A_63 : memref<1x1x80xi32, #tpu.memory_space<hbm>> -> memref<80xi32, #tpu.memory_space<hbm>>
      %dma_start3A_65 = arith.constant 0 : i32
      %dma_start3A_66 = tpu.memref_slice %arg3[%add3A, %add3A_61, %dma_start3A_65] : memref<32x126x80xi32, #tpu.memory_space<hbm>> -> memref<1x1x80xi32, #tpu.memory_space<hbm>>
      %dma_start3A_67 = tpu.memref_squeeze %dma_start3A_66 : memref<1x1x80xi32, #tpu.memory_space<hbm>> -> memref<80xi32, #tpu.memory_space<hbm>>
      tpu.enqueue_dma source(%dma_start3A_67 : memref<80xi32, #tpu.memory_space<hbm>>) target(%arg7 : memref<80xi32, #tpu.memory_space<vmem>>) target_semaphore(%arg13 : memref<!tpu.dma_semaphore, #tpu.memory_space<semaphore_mem>>)
      %dma_start3A_68 = arith.constant 0 : i32
      %dma_start3A_69 = arith.constant 0 : i32
      %dma_start3A_70 = tpu.memref_slice %arg2[%dma_start3A_68, %dma_start3A_69] : memref<20480x128xf32, #tpu.memory_space<hbm>> -> memref<20480x128xf32, #tpu.memory_space<hbm>>
      tpu.enqueue_indirect_dma source(%dma_start3A_70 : memref<20480x128xf32, #tpu.memory_space<hbm>>) target(%arg11 : memref<80x128xf32, #tpu.memory_space<vmem>>) offsets(%arg8 : memref<80xi32, #tpu.memory_space<vmem>>) semaphore(%arg16 : memref<!tpu.dma_semaphore, #tpu.memory_space<semaphore_mem>>)
      %mul3A_71 = arith.constant 2 : i32
      %mul3A_72 = arith.muli %mul3A_71, %scan3A_54 : i32
      "tpu.region"() ({
        %run_scoped3A_107 = tpu.sem_alloc : memref<!tpu.dma_semaphore, #tpu.memory_space<semaphore_mem>>
        %dma_start3A_108 = arith.constant 0 : i32
        %dma_start3A_109 = tpu.memref_slice %arg9[%mul3A_72, %dma_start3A_108] : memref<125x80xi32, #tpu.memory_space<vmem>> -> memref<1x80xi32, #tpu.memory_space<vmem>>
        %dma_start3A_110 = tpu.memref_squeeze %dma_start3A_109 : memref<1x80xi32, #tpu.memory_space<vmem>> -> memref<80xi32, #tpu.memory_space<vmem>>
        %dma_start3A_111 = arith.constant 0 : i32
        %dma_start3A_112 = arith.constant 0 : i32
        %dma_start3A_113 = tpu.memref_slice %arg12[%dma_start3A_111, %dma_start3A_112] : memref<10240x128xf32, #tpu.memory_space<vmem_shared>> -> memref<10240x128xf32, #tpu.memory_space<vmem_shared>>
        tpu.enqueue_indirect_dma source(%arg10 : memref<80x128xf32, #tpu.memory_space<vmem>>) target(%dma_start3A_113 : memref<10240x128xf32, #tpu.memory_space<vmem_shared>>) offsets(%dma_start3A_110 : memref<80xi32, #tpu.memory_space<vmem>>) semaphore(%run_scoped3A_107 : memref<!tpu.dma_semaphore, #tpu.memory_space<semaphore_mem>>) {add = true}
        %dma_wait3A_114 = arith.constant 0 : i32
        %dma_wait3A_115 = tpu.memref_slice %arg9[%mul3A_72, %dma_wait3A_114] : memref<125x80xi32, #tpu.memory_space<vmem>> -> memref<1x80xi32, #tpu.memory_space<vmem>>
        %dma_wait3A_116 = tpu.memref_squeeze %dma_wait3A_115 : memref<1x80xi32, #tpu.memory_space<vmem>> -> memref<80xi32, #tpu.memory_space<vmem>>
        %dma_wait3A_117 = arith.constant 0 : i32
        %dma_wait3A_118 = arith.constant 0 : i32
        %dma_wait3A_119 = tpu.memref_slice %arg12[%dma_wait3A_117, %dma_wait3A_118] : memref<10240x128xf32, #tpu.memory_space<vmem_shared>> -> memref<10240x128xf32, #tpu.memory_space<vmem_shared>>
        tpu.wait_indirect_dma semaphore(%run_scoped3A_107 : memref<!tpu.dma_semaphore, #tpu.memory_space<semaphore_mem>>) src(%arg10 : memref<80x128xf32, #tpu.memory_space<vmem>>) dst(%dma_wait3A_119 : memref<10240x128xf32, #tpu.memory_space<vmem_shared>>)
        tpu.yield
      }) : () -> ()
      %dma_wait3A_73 = arith.constant 0 : i32
      %dma_wait3A_74 = arith.constant 0 : i32
      %dma_wait3A_75 = tpu.memref_slice %arg2[%dma_wait3A_73, %dma_wait3A_74] : memref<20480x128xf32, #tpu.memory_space<hbm>> -> memref<20480x128xf32, #tpu.memory_space<hbm>>
      tpu.wait_indirect_dma semaphore(%arg16 : memref<!tpu.dma_semaphore, #tpu.memory_space<semaphore_mem>>) src(%dma_wait3A_75 : memref<20480x128xf32, #tpu.memory_space<hbm>>) dst(%arg11 : memref<80x128xf32, #tpu.memory_space<vmem>>)
      %dma_wait3A_76 = arith.constant 0 : i32
      %dma_wait3A_77 = arith.constant 0 : i32
      %dma_wait3A_78 = tpu.memref_slice %arg3[%add3A, %dma_wait3A_76, %dma_wait3A_77] : memref<32x126x80xi32, #tpu.memory_space<hbm>> -> memref<1x1x80xi32, #tpu.memory_space<hbm>>
      %dma_wait3A_79 = tpu.memref_squeeze %dma_wait3A_78 : memref<1x1x80xi32, #tpu.memory_space<hbm>> -> memref<80xi32, #tpu.memory_space<hbm>>
      %dma_wait3A_80 = arith.constant 0 : i32
      %dma_wait3A_81 = tpu.memref_slice %arg3[%add3A, %dma_wait3A_76, %dma_wait3A_80] : memref<32x126x80xi32, #tpu.memory_space<hbm>> -> memref<1x1x80xi32, #tpu.memory_space<hbm>>
      %dma_wait3A_82 = tpu.memref_squeeze %dma_wait3A_81 : memref<1x1x80xi32, #tpu.memory_space<hbm>> -> memref<80xi32, #tpu.memory_space<hbm>>
      tpu.wait_dma2 semaphore(%arg13 : memref<!tpu.dma_semaphore, #tpu.memory_space<semaphore_mem>>) src(%dma_wait3A_82 : memref<80xi32, #tpu.memory_space<hbm>>) dst(%arg7 : memref<80xi32, #tpu.memory_space<vmem>>)
      %mul3A_83 = arith.constant 2 : i32
      %mul3A_84 = arith.muli %mul3A_83, %scan3A_54 : i32
      %add3A_85 = arith.constant 3 : i32
      %add3A_86 = arith.addi %mul3A_84, %add3A_85 : i32
      %dma_start3A_87 = arith.constant 0 : i32
      %dma_start3A_88 = tpu.memref_slice %arg3[%add3A, %add3A_86, %dma_start3A_87] : memref<32x126x80xi32, #tpu.memory_space<hbm>> -> memref<1x1x80xi32, #tpu.memory_space<hbm>>
      %dma_start3A_89 = tpu.memref_squeeze %dma_start3A_88 : memref<1x1x80xi32, #tpu.memory_space<hbm>> -> memref<80xi32, #tpu.memory_space<hbm>>
      %dma_start3A_90 = arith.constant 0 : i32
      %dma_start3A_91 = tpu.memref_slice %arg3[%add3A, %add3A_86, %dma_start3A_90] : memref<32x126x80xi32, #tpu.memory_space<hbm>> -> memref<1x1x80xi32, #tpu.memory_space<hbm>>
      %dma_start3A_92 = tpu.memref_squeeze %dma_start3A_91 : memref<1x1x80xi32, #tpu.memory_space<hbm>> -> memref<80xi32, #tpu.memory_space<hbm>>
      tpu.enqueue_dma source(%dma_start3A_92 : memref<80xi32, #tpu.memory_space<hbm>>) target(%arg8 : memref<80xi32, #tpu.memory_space<vmem>>) target_semaphore(%arg14 : memref<!tpu.dma_semaphore, #tpu.memory_space<semaphore_mem>>)
      %dma_start3A_93 = arith.constant 0 : i32
      %dma_start3A_94 = arith.constant 0 : i32
      %dma_start3A_95 = tpu.memref_slice %arg2[%dma_start3A_93, %dma_start3A_94] : memref<20480x128xf32, #tpu.memory_space<hbm>> -> memref<20480x128xf32, #tpu.memory_space<hbm>>
      tpu.enqueue_indirect_dma source(%dma_start3A_95 : memref<20480x128xf32, #tpu.memory_space<hbm>>) target(%arg10 : memref<80x128xf32, #tpu.memory_space<vmem>>) offsets(%arg7 : memref<80xi32, #tpu.memory_space<vmem>>) semaphore(%arg15 : memref<!tpu.dma_semaphore, #tpu.memory_space<semaphore_mem>>)
      %mul3A_96 = arith.constant 2 : i32
      %mul3A_97 = arith.muli %mul3A_96, %scan3A_54 : i32
      %add3A_98 = arith.constant 1 : i32
      %add3A_99 = arith.addi %mul3A_97, %add3A_98 : i32
      "tpu.region"() ({
        %run_scoped3A_107 = tpu.sem_alloc : memref<!tpu.dma_semaphore, #tpu.memory_space<semaphore_mem>>
        %dma_start3A_108 = arith.constant 0 : i32
        %dma_start3A_109 = tpu.memref_slice %arg9[%add3A_99, %dma_start3A_108] : memref<125x80xi32, #tpu.memory_space<vmem>> -> memref<1x80xi32, #tpu.memory_space<vmem>>
        %dma_start3A_110 = tpu.memref_squeeze %dma_start3A_109 : memref<1x80xi32, #tpu.memory_space<vmem>> -> memref<80xi32, #tpu.memory_space<vmem>>
        %dma_start3A_111 = arith.constant 0 : i32
        %dma_start3A_112 = arith.constant 0 : i32
        %dma_start3A_113 = tpu.memref_slice %arg12[%dma_start3A_111, %dma_start3A_112] : memref<10240x128xf32, #tpu.memory_space<vmem_shared>> -> memref<10240x128xf32, #tpu.memory_space<vmem_shared>>
        tpu.enqueue_indirect_dma source(%arg11 : memref<80x128xf32, #tpu.memory_space<vmem>>) target(%dma_start3A_113 : memref<10240x128xf32, #tpu.memory_space<vmem_shared>>) offsets(%dma_start3A_110 : memref<80xi32, #tpu.memory_space<vmem>>) semaphore(%run_scoped3A_107 : memref<!tpu.dma_semaphore, #tpu.memory_space<semaphore_mem>>) {add = true}
        %dma_wait3A_114 = arith.constant 0 : i32
        %dma_wait3A_115 = tpu.memref_slice %arg9[%add3A_99, %dma_wait3A_114] : memref<125x80xi32, #tpu.memory_space<vmem>> -> memref<1x80xi32, #tpu.memory_space<vmem>>
        %dma_wait3A_116 = tpu.memref_squeeze %dma_wait3A_115 : memref<1x80xi32, #tpu.memory_space<vmem>> -> memref<80xi32, #tpu.memory_space<vmem>>
        %dma_wait3A_117 = arith.constant 0 : i32
        %dma_wait3A_118 = arith.constant 0 : i32
        %dma_wait3A_119 = tpu.memref_slice %arg12[%dma_wait3A_117, %dma_wait3A_118] : memref<10240x128xf32, #tpu.memory_space<vmem_shared>> -> memref<10240x128xf32, #tpu.memory_space<vmem_shared>>
        tpu.wait_indirect_dma semaphore(%run_scoped3A_107 : memref<!tpu.dma_semaphore, #tpu.memory_space<semaphore_mem>>) src(%arg11 : memref<80x128xf32, #tpu.memory_space<vmem>>) dst(%dma_wait3A_119 : memref<10240x128xf32, #tpu.memory_space<vmem_shared>>)
        tpu.yield
      }) : () -> ()
      %dma_wait3A_100 = arith.constant 0 : i32
      %dma_wait3A_101 = arith.constant 0 : i32
      %dma_wait3A_102 = tpu.memref_slice %arg3[%add3A, %dma_wait3A_100, %dma_wait3A_101] : memref<32x126x80xi32, #tpu.memory_space<hbm>> -> memref<1x1x80xi32, #tpu.memory_space<hbm>>
      %dma_wait3A_103 = tpu.memref_squeeze %dma_wait3A_102 : memref<1x1x80xi32, #tpu.memory_space<hbm>> -> memref<80xi32, #tpu.memory_space<hbm>>
      %dma_wait3A_104 = arith.constant 0 : i32
      %dma_wait3A_105 = tpu.memref_slice %arg3[%add3A, %dma_wait3A_100, %dma_wait3A_104] : memref<32x126x80xi32, #tpu.memory_space<hbm>> -> memref<1x1x80xi32, #tpu.memory_space<hbm>>
      %dma_wait3A_106 = tpu.memref_squeeze %dma_wait3A_105 : memref<1x1x80xi32, #tpu.memory_space<hbm>> -> memref<80xi32, #tpu.memory_space<hbm>>
      tpu.wait_dma2 semaphore(%arg14 : memref<!tpu.dma_semaphore, #tpu.memory_space<semaphore_mem>>) src(%dma_wait3A_106 : memref<80xi32, #tpu.memory_space<hbm>>) dst(%arg8 : memref<80xi32, #tpu.memory_space<vmem>>)
    }
    %scan3A_42 = arith.constant 62 : i32
    %dma_wait3A_43 = arith.constant 0 : i32
    %dma_wait3A_44 = arith.constant 0 : i32
    %dma_wait3A_45 = tpu.memref_slice %arg2[%dma_wait3A_43, %dma_wait3A_44] : memref<20480x128xf32, #tpu.memory_space<hbm>> -> memref<20480x128xf32, #tpu.memory_space<hbm>>
    tpu.wait_indirect_dma semaphore(%arg15 : memref<!tpu.dma_semaphore, #tpu.memory_space<semaphore_mem>>) src(%dma_wait3A_45 : memref<20480x128xf32, #tpu.memory_space<hbm>>) dst(%arg10 : memref<80x128xf32, #tpu.memory_space<vmem>>)
    %run_scoped3A = arith.constant 124 : i32
    "tpu.region"() ({
      %run_scoped3A_54 = tpu.sem_alloc : memref<!tpu.dma_semaphore, #tpu.memory_space<semaphore_mem>>
      %dma_start3A_55 = arith.constant 0 : i32
      %dma_start3A_56 = tpu.memref_slice %arg9[%run_scoped3A, %dma_start3A_55] : memref<125x80xi32, #tpu.memory_space<vmem>> -> memref<1x80xi32, #tpu.memory_space<vmem>>
      %dma_start3A_57 = tpu.memref_squeeze %dma_start3A_56 : memref<1x80xi32, #tpu.memory_space<vmem>> -> memref<80xi32, #tpu.memory_space<vmem>>
      %dma_start3A_58 = arith.constant 0 : i32
      %dma_start3A_59 = arith.constant 0 : i32
      %dma_start3A_60 = tpu.memref_slice %arg12[%dma_start3A_58, %dma_start3A_59] : memref<10240x128xf32, #tpu.memory_space<vmem_shared>> -> memref<10240x128xf32, #tpu.memory_space<vmem_shared>>
      tpu.enqueue_indirect_dma source(%arg10 : memref<80x128xf32, #tpu.memory_space<vmem>>) target(%dma_start3A_60 : memref<10240x128xf32, #tpu.memory_space<vmem_shared>>) offsets(%dma_start3A_57 : memref<80xi32, #tpu.memory_space<vmem>>) semaphore(%run_scoped3A_54 : memref<!tpu.dma_semaphore, #tpu.memory_space<semaphore_mem>>) {add = true}
      %dma_wait3A_61 = arith.constant 0 : i32
      %dma_wait3A_62 = tpu.memref_slice %arg9[%run_scoped3A, %dma_wait3A_61] : memref<125x80xi32, #tpu.memory_space<vmem>> -> memref<1x80xi32, #tpu.memory_space<vmem>>
      %dma_wait3A_63 = tpu.memref_squeeze %dma_wait3A_62 : memref<1x80xi32, #tpu.memory_space<vmem>> -> memref<80xi32, #tpu.memory_space<vmem>>
      %dma_wait3A_64 = arith.constant 0 : i32
      %dma_wait3A_65 = arith.constant 0 : i32
      %dma_wait3A_66 = tpu.memref_slice %arg12[%dma_wait3A_64, %dma_wait3A_65] : memref<10240x128xf32, #tpu.memory_space<vmem_shared>> -> memref<10240x128xf32, #tpu.memory_space<vmem_shared>>
      tpu.wait_indirect_dma semaphore(%run_scoped3A_54 : memref<!tpu.dma_semaphore, #tpu.memory_space<semaphore_mem>>) src(%arg10 : memref<80x128xf32, #tpu.memory_space<vmem>>) dst(%dma_wait3A_66 : memref<10240x128xf32, #tpu.memory_space<vmem_shared>>)
      tpu.yield
    }) : () -> ()
    %barrier3A_46 = arith.constant 0 : index
    tpu.barrier barrier_id(%barrier3A_46)
    %mul3A_47 = arith.constant 640 : i32
    %mul3A_48 = arith.muli %arg1, %mul3A_47 : i32
    %mul3A_49 = arith.constant 10240 : i32
    %mul3A_50 = arith.muli %arg0, %mul3A_49 : i32
    %mul3A_51 = arith.constant 640 : i32
    %mul3A_52 = arith.muli %arg1, %mul3A_51 : i32
    %add3A_53 = arith.addi %mul3A_50, %mul3A_52 : i32
    "tpu.region"() ({
      %run_scoped3A_54 = tpu.sem_alloc : memref<!tpu.dma_semaphore, #tpu.memory_space<semaphore_mem>>
      %dma_start3A_55 = arith.constant 0 : i32
      %dma_start3A_56 = tpu.memref_slice %arg6[%add3A_53, %dma_start3A_55] : memref<20480x128xf32, #tpu.memory_space<hbm>> -> memref<640x128xf32, #tpu.memory_space<hbm>>
      %dma_start3A_57 = arith.constant 0 : i32
      %dma_start3A_58 = tpu.memref_slice %arg12[%mul3A_48, %dma_start3A_57] : memref<10240x128xf32, #tpu.memory_space<vmem_shared>> -> memref<640x128xf32, #tpu.memory_space<vmem_shared>>
      tpu.enqueue_dma source(%dma_start3A_58 : memref<640x128xf32, #tpu.memory_space<vmem_shared>>) target(%dma_start3A_56 : memref<640x128xf32, #tpu.memory_space<hbm>>) target_semaphore(%run_scoped3A_54 : memref<!tpu.dma_semaphore, #tpu.memory_space<semaphore_mem>>)
      %dma_wait3A_59 = arith.constant 0 : i32
      %dma_wait3A_60 = tpu.memref_slice %arg6[%add3A_53, %dma_wait3A_59] : memref<20480x128xf32, #tpu.memory_space<hbm>> -> memref<640x128xf32, #tpu.memory_space<hbm>>
      %dma_wait3A_61 = arith.constant 0 : i32
      %dma_wait3A_62 = tpu.memref_slice %arg12[%mul3A_48, %dma_wait3A_61] : memref<10240x128xf32, #tpu.memory_space<vmem_shared>> -> memref<640x128xf32, #tpu.memory_space<vmem_shared>>
      tpu.wait_dma2 semaphore(%run_scoped3A_54 : memref<!tpu.dma_semaphore, #tpu.memory_space<semaphore_mem>>) src(%dma_wait3A_62 : memref<640x128xf32, #tpu.memory_space<vmem_shared>>) dst(%dma_wait3A_60 : memref<640x128xf32, #tpu.memory_space<hbm>>)
      tpu.yield
    }) : () -> ()
    return
  }
}

#map = affine_map<(d0, d1) -> (0, 0)>
#map1 = affine_map<(d0, d1) -> (0, 0, 0)>
module attributes {stable_mosaic.version = 14 : i64} {
  func.func @_gs_body(%arg0: i32, %arg1: i32, %arg2: memref<320000x8xf32, #tpu.memory_space<hbm>>, %arg3: memref<32x126x80xi32, #tpu.memory_space<hbm>>, %arg4: memref<32x125x80xi32, #tpu.memory_space<hbm>>, %arg5: memref<640x8xf32, #tpu.memory_space<hbm>>, %arg6: memref<20480x8xf32, #tpu.memory_space<hbm>>, %arg7: memref<80xi32, #tpu.memory_space<vmem>>, %arg8: memref<80xi32, #tpu.memory_space<vmem>>, %arg9: memref<125x80xi32, #tpu.memory_space<vmem>>, %arg10: memref<80x8xf32, #tpu.memory_space<vmem>>, %arg11: memref<80x8xf32, #tpu.memory_space<vmem>>, %arg12: memref<10240x8xf32, #tpu.memory_space<vmem_shared>>, %arg13: memref<!tpu.dma_semaphore, #tpu.memory_space<semaphore_mem>>, %arg14: memref<!tpu.dma_semaphore, #tpu.memory_space<semaphore_mem>>, %arg15: memref<!tpu.dma_semaphore, #tpu.memory_space<semaphore_mem>>, %arg16: memref<!tpu.dma_semaphore, #tpu.memory_space<semaphore_mem>>) attributes {dimension_semantics = [#tpu.dimension_semantics<core_parallel>, #tpu.dimension_semantics<subcore_parallel>], iteration_bounds = array<i64: 2, 16>, scalar_prefetch = 0 : i64, scratch_operands = 10 : i64, tpu.core_type = #tpu.core_type<sc_vector_subcore>, window_params = [{transform_indices = #map}, {transform_indices = #map1}, {transform_indices = #map1}, {transform_indices = #map}, {transform_indices = #map}]} {
    %mul3A = arith.constant 16 : i32
    %mul3A_0 = arith.muli %arg0, %mul3A : i32
    %add3A = arith.addi %mul3A_0, %arg1 : i32
    %mul3A_1 = arith.constant 640 : i32
    %mul3A_2 = arith.muli %arg1, %mul3A_1 : i32
    %dma_start3A = arith.constant 0 : i32
    %dma_start3A_3 = tpu.memref_slice %arg12[%mul3A_2, %dma_start3A] : memref<10240x8xf32, #tpu.memory_space<vmem_shared>> -> memref<640x8xf32, #tpu.memory_space<vmem_shared>>
    tpu.enqueue_dma source(%arg5 : memref<640x8xf32, #tpu.memory_space<hbm>>) target(%dma_start3A_3 : memref<640x8xf32, #tpu.memory_space<vmem_shared>>) target_semaphore(%arg16 : memref<!tpu.dma_semaphore, #tpu.memory_space<semaphore_mem>>)
    %dma_start3A_4 = arith.constant 0 : i32
    %dma_start3A_5 = arith.constant 0 : i32
    %dma_start3A_6 = tpu.memref_slice %arg3[%add3A, %dma_start3A_4, %dma_start3A_5] : memref<32x126x80xi32, #tpu.memory_space<hbm>> -> memref<1x1x80xi32, #tpu.memory_space<hbm>>
    %dma_start3A_7 = tpu.memref_squeeze %dma_start3A_6 : memref<1x1x80xi32, #tpu.memory_space<hbm>> -> memref<80xi32, #tpu.memory_space<hbm>>
    %dma_start3A_8 = arith.constant 0 : i32
    %dma_start3A_9 = tpu.memref_slice %arg3[%add3A, %dma_start3A_4, %dma_start3A_8] : memref<32x126x80xi32, #tpu.memory_space<hbm>> -> memref<1x1x80xi32, #tpu.memory_space<hbm>>
    %dma_start3A_10 = tpu.memref_squeeze %dma_start3A_9 : memref<1x1x80xi32, #tpu.memory_space<hbm>> -> memref<80xi32, #tpu.memory_space<hbm>>
    tpu.enqueue_dma source(%dma_start3A_10 : memref<80xi32, #tpu.memory_space<hbm>>) target(%arg7 : memref<80xi32, #tpu.memory_space<vmem>>) target_semaphore(%arg13 : memref<!tpu.dma_semaphore, #tpu.memory_space<semaphore_mem>>)
    %dma_start3A_11 = arith.constant 1 : i32
    %dma_start3A_12 = arith.constant 0 : i32
    %dma_start3A_13 = tpu.memref_slice %arg3[%add3A, %dma_start3A_11, %dma_start3A_12] : memref<32x126x80xi32, #tpu.memory_space<hbm>> -> memref<1x1x80xi32, #tpu.memory_space<hbm>>
    %dma_start3A_14 = tpu.memref_squeeze %dma_start3A_13 : memref<1x1x80xi32, #tpu.memory_space<hbm>> -> memref<80xi32, #tpu.memory_space<hbm>>
    %dma_start3A_15 = arith.constant 0 : i32
    %dma_start3A_16 = tpu.memref_slice %arg3[%add3A, %dma_start3A_11, %dma_start3A_15] : memref<32x126x80xi32, #tpu.memory_space<hbm>> -> memref<1x1x80xi32, #tpu.memory_space<hbm>>
    %dma_start3A_17 = tpu.memref_squeeze %dma_start3A_16 : memref<1x1x80xi32, #tpu.memory_space<hbm>> -> memref<80xi32, #tpu.memory_space<hbm>>
    tpu.enqueue_dma source(%dma_start3A_17 : memref<80xi32, #tpu.memory_space<hbm>>) target(%arg8 : memref<80xi32, #tpu.memory_space<vmem>>) target_semaphore(%arg14 : memref<!tpu.dma_semaphore, #tpu.memory_space<semaphore_mem>>)
    "tpu.region"() ({
      %run_scoped3A_54 = tpu.sem_alloc : memref<!tpu.dma_semaphore, #tpu.memory_space<semaphore_mem>>
      %dma_start3A_55 = arith.constant 0 : i32
      %dma_start3A_56 = arith.constant 0 : i32
      %dma_start3A_57 = tpu.memref_slice %arg4[%add3A, %dma_start3A_55, %dma_start3A_56] : memref<32x125x80xi32, #tpu.memory_space<hbm>> -> memref<1x125x80xi32, #tpu.memory_space<hbm>>
      %dma_start3A_58 = tpu.memref_squeeze %dma_start3A_57 : memref<1x125x80xi32, #tpu.memory_space<hbm>> -> memref<125x80xi32, #tpu.memory_space<hbm>>
      %dma_start3A_59 = arith.constant 0 : i32
      %dma_start3A_60 = arith.constant 0 : i32
      %dma_start3A_61 = tpu.memref_slice %arg4[%add3A, %dma_start3A_59, %dma_start3A_60] : memref<32x125x80xi32, #tpu.memory_space<hbm>> -> memref<1x125x80xi32, #tpu.memory_space<hbm>>
      %dma_start3A_62 = tpu.memref_squeeze %dma_start3A_61 : memref<1x125x80xi32, #tpu.memory_space<hbm>> -> memref<125x80xi32, #tpu.memory_space<hbm>>
      tpu.enqueue_dma source(%dma_start3A_62 : memref<125x80xi32, #tpu.memory_space<hbm>>) target(%arg9 : memref<125x80xi32, #tpu.memory_space<vmem>>) target_semaphore(%run_scoped3A_54 : memref<!tpu.dma_semaphore, #tpu.memory_space<semaphore_mem>>)
      %dma_wait3A_63 = arith.constant 0 : i32
      %dma_wait3A_64 = arith.constant 0 : i32
      %dma_wait3A_65 = tpu.memref_slice %arg4[%add3A, %dma_wait3A_63, %dma_wait3A_64] : memref<32x125x80xi32, #tpu.memory_space<hbm>> -> memref<1x125x80xi32, #tpu.memory_space<hbm>>
      %dma_wait3A_66 = tpu.memref_squeeze %dma_wait3A_65 : memref<1x125x80xi32, #tpu.memory_space<hbm>> -> memref<125x80xi32, #tpu.memory_space<hbm>>
      %dma_wait3A_67 = arith.constant 0 : i32
      %dma_wait3A_68 = arith.constant 0 : i32
      %dma_wait3A_69 = tpu.memref_slice %arg4[%add3A, %dma_wait3A_67, %dma_wait3A_68] : memref<32x125x80xi32, #tpu.memory_space<hbm>> -> memref<1x125x80xi32, #tpu.memory_space<hbm>>
      %dma_wait3A_70 = tpu.memref_squeeze %dma_wait3A_69 : memref<1x125x80xi32, #tpu.memory_space<hbm>> -> memref<125x80xi32, #tpu.memory_space<hbm>>
      tpu.wait_dma2 semaphore(%run_scoped3A_54 : memref<!tpu.dma_semaphore, #tpu.memory_space<semaphore_mem>>) src(%dma_wait3A_70 : memref<125x80xi32, #tpu.memory_space<hbm>>) dst(%arg9 : memref<125x80xi32, #tpu.memory_space<vmem>>)
      tpu.yield
    }) : () -> ()
    %mul3A_18 = arith.constant 640 : i32
    %mul3A_19 = arith.muli %arg1, %mul3A_18 : i32
    %dma_wait3A = arith.constant 0 : i32
    %dma_wait3A_20 = tpu.memref_slice %arg12[%mul3A_19, %dma_wait3A] : memref<10240x8xf32, #tpu.memory_space<vmem_shared>> -> memref<640x8xf32, #tpu.memory_space<vmem_shared>>
    tpu.wait_dma2 semaphore(%arg16 : memref<!tpu.dma_semaphore, #tpu.memory_space<semaphore_mem>>) src(%arg5 : memref<640x8xf32, #tpu.memory_space<hbm>>) dst(%dma_wait3A_20 : memref<640x8xf32, #tpu.memory_space<vmem_shared>>)
    %dma_wait3A_21 = arith.constant 0 : i32
    %dma_wait3A_22 = arith.constant 0 : i32
    %dma_wait3A_23 = tpu.memref_slice %arg3[%add3A, %dma_wait3A_21, %dma_wait3A_22] : memref<32x126x80xi32, #tpu.memory_space<hbm>> -> memref<1x1x80xi32, #tpu.memory_space<hbm>>
    %dma_wait3A_24 = tpu.memref_squeeze %dma_wait3A_23 : memref<1x1x80xi32, #tpu.memory_space<hbm>> -> memref<80xi32, #tpu.memory_space<hbm>>
    %dma_wait3A_25 = arith.constant 0 : i32
    %dma_wait3A_26 = tpu.memref_slice %arg3[%add3A, %dma_wait3A_21, %dma_wait3A_25] : memref<32x126x80xi32, #tpu.memory_space<hbm>> -> memref<1x1x80xi32, #tpu.memory_space<hbm>>
    %dma_wait3A_27 = tpu.memref_squeeze %dma_wait3A_26 : memref<1x1x80xi32, #tpu.memory_space<hbm>> -> memref<80xi32, #tpu.memory_space<hbm>>
    tpu.wait_dma2 semaphore(%arg13 : memref<!tpu.dma_semaphore, #tpu.memory_space<semaphore_mem>>) src(%dma_wait3A_27 : memref<80xi32, #tpu.memory_space<hbm>>) dst(%arg7 : memref<80xi32, #tpu.memory_space<vmem>>)
    %dma_wait3A_28 = arith.constant 1 : i32
    %dma_wait3A_29 = arith.constant 0 : i32
    %dma_wait3A_30 = tpu.memref_slice %arg3[%add3A, %dma_wait3A_28, %dma_wait3A_29] : memref<32x126x80xi32, #tpu.memory_space<hbm>> -> memref<1x1x80xi32, #tpu.memory_space<hbm>>
    %dma_wait3A_31 = tpu.memref_squeeze %dma_wait3A_30 : memref<1x1x80xi32, #tpu.memory_space<hbm>> -> memref<80xi32, #tpu.memory_space<hbm>>
    %dma_wait3A_32 = arith.constant 0 : i32
    %dma_wait3A_33 = tpu.memref_slice %arg3[%add3A, %dma_wait3A_28, %dma_wait3A_32] : memref<32x126x80xi32, #tpu.memory_space<hbm>> -> memref<1x1x80xi32, #tpu.memory_space<hbm>>
    %dma_wait3A_34 = tpu.memref_squeeze %dma_wait3A_33 : memref<1x1x80xi32, #tpu.memory_space<hbm>> -> memref<80xi32, #tpu.memory_space<hbm>>
    tpu.wait_dma2 semaphore(%arg14 : memref<!tpu.dma_semaphore, #tpu.memory_space<semaphore_mem>>) src(%dma_wait3A_34 : memref<80xi32, #tpu.memory_space<hbm>>) dst(%arg8 : memref<80xi32, #tpu.memory_space<vmem>>)
    %dma_start3A_35 = arith.constant 0 : i32
    %dma_start3A_36 = arith.constant 0 : i32
    %dma_start3A_37 = tpu.memref_slice %arg2[%dma_start3A_35, %dma_start3A_36] : memref<320000x8xf32, #tpu.memory_space<hbm>> -> memref<320000x8xf32, #tpu.memory_space<hbm>>
    tpu.enqueue_indirect_dma source(%dma_start3A_37 : memref<320000x8xf32, #tpu.memory_space<hbm>>) target(%arg10 : memref<80x8xf32, #tpu.memory_space<vmem>>) offsets(%arg7 : memref<80xi32, #tpu.memory_space<vmem>>) semaphore(%arg15 : memref<!tpu.dma_semaphore, #tpu.memory_space<semaphore_mem>>)
    %barrier3A = arith.constant 0 : index
    tpu.barrier barrier_id(%barrier3A)
    %scan3A = arith.constant 0 : i32
    %scan3A_38 = arith.constant 0 : i32
    %scan3A_39 = arith.constant 62 : i32
    %scan3A_40 = arith.addi %scan3A_38, %scan3A_39 : i32
    %scan3A_41 = arith.constant 1 : i32
    scf.for %scan3A_54 = %scan3A_38 to %scan3A_40 step %scan3A_41  : i32 {
      %dma_wait3A_55 = arith.constant 0 : i32
      %dma_wait3A_56 = arith.constant 0 : i32
      %dma_wait3A_57 = tpu.memref_slice %arg2[%dma_wait3A_55, %dma_wait3A_56] : memref<320000x8xf32, #tpu.memory_space<hbm>> -> memref<320000x8xf32, #tpu.memory_space<hbm>>
      tpu.wait_indirect_dma semaphore(%arg15 : memref<!tpu.dma_semaphore, #tpu.memory_space<semaphore_mem>>) src(%dma_wait3A_57 : memref<320000x8xf32, #tpu.memory_space<hbm>>) dst(%arg10 : memref<80x8xf32, #tpu.memory_space<vmem>>)
      %mul3A_58 = arith.constant 2 : i32
      %mul3A_59 = arith.muli %mul3A_58, %scan3A_54 : i32
      %add3A_60 = arith.constant 2 : i32
      %add3A_61 = arith.addi %mul3A_59, %add3A_60 : i32
      %dma_start3A_62 = arith.constant 0 : i32
      %dma_start3A_63 = tpu.memref_slice %arg3[%add3A, %add3A_61, %dma_start3A_62] : memref<32x126x80xi32, #tpu.memory_space<hbm>> -> memref<1x1x80xi32, #tpu.memory_space<hbm>>
      %dma_start3A_64 = tpu.memref_squeeze %dma_start3A_63 : memref<1x1x80xi32, #tpu.memory_space<hbm>> -> memref<80xi32, #tpu.memory_space<hbm>>
      %dma_start3A_65 = arith.constant 0 : i32
      %dma_start3A_66 = tpu.memref_slice %arg3[%add3A, %add3A_61, %dma_start3A_65] : memref<32x126x80xi32, #tpu.memory_space<hbm>> -> memref<1x1x80xi32, #tpu.memory_space<hbm>>
      %dma_start3A_67 = tpu.memref_squeeze %dma_start3A_66 : memref<1x1x80xi32, #tpu.memory_space<hbm>> -> memref<80xi32, #tpu.memory_space<hbm>>
      tpu.enqueue_dma source(%dma_start3A_67 : memref<80xi32, #tpu.memory_space<hbm>>) target(%arg7 : memref<80xi32, #tpu.memory_space<vmem>>) target_semaphore(%arg13 : memref<!tpu.dma_semaphore, #tpu.memory_space<semaphore_mem>>)
      %dma_start3A_68 = arith.constant 0 : i32
      %dma_start3A_69 = arith.constant 0 : i32
      %dma_start3A_70 = tpu.memref_slice %arg2[%dma_start3A_68, %dma_start3A_69] : memref<320000x8xf32, #tpu.memory_space<hbm>> -> memref<320000x8xf32, #tpu.memory_space<hbm>>
      tpu.enqueue_indirect_dma source(%dma_start3A_70 : memref<320000x8xf32, #tpu.memory_space<hbm>>) target(%arg11 : memref<80x8xf32, #tpu.memory_space<vmem>>) offsets(%arg8 : memref<80xi32, #tpu.memory_space<vmem>>) semaphore(%arg16 : memref<!tpu.dma_semaphore, #tpu.memory_space<semaphore_mem>>)
      %mul3A_71 = arith.constant 2 : i32
      %mul3A_72 = arith.muli %mul3A_71, %scan3A_54 : i32
      "tpu.region"() ({
        %run_scoped3A_107 = tpu.sem_alloc : memref<!tpu.dma_semaphore, #tpu.memory_space<semaphore_mem>>
        %dma_start3A_108 = arith.constant 0 : i32
        %dma_start3A_109 = tpu.memref_slice %arg9[%mul3A_72, %dma_start3A_108] : memref<125x80xi32, #tpu.memory_space<vmem>> -> memref<1x80xi32, #tpu.memory_space<vmem>>
        %dma_start3A_110 = tpu.memref_squeeze %dma_start3A_109 : memref<1x80xi32, #tpu.memory_space<vmem>> -> memref<80xi32, #tpu.memory_space<vmem>>
        %dma_start3A_111 = arith.constant 0 : i32
        %dma_start3A_112 = arith.constant 0 : i32
        %dma_start3A_113 = tpu.memref_slice %arg12[%dma_start3A_111, %dma_start3A_112] : memref<10240x8xf32, #tpu.memory_space<vmem_shared>> -> memref<10240x8xf32, #tpu.memory_space<vmem_shared>>
        tpu.enqueue_indirect_dma source(%arg10 : memref<80x8xf32, #tpu.memory_space<vmem>>) target(%dma_start3A_113 : memref<10240x8xf32, #tpu.memory_space<vmem_shared>>) offsets(%dma_start3A_110 : memref<80xi32, #tpu.memory_space<vmem>>) semaphore(%run_scoped3A_107 : memref<!tpu.dma_semaphore, #tpu.memory_space<semaphore_mem>>) {add = true}
        %dma_wait3A_114 = arith.constant 0 : i32
        %dma_wait3A_115 = tpu.memref_slice %arg9[%mul3A_72, %dma_wait3A_114] : memref<125x80xi32, #tpu.memory_space<vmem>> -> memref<1x80xi32, #tpu.memory_space<vmem>>
        %dma_wait3A_116 = tpu.memref_squeeze %dma_wait3A_115 : memref<1x80xi32, #tpu.memory_space<vmem>> -> memref<80xi32, #tpu.memory_space<vmem>>
        %dma_wait3A_117 = arith.constant 0 : i32
        %dma_wait3A_118 = arith.constant 0 : i32
        %dma_wait3A_119 = tpu.memref_slice %arg12[%dma_wait3A_117, %dma_wait3A_118] : memref<10240x8xf32, #tpu.memory_space<vmem_shared>> -> memref<10240x8xf32, #tpu.memory_space<vmem_shared>>
        tpu.wait_indirect_dma semaphore(%run_scoped3A_107 : memref<!tpu.dma_semaphore, #tpu.memory_space<semaphore_mem>>) src(%arg10 : memref<80x8xf32, #tpu.memory_space<vmem>>) dst(%dma_wait3A_119 : memref<10240x8xf32, #tpu.memory_space<vmem_shared>>)
        tpu.yield
      }) : () -> ()
      %dma_wait3A_73 = arith.constant 0 : i32
      %dma_wait3A_74 = arith.constant 0 : i32
      %dma_wait3A_75 = tpu.memref_slice %arg2[%dma_wait3A_73, %dma_wait3A_74] : memref<320000x8xf32, #tpu.memory_space<hbm>> -> memref<320000x8xf32, #tpu.memory_space<hbm>>
      tpu.wait_indirect_dma semaphore(%arg16 : memref<!tpu.dma_semaphore, #tpu.memory_space<semaphore_mem>>) src(%dma_wait3A_75 : memref<320000x8xf32, #tpu.memory_space<hbm>>) dst(%arg11 : memref<80x8xf32, #tpu.memory_space<vmem>>)
      %dma_wait3A_76 = arith.constant 0 : i32
      %dma_wait3A_77 = arith.constant 0 : i32
      %dma_wait3A_78 = tpu.memref_slice %arg3[%add3A, %dma_wait3A_76, %dma_wait3A_77] : memref<32x126x80xi32, #tpu.memory_space<hbm>> -> memref<1x1x80xi32, #tpu.memory_space<hbm>>
      %dma_wait3A_79 = tpu.memref_squeeze %dma_wait3A_78 : memref<1x1x80xi32, #tpu.memory_space<hbm>> -> memref<80xi32, #tpu.memory_space<hbm>>
      %dma_wait3A_80 = arith.constant 0 : i32
      %dma_wait3A_81 = tpu.memref_slice %arg3[%add3A, %dma_wait3A_76, %dma_wait3A_80] : memref<32x126x80xi32, #tpu.memory_space<hbm>> -> memref<1x1x80xi32, #tpu.memory_space<hbm>>
      %dma_wait3A_82 = tpu.memref_squeeze %dma_wait3A_81 : memref<1x1x80xi32, #tpu.memory_space<hbm>> -> memref<80xi32, #tpu.memory_space<hbm>>
      tpu.wait_dma2 semaphore(%arg13 : memref<!tpu.dma_semaphore, #tpu.memory_space<semaphore_mem>>) src(%dma_wait3A_82 : memref<80xi32, #tpu.memory_space<hbm>>) dst(%arg7 : memref<80xi32, #tpu.memory_space<vmem>>)
      %mul3A_83 = arith.constant 2 : i32
      %mul3A_84 = arith.muli %mul3A_83, %scan3A_54 : i32
      %add3A_85 = arith.constant 3 : i32
      %add3A_86 = arith.addi %mul3A_84, %add3A_85 : i32
      %dma_start3A_87 = arith.constant 0 : i32
      %dma_start3A_88 = tpu.memref_slice %arg3[%add3A, %add3A_86, %dma_start3A_87] : memref<32x126x80xi32, #tpu.memory_space<hbm>> -> memref<1x1x80xi32, #tpu.memory_space<hbm>>
      %dma_start3A_89 = tpu.memref_squeeze %dma_start3A_88 : memref<1x1x80xi32, #tpu.memory_space<hbm>> -> memref<80xi32, #tpu.memory_space<hbm>>
      %dma_start3A_90 = arith.constant 0 : i32
      %dma_start3A_91 = tpu.memref_slice %arg3[%add3A, %add3A_86, %dma_start3A_90] : memref<32x126x80xi32, #tpu.memory_space<hbm>> -> memref<1x1x80xi32, #tpu.memory_space<hbm>>
      %dma_start3A_92 = tpu.memref_squeeze %dma_start3A_91 : memref<1x1x80xi32, #tpu.memory_space<hbm>> -> memref<80xi32, #tpu.memory_space<hbm>>
      tpu.enqueue_dma source(%dma_start3A_92 : memref<80xi32, #tpu.memory_space<hbm>>) target(%arg8 : memref<80xi32, #tpu.memory_space<vmem>>) target_semaphore(%arg14 : memref<!tpu.dma_semaphore, #tpu.memory_space<semaphore_mem>>)
      %dma_start3A_93 = arith.constant 0 : i32
      %dma_start3A_94 = arith.constant 0 : i32
      %dma_start3A_95 = tpu.memref_slice %arg2[%dma_start3A_93, %dma_start3A_94] : memref<320000x8xf32, #tpu.memory_space<hbm>> -> memref<320000x8xf32, #tpu.memory_space<hbm>>
      tpu.enqueue_indirect_dma source(%dma_start3A_95 : memref<320000x8xf32, #tpu.memory_space<hbm>>) target(%arg10 : memref<80x8xf32, #tpu.memory_space<vmem>>) offsets(%arg7 : memref<80xi32, #tpu.memory_space<vmem>>) semaphore(%arg15 : memref<!tpu.dma_semaphore, #tpu.memory_space<semaphore_mem>>)
      %mul3A_96 = arith.constant 2 : i32
      %mul3A_97 = arith.muli %mul3A_96, %scan3A_54 : i32
      %add3A_98 = arith.constant 1 : i32
      %add3A_99 = arith.addi %mul3A_97, %add3A_98 : i32
      "tpu.region"() ({
        %run_scoped3A_107 = tpu.sem_alloc : memref<!tpu.dma_semaphore, #tpu.memory_space<semaphore_mem>>
        %dma_start3A_108 = arith.constant 0 : i32
        %dma_start3A_109 = tpu.memref_slice %arg9[%add3A_99, %dma_start3A_108] : memref<125x80xi32, #tpu.memory_space<vmem>> -> memref<1x80xi32, #tpu.memory_space<vmem>>
        %dma_start3A_110 = tpu.memref_squeeze %dma_start3A_109 : memref<1x80xi32, #tpu.memory_space<vmem>> -> memref<80xi32, #tpu.memory_space<vmem>>
        %dma_start3A_111 = arith.constant 0 : i32
        %dma_start3A_112 = arith.constant 0 : i32
        %dma_start3A_113 = tpu.memref_slice %arg12[%dma_start3A_111, %dma_start3A_112] : memref<10240x8xf32, #tpu.memory_space<vmem_shared>> -> memref<10240x8xf32, #tpu.memory_space<vmem_shared>>
        tpu.enqueue_indirect_dma source(%arg11 : memref<80x8xf32, #tpu.memory_space<vmem>>) target(%dma_start3A_113 : memref<10240x8xf32, #tpu.memory_space<vmem_shared>>) offsets(%dma_start3A_110 : memref<80xi32, #tpu.memory_space<vmem>>) semaphore(%run_scoped3A_107 : memref<!tpu.dma_semaphore, #tpu.memory_space<semaphore_mem>>) {add = true}
        %dma_wait3A_114 = arith.constant 0 : i32
        %dma_wait3A_115 = tpu.memref_slice %arg9[%add3A_99, %dma_wait3A_114] : memref<125x80xi32, #tpu.memory_space<vmem>> -> memref<1x80xi32, #tpu.memory_space<vmem>>
        %dma_wait3A_116 = tpu.memref_squeeze %dma_wait3A_115 : memref<1x80xi32, #tpu.memory_space<vmem>> -> memref<80xi32, #tpu.memory_space<vmem>>
        %dma_wait3A_117 = arith.constant 0 : i32
        %dma_wait3A_118 = arith.constant 0 : i32
        %dma_wait3A_119 = tpu.memref_slice %arg12[%dma_wait3A_117, %dma_wait3A_118] : memref<10240x8xf32, #tpu.memory_space<vmem_shared>> -> memref<10240x8xf32, #tpu.memory_space<vmem_shared>>
        tpu.wait_indirect_dma semaphore(%run_scoped3A_107 : memref<!tpu.dma_semaphore, #tpu.memory_space<semaphore_mem>>) src(%arg11 : memref<80x8xf32, #tpu.memory_space<vmem>>) dst(%dma_wait3A_119 : memref<10240x8xf32, #tpu.memory_space<vmem_shared>>)
        tpu.yield
      }) : () -> ()
      %dma_wait3A_100 = arith.constant 0 : i32
      %dma_wait3A_101 = arith.constant 0 : i32
      %dma_wait3A_102 = tpu.memref_slice %arg3[%add3A, %dma_wait3A_100, %dma_wait3A_101] : memref<32x126x80xi32, #tpu.memory_space<hbm>> -> memref<1x1x80xi32, #tpu.memory_space<hbm>>
      %dma_wait3A_103 = tpu.memref_squeeze %dma_wait3A_102 : memref<1x1x80xi32, #tpu.memory_space<hbm>> -> memref<80xi32, #tpu.memory_space<hbm>>
      %dma_wait3A_104 = arith.constant 0 : i32
      %dma_wait3A_105 = tpu.memref_slice %arg3[%add3A, %dma_wait3A_100, %dma_wait3A_104] : memref<32x126x80xi32, #tpu.memory_space<hbm>> -> memref<1x1x80xi32, #tpu.memory_space<hbm>>
      %dma_wait3A_106 = tpu.memref_squeeze %dma_wait3A_105 : memref<1x1x80xi32, #tpu.memory_space<hbm>> -> memref<80xi32, #tpu.memory_space<hbm>>
      tpu.wait_dma2 semaphore(%arg14 : memref<!tpu.dma_semaphore, #tpu.memory_space<semaphore_mem>>) src(%dma_wait3A_106 : memref<80xi32, #tpu.memory_space<hbm>>) dst(%arg8 : memref<80xi32, #tpu.memory_space<vmem>>)
    }
    %scan3A_42 = arith.constant 62 : i32
    %dma_wait3A_43 = arith.constant 0 : i32
    %dma_wait3A_44 = arith.constant 0 : i32
    %dma_wait3A_45 = tpu.memref_slice %arg2[%dma_wait3A_43, %dma_wait3A_44] : memref<320000x8xf32, #tpu.memory_space<hbm>> -> memref<320000x8xf32, #tpu.memory_space<hbm>>
    tpu.wait_indirect_dma semaphore(%arg15 : memref<!tpu.dma_semaphore, #tpu.memory_space<semaphore_mem>>) src(%dma_wait3A_45 : memref<320000x8xf32, #tpu.memory_space<hbm>>) dst(%arg10 : memref<80x8xf32, #tpu.memory_space<vmem>>)
    %run_scoped3A = arith.constant 124 : i32
    "tpu.region"() ({
      %run_scoped3A_54 = tpu.sem_alloc : memref<!tpu.dma_semaphore, #tpu.memory_space<semaphore_mem>>
      %dma_start3A_55 = arith.constant 0 : i32
      %dma_start3A_56 = tpu.memref_slice %arg9[%run_scoped3A, %dma_start3A_55] : memref<125x80xi32, #tpu.memory_space<vmem>> -> memref<1x80xi32, #tpu.memory_space<vmem>>
      %dma_start3A_57 = tpu.memref_squeeze %dma_start3A_56 : memref<1x80xi32, #tpu.memory_space<vmem>> -> memref<80xi32, #tpu.memory_space<vmem>>
      %dma_start3A_58 = arith.constant 0 : i32
      %dma_start3A_59 = arith.constant 0 : i32
      %dma_start3A_60 = tpu.memref_slice %arg12[%dma_start3A_58, %dma_start3A_59] : memref<10240x8xf32, #tpu.memory_space<vmem_shared>> -> memref<10240x8xf32, #tpu.memory_space<vmem_shared>>
      tpu.enqueue_indirect_dma source(%arg10 : memref<80x8xf32, #tpu.memory_space<vmem>>) target(%dma_start3A_60 : memref<10240x8xf32, #tpu.memory_space<vmem_shared>>) offsets(%dma_start3A_57 : memref<80xi32, #tpu.memory_space<vmem>>) semaphore(%run_scoped3A_54 : memref<!tpu.dma_semaphore, #tpu.memory_space<semaphore_mem>>) {add = true}
      %dma_wait3A_61 = arith.constant 0 : i32
      %dma_wait3A_62 = tpu.memref_slice %arg9[%run_scoped3A, %dma_wait3A_61] : memref<125x80xi32, #tpu.memory_space<vmem>> -> memref<1x80xi32, #tpu.memory_space<vmem>>
      %dma_wait3A_63 = tpu.memref_squeeze %dma_wait3A_62 : memref<1x80xi32, #tpu.memory_space<vmem>> -> memref<80xi32, #tpu.memory_space<vmem>>
      %dma_wait3A_64 = arith.constant 0 : i32
      %dma_wait3A_65 = arith.constant 0 : i32
      %dma_wait3A_66 = tpu.memref_slice %arg12[%dma_wait3A_64, %dma_wait3A_65] : memref<10240x8xf32, #tpu.memory_space<vmem_shared>> -> memref<10240x8xf32, #tpu.memory_space<vmem_shared>>
      tpu.wait_indirect_dma semaphore(%run_scoped3A_54 : memref<!tpu.dma_semaphore, #tpu.memory_space<semaphore_mem>>) src(%arg10 : memref<80x8xf32, #tpu.memory_space<vmem>>) dst(%dma_wait3A_66 : memref<10240x8xf32, #tpu.memory_space<vmem_shared>>)
      tpu.yield
    }) : () -> ()
    %barrier3A_46 = arith.constant 0 : index
    tpu.barrier barrier_id(%barrier3A_46)
    %mul3A_47 = arith.constant 640 : i32
    %mul3A_48 = arith.muli %arg1, %mul3A_47 : i32
    %mul3A_49 = arith.constant 10240 : i32
    %mul3A_50 = arith.muli %arg0, %mul3A_49 : i32
    %mul3A_51 = arith.constant 640 : i32
    %mul3A_52 = arith.muli %arg1, %mul3A_51 : i32
    %add3A_53 = arith.addi %mul3A_50, %mul3A_52 : i32
    "tpu.region"() ({
      %run_scoped3A_54 = tpu.sem_alloc : memref<!tpu.dma_semaphore, #tpu.memory_space<semaphore_mem>>
      %dma_start3A_55 = arith.constant 0 : i32
      %dma_start3A_56 = tpu.memref_slice %arg6[%add3A_53, %dma_start3A_55] : memref<20480x8xf32, #tpu.memory_space<hbm>> -> memref<640x8xf32, #tpu.memory_space<hbm>>
      %dma_start3A_57 = arith.constant 0 : i32
      %dma_start3A_58 = tpu.memref_slice %arg12[%mul3A_48, %dma_start3A_57] : memref<10240x8xf32, #tpu.memory_space<vmem_shared>> -> memref<640x8xf32, #tpu.memory_space<vmem_shared>>
      tpu.enqueue_dma source(%dma_start3A_58 : memref<640x8xf32, #tpu.memory_space<vmem_shared>>) target(%dma_start3A_56 : memref<640x8xf32, #tpu.memory_space<hbm>>) target_semaphore(%run_scoped3A_54 : memref<!tpu.dma_semaphore, #tpu.memory_space<semaphore_mem>>)
      %dma_wait3A_59 = arith.constant 0 : i32
      %dma_wait3A_60 = tpu.memref_slice %arg6[%add3A_53, %dma_wait3A_59] : memref<20480x8xf32, #tpu.memory_space<hbm>> -> memref<640x8xf32, #tpu.memory_space<hbm>>
      %dma_wait3A_61 = arith.constant 0 : i32
      %dma_wait3A_62 = tpu.memref_slice %arg12[%mul3A_48, %dma_wait3A_61] : memref<10240x8xf32, #tpu.memory_space<vmem_shared>> -> memref<640x8xf32, #tpu.memory_space<vmem_shared>>
      tpu.wait_dma2 semaphore(%run_scoped3A_54 : memref<!tpu.dma_semaphore, #tpu.memory_space<semaphore_mem>>) src(%dma_wait3A_62 : memref<640x8xf32, #tpu.memory_space<vmem_shared>>) dst(%dma_wait3A_60 : memref<640x8xf32, #tpu.memory_space<hbm>>)
      tpu.yield
    }) : () -> ()
    return
  }
}

#map = affine_map<(d0, d1) -> (0, 0)>
#map1 = affine_map<(d0, d1) -> (0, 0, 0)>
module attributes {stable_mosaic.version = 14 : i64} {
  func.func @_gs_body(%arg0: i32, %arg1: i32, %arg2: memref<20480x128xf32, #tpu.memory_space<hbm>>, %arg3: memref<32x126x80xi32, #tpu.memory_space<hbm>>, %arg4: memref<32x125x80xi32, #tpu.memory_space<hbm>>, %arg5: memref<640x128xf32, #tpu.memory_space<hbm>>, %arg6: memref<20480x128xf32, #tpu.memory_space<hbm>>, %arg7: memref<80xi32, #tpu.memory_space<vmem>>, %arg8: memref<80xi32, #tpu.memory_space<vmem>>, %arg9: memref<125x80xi32, #tpu.memory_space<vmem>>, %arg10: memref<80x128xf32, #tpu.memory_space<vmem>>, %arg11: memref<80x128xf32, #tpu.memory_space<vmem>>, %arg12: memref<10240x128xf32, #tpu.memory_space<vmem_shared>>, %arg13: memref<!tpu.dma_semaphore, #tpu.memory_space<semaphore_mem>>, %arg14: memref<!tpu.dma_semaphore, #tpu.memory_space<semaphore_mem>>, %arg15: memref<!tpu.dma_semaphore, #tpu.memory_space<semaphore_mem>>, %arg16: memref<!tpu.dma_semaphore, #tpu.memory_space<semaphore_mem>>) attributes {dimension_semantics = [#tpu.dimension_semantics<core_parallel>, #tpu.dimension_semantics<subcore_parallel>], iteration_bounds = array<i64: 2, 16>, scalar_prefetch = 0 : i64, scratch_operands = 10 : i64, tpu.core_type = #tpu.core_type<sc_vector_subcore>, window_params = [{transform_indices = #map}, {transform_indices = #map1}, {transform_indices = #map1}, {transform_indices = #map}, {transform_indices = #map}]} {
    %mul3A = arith.constant 16 : i32
    %mul3A_0 = arith.muli %arg0, %mul3A : i32
    %add3A = arith.addi %mul3A_0, %arg1 : i32
    %mul3A_1 = arith.constant 640 : i32
    %mul3A_2 = arith.muli %arg1, %mul3A_1 : i32
    %dma_start3A = arith.constant 0 : i32
    %dma_start3A_3 = tpu.memref_slice %arg12[%mul3A_2, %dma_start3A] : memref<10240x128xf32, #tpu.memory_space<vmem_shared>> -> memref<640x128xf32, #tpu.memory_space<vmem_shared>>
    tpu.enqueue_dma source(%arg5 : memref<640x128xf32, #tpu.memory_space<hbm>>) target(%dma_start3A_3 : memref<640x128xf32, #tpu.memory_space<vmem_shared>>) target_semaphore(%arg16 : memref<!tpu.dma_semaphore, #tpu.memory_space<semaphore_mem>>)
    %dma_start3A_4 = arith.constant 0 : i32
    %dma_start3A_5 = arith.constant 0 : i32
    %dma_start3A_6 = tpu.memref_slice %arg3[%add3A, %dma_start3A_4, %dma_start3A_5] : memref<32x126x80xi32, #tpu.memory_space<hbm>> -> memref<1x1x80xi32, #tpu.memory_space<hbm>>
    %dma_start3A_7 = tpu.memref_squeeze %dma_start3A_6 : memref<1x1x80xi32, #tpu.memory_space<hbm>> -> memref<80xi32, #tpu.memory_space<hbm>>
    %dma_start3A_8 = arith.constant 0 : i32
    %dma_start3A_9 = tpu.memref_slice %arg3[%add3A, %dma_start3A_4, %dma_start3A_8] : memref<32x126x80xi32, #tpu.memory_space<hbm>> -> memref<1x1x80xi32, #tpu.memory_space<hbm>>
    %dma_start3A_10 = tpu.memref_squeeze %dma_start3A_9 : memref<1x1x80xi32, #tpu.memory_space<hbm>> -> memref<80xi32, #tpu.memory_space<hbm>>
    tpu.enqueue_dma source(%dma_start3A_10 : memref<80xi32, #tpu.memory_space<hbm>>) target(%arg7 : memref<80xi32, #tpu.memory_space<vmem>>) target_semaphore(%arg13 : memref<!tpu.dma_semaphore, #tpu.memory_space<semaphore_mem>>)
    %dma_start3A_11 = arith.constant 1 : i32
    %dma_start3A_12 = arith.constant 0 : i32
    %dma_start3A_13 = tpu.memref_slice %arg3[%add3A, %dma_start3A_11, %dma_start3A_12] : memref<32x126x80xi32, #tpu.memory_space<hbm>> -> memref<1x1x80xi32, #tpu.memory_space<hbm>>
    %dma_start3A_14 = tpu.memref_squeeze %dma_start3A_13 : memref<1x1x80xi32, #tpu.memory_space<hbm>> -> memref<80xi32, #tpu.memory_space<hbm>>
    %dma_start3A_15 = arith.constant 0 : i32
    %dma_start3A_16 = tpu.memref_slice %arg3[%add3A, %dma_start3A_11, %dma_start3A_15] : memref<32x126x80xi32, #tpu.memory_space<hbm>> -> memref<1x1x80xi32, #tpu.memory_space<hbm>>
    %dma_start3A_17 = tpu.memref_squeeze %dma_start3A_16 : memref<1x1x80xi32, #tpu.memory_space<hbm>> -> memref<80xi32, #tpu.memory_space<hbm>>
    tpu.enqueue_dma source(%dma_start3A_17 : memref<80xi32, #tpu.memory_space<hbm>>) target(%arg8 : memref<80xi32, #tpu.memory_space<vmem>>) target_semaphore(%arg14 : memref<!tpu.dma_semaphore, #tpu.memory_space<semaphore_mem>>)
    "tpu.region"() ({
      %run_scoped3A_54 = tpu.sem_alloc : memref<!tpu.dma_semaphore, #tpu.memory_space<semaphore_mem>>
      %dma_start3A_55 = arith.constant 0 : i32
      %dma_start3A_56 = arith.constant 0 : i32
      %dma_start3A_57 = tpu.memref_slice %arg4[%add3A, %dma_start3A_55, %dma_start3A_56] : memref<32x125x80xi32, #tpu.memory_space<hbm>> -> memref<1x125x80xi32, #tpu.memory_space<hbm>>
      %dma_start3A_58 = tpu.memref_squeeze %dma_start3A_57 : memref<1x125x80xi32, #tpu.memory_space<hbm>> -> memref<125x80xi32, #tpu.memory_space<hbm>>
      %dma_start3A_59 = arith.constant 0 : i32
      %dma_start3A_60 = arith.constant 0 : i32
      %dma_start3A_61 = tpu.memref_slice %arg4[%add3A, %dma_start3A_59, %dma_start3A_60] : memref<32x125x80xi32, #tpu.memory_space<hbm>> -> memref<1x125x80xi32, #tpu.memory_space<hbm>>
      %dma_start3A_62 = tpu.memref_squeeze %dma_start3A_61 : memref<1x125x80xi32, #tpu.memory_space<hbm>> -> memref<125x80xi32, #tpu.memory_space<hbm>>
      tpu.enqueue_dma source(%dma_start3A_62 : memref<125x80xi32, #tpu.memory_space<hbm>>) target(%arg9 : memref<125x80xi32, #tpu.memory_space<vmem>>) target_semaphore(%run_scoped3A_54 : memref<!tpu.dma_semaphore, #tpu.memory_space<semaphore_mem>>)
      %dma_wait3A_63 = arith.constant 0 : i32
      %dma_wait3A_64 = arith.constant 0 : i32
      %dma_wait3A_65 = tpu.memref_slice %arg4[%add3A, %dma_wait3A_63, %dma_wait3A_64] : memref<32x125x80xi32, #tpu.memory_space<hbm>> -> memref<1x125x80xi32, #tpu.memory_space<hbm>>
      %dma_wait3A_66 = tpu.memref_squeeze %dma_wait3A_65 : memref<1x125x80xi32, #tpu.memory_space<hbm>> -> memref<125x80xi32, #tpu.memory_space<hbm>>
      %dma_wait3A_67 = arith.constant 0 : i32
      %dma_wait3A_68 = arith.constant 0 : i32
      %dma_wait3A_69 = tpu.memref_slice %arg4[%add3A, %dma_wait3A_67, %dma_wait3A_68] : memref<32x125x80xi32, #tpu.memory_space<hbm>> -> memref<1x125x80xi32, #tpu.memory_space<hbm>>
      %dma_wait3A_70 = tpu.memref_squeeze %dma_wait3A_69 : memref<1x125x80xi32, #tpu.memory_space<hbm>> -> memref<125x80xi32, #tpu.memory_space<hbm>>
      tpu.wait_dma2 semaphore(%run_scoped3A_54 : memref<!tpu.dma_semaphore, #tpu.memory_space<semaphore_mem>>) src(%dma_wait3A_70 : memref<125x80xi32, #tpu.memory_space<hbm>>) dst(%arg9 : memref<125x80xi32, #tpu.memory_space<vmem>>)
      tpu.yield
    }) : () -> ()
    %mul3A_18 = arith.constant 640 : i32
    %mul3A_19 = arith.muli %arg1, %mul3A_18 : i32
    %dma_wait3A = arith.constant 0 : i32
    %dma_wait3A_20 = tpu.memref_slice %arg12[%mul3A_19, %dma_wait3A] : memref<10240x128xf32, #tpu.memory_space<vmem_shared>> -> memref<640x128xf32, #tpu.memory_space<vmem_shared>>
    tpu.wait_dma2 semaphore(%arg16 : memref<!tpu.dma_semaphore, #tpu.memory_space<semaphore_mem>>) src(%arg5 : memref<640x128xf32, #tpu.memory_space<hbm>>) dst(%dma_wait3A_20 : memref<640x128xf32, #tpu.memory_space<vmem_shared>>)
    %dma_wait3A_21 = arith.constant 0 : i32
    %dma_wait3A_22 = arith.constant 0 : i32
    %dma_wait3A_23 = tpu.memref_slice %arg3[%add3A, %dma_wait3A_21, %dma_wait3A_22] : memref<32x126x80xi32, #tpu.memory_space<hbm>> -> memref<1x1x80xi32, #tpu.memory_space<hbm>>
    %dma_wait3A_24 = tpu.memref_squeeze %dma_wait3A_23 : memref<1x1x80xi32, #tpu.memory_space<hbm>> -> memref<80xi32, #tpu.memory_space<hbm>>
    %dma_wait3A_25 = arith.constant 0 : i32
    %dma_wait3A_26 = tpu.memref_slice %arg3[%add3A, %dma_wait3A_21, %dma_wait3A_25] : memref<32x126x80xi32, #tpu.memory_space<hbm>> -> memref<1x1x80xi32, #tpu.memory_space<hbm>>
    %dma_wait3A_27 = tpu.memref_squeeze %dma_wait3A_26 : memref<1x1x80xi32, #tpu.memory_space<hbm>> -> memref<80xi32, #tpu.memory_space<hbm>>
    tpu.wait_dma2 semaphore(%arg13 : memref<!tpu.dma_semaphore, #tpu.memory_space<semaphore_mem>>) src(%dma_wait3A_27 : memref<80xi32, #tpu.memory_space<hbm>>) dst(%arg7 : memref<80xi32, #tpu.memory_space<vmem>>)
    %dma_wait3A_28 = arith.constant 1 : i32
    %dma_wait3A_29 = arith.constant 0 : i32
    %dma_wait3A_30 = tpu.memref_slice %arg3[%add3A, %dma_wait3A_28, %dma_wait3A_29] : memref<32x126x80xi32, #tpu.memory_space<hbm>> -> memref<1x1x80xi32, #tpu.memory_space<hbm>>
    %dma_wait3A_31 = tpu.memref_squeeze %dma_wait3A_30 : memref<1x1x80xi32, #tpu.memory_space<hbm>> -> memref<80xi32, #tpu.memory_space<hbm>>
    %dma_wait3A_32 = arith.constant 0 : i32
    %dma_wait3A_33 = tpu.memref_slice %arg3[%add3A, %dma_wait3A_28, %dma_wait3A_32] : memref<32x126x80xi32, #tpu.memory_space<hbm>> -> memref<1x1x80xi32, #tpu.memory_space<hbm>>
    %dma_wait3A_34 = tpu.memref_squeeze %dma_wait3A_33 : memref<1x1x80xi32, #tpu.memory_space<hbm>> -> memref<80xi32, #tpu.memory_space<hbm>>
    tpu.wait_dma2 semaphore(%arg14 : memref<!tpu.dma_semaphore, #tpu.memory_space<semaphore_mem>>) src(%dma_wait3A_34 : memref<80xi32, #tpu.memory_space<hbm>>) dst(%arg8 : memref<80xi32, #tpu.memory_space<vmem>>)
    %dma_start3A_35 = arith.constant 0 : i32
    %dma_start3A_36 = arith.constant 0 : i32
    %dma_start3A_37 = tpu.memref_slice %arg2[%dma_start3A_35, %dma_start3A_36] : memref<20480x128xf32, #tpu.memory_space<hbm>> -> memref<20480x128xf32, #tpu.memory_space<hbm>>
    tpu.enqueue_indirect_dma source(%dma_start3A_37 : memref<20480x128xf32, #tpu.memory_space<hbm>>) target(%arg10 : memref<80x128xf32, #tpu.memory_space<vmem>>) offsets(%arg7 : memref<80xi32, #tpu.memory_space<vmem>>) semaphore(%arg15 : memref<!tpu.dma_semaphore, #tpu.memory_space<semaphore_mem>>)
    %barrier3A = arith.constant 0 : index
    tpu.barrier barrier_id(%barrier3A)
    %scan3A = arith.constant 0 : i32
    %scan3A_38 = arith.constant 0 : i32
    %scan3A_39 = arith.constant 62 : i32
    %scan3A_40 = arith.addi %scan3A_38, %scan3A_39 : i32
    %scan3A_41 = arith.constant 1 : i32
    scf.for %scan3A_54 = %scan3A_38 to %scan3A_40 step %scan3A_41  : i32 {
      %dma_wait3A_55 = arith.constant 0 : i32
      %dma_wait3A_56 = arith.constant 0 : i32
      %dma_wait3A_57 = tpu.memref_slice %arg2[%dma_wait3A_55, %dma_wait3A_56] : memref<20480x128xf32, #tpu.memory_space<hbm>> -> memref<20480x128xf32, #tpu.memory_space<hbm>>
      tpu.wait_indirect_dma semaphore(%arg15 : memref<!tpu.dma_semaphore, #tpu.memory_space<semaphore_mem>>) src(%dma_wait3A_57 : memref<20480x128xf32, #tpu.memory_space<hbm>>) dst(%arg10 : memref<80x128xf32, #tpu.memory_space<vmem>>)
      %mul3A_58 = arith.constant 2 : i32
      %mul3A_59 = arith.muli %mul3A_58, %scan3A_54 : i32
      %add3A_60 = arith.constant 2 : i32
      %add3A_61 = arith.addi %mul3A_59, %add3A_60 : i32
      %dma_start3A_62 = arith.constant 0 : i32
      %dma_start3A_63 = tpu.memref_slice %arg3[%add3A, %add3A_61, %dma_start3A_62] : memref<32x126x80xi32, #tpu.memory_space<hbm>> -> memref<1x1x80xi32, #tpu.memory_space<hbm>>
      %dma_start3A_64 = tpu.memref_squeeze %dma_start3A_63 : memref<1x1x80xi32, #tpu.memory_space<hbm>> -> memref<80xi32, #tpu.memory_space<hbm>>
      %dma_start3A_65 = arith.constant 0 : i32
      %dma_start3A_66 = tpu.memref_slice %arg3[%add3A, %add3A_61, %dma_start3A_65] : memref<32x126x80xi32, #tpu.memory_space<hbm>> -> memref<1x1x80xi32, #tpu.memory_space<hbm>>
      %dma_start3A_67 = tpu.memref_squeeze %dma_start3A_66 : memref<1x1x80xi32, #tpu.memory_space<hbm>> -> memref<80xi32, #tpu.memory_space<hbm>>
      tpu.enqueue_dma source(%dma_start3A_67 : memref<80xi32, #tpu.memory_space<hbm>>) target(%arg7 : memref<80xi32, #tpu.memory_space<vmem>>) target_semaphore(%arg13 : memref<!tpu.dma_semaphore, #tpu.memory_space<semaphore_mem>>)
      %dma_start3A_68 = arith.constant 0 : i32
      %dma_start3A_69 = arith.constant 0 : i32
      %dma_start3A_70 = tpu.memref_slice %arg2[%dma_start3A_68, %dma_start3A_69] : memref<20480x128xf32, #tpu.memory_space<hbm>> -> memref<20480x128xf32, #tpu.memory_space<hbm>>
      tpu.enqueue_indirect_dma source(%dma_start3A_70 : memref<20480x128xf32, #tpu.memory_space<hbm>>) target(%arg11 : memref<80x128xf32, #tpu.memory_space<vmem>>) offsets(%arg8 : memref<80xi32, #tpu.memory_space<vmem>>) semaphore(%arg16 : memref<!tpu.dma_semaphore, #tpu.memory_space<semaphore_mem>>)
      %mul3A_71 = arith.constant 2 : i32
      %mul3A_72 = arith.muli %mul3A_71, %scan3A_54 : i32
      "tpu.region"() ({
        %run_scoped3A_107 = tpu.sem_alloc : memref<!tpu.dma_semaphore, #tpu.memory_space<semaphore_mem>>
        %dma_start3A_108 = arith.constant 0 : i32
        %dma_start3A_109 = tpu.memref_slice %arg9[%mul3A_72, %dma_start3A_108] : memref<125x80xi32, #tpu.memory_space<vmem>> -> memref<1x80xi32, #tpu.memory_space<vmem>>
        %dma_start3A_110 = tpu.memref_squeeze %dma_start3A_109 : memref<1x80xi32, #tpu.memory_space<vmem>> -> memref<80xi32, #tpu.memory_space<vmem>>
        %dma_start3A_111 = arith.constant 0 : i32
        %dma_start3A_112 = arith.constant 0 : i32
        %dma_start3A_113 = tpu.memref_slice %arg12[%dma_start3A_111, %dma_start3A_112] : memref<10240x128xf32, #tpu.memory_space<vmem_shared>> -> memref<10240x128xf32, #tpu.memory_space<vmem_shared>>
        tpu.enqueue_indirect_dma source(%arg10 : memref<80x128xf32, #tpu.memory_space<vmem>>) target(%dma_start3A_113 : memref<10240x128xf32, #tpu.memory_space<vmem_shared>>) offsets(%dma_start3A_110 : memref<80xi32, #tpu.memory_space<vmem>>) semaphore(%run_scoped3A_107 : memref<!tpu.dma_semaphore, #tpu.memory_space<semaphore_mem>>) {add = true}
        %dma_wait3A_114 = arith.constant 0 : i32
        %dma_wait3A_115 = tpu.memref_slice %arg9[%mul3A_72, %dma_wait3A_114] : memref<125x80xi32, #tpu.memory_space<vmem>> -> memref<1x80xi32, #tpu.memory_space<vmem>>
        %dma_wait3A_116 = tpu.memref_squeeze %dma_wait3A_115 : memref<1x80xi32, #tpu.memory_space<vmem>> -> memref<80xi32, #tpu.memory_space<vmem>>
        %dma_wait3A_117 = arith.constant 0 : i32
        %dma_wait3A_118 = arith.constant 0 : i32
        %dma_wait3A_119 = tpu.memref_slice %arg12[%dma_wait3A_117, %dma_wait3A_118] : memref<10240x128xf32, #tpu.memory_space<vmem_shared>> -> memref<10240x128xf32, #tpu.memory_space<vmem_shared>>
        tpu.wait_indirect_dma semaphore(%run_scoped3A_107 : memref<!tpu.dma_semaphore, #tpu.memory_space<semaphore_mem>>) src(%arg10 : memref<80x128xf32, #tpu.memory_space<vmem>>) dst(%dma_wait3A_119 : memref<10240x128xf32, #tpu.memory_space<vmem_shared>>)
        tpu.yield
      }) : () -> ()
      %dma_wait3A_73 = arith.constant 0 : i32
      %dma_wait3A_74 = arith.constant 0 : i32
      %dma_wait3A_75 = tpu.memref_slice %arg2[%dma_wait3A_73, %dma_wait3A_74] : memref<20480x128xf32, #tpu.memory_space<hbm>> -> memref<20480x128xf32, #tpu.memory_space<hbm>>
      tpu.wait_indirect_dma semaphore(%arg16 : memref<!tpu.dma_semaphore, #tpu.memory_space<semaphore_mem>>) src(%dma_wait3A_75 : memref<20480x128xf32, #tpu.memory_space<hbm>>) dst(%arg11 : memref<80x128xf32, #tpu.memory_space<vmem>>)
      %dma_wait3A_76 = arith.constant 0 : i32
      %dma_wait3A_77 = arith.constant 0 : i32
      %dma_wait3A_78 = tpu.memref_slice %arg3[%add3A, %dma_wait3A_76, %dma_wait3A_77] : memref<32x126x80xi32, #tpu.memory_space<hbm>> -> memref<1x1x80xi32, #tpu.memory_space<hbm>>
      %dma_wait3A_79 = tpu.memref_squeeze %dma_wait3A_78 : memref<1x1x80xi32, #tpu.memory_space<hbm>> -> memref<80xi32, #tpu.memory_space<hbm>>
      %dma_wait3A_80 = arith.constant 0 : i32
      %dma_wait3A_81 = tpu.memref_slice %arg3[%add3A, %dma_wait3A_76, %dma_wait3A_80] : memref<32x126x80xi32, #tpu.memory_space<hbm>> -> memref<1x1x80xi32, #tpu.memory_space<hbm>>
      %dma_wait3A_82 = tpu.memref_squeeze %dma_wait3A_81 : memref<1x1x80xi32, #tpu.memory_space<hbm>> -> memref<80xi32, #tpu.memory_space<hbm>>
      tpu.wait_dma2 semaphore(%arg13 : memref<!tpu.dma_semaphore, #tpu.memory_space<semaphore_mem>>) src(%dma_wait3A_82 : memref<80xi32, #tpu.memory_space<hbm>>) dst(%arg7 : memref<80xi32, #tpu.memory_space<vmem>>)
      %mul3A_83 = arith.constant 2 : i32
      %mul3A_84 = arith.muli %mul3A_83, %scan3A_54 : i32
      %add3A_85 = arith.constant 3 : i32
      %add3A_86 = arith.addi %mul3A_84, %add3A_85 : i32
      %dma_start3A_87 = arith.constant 0 : i32
      %dma_start3A_88 = tpu.memref_slice %arg3[%add3A, %add3A_86, %dma_start3A_87] : memref<32x126x80xi32, #tpu.memory_space<hbm>> -> memref<1x1x80xi32, #tpu.memory_space<hbm>>
      %dma_start3A_89 = tpu.memref_squeeze %dma_start3A_88 : memref<1x1x80xi32, #tpu.memory_space<hbm>> -> memref<80xi32, #tpu.memory_space<hbm>>
      %dma_start3A_90 = arith.constant 0 : i32
      %dma_start3A_91 = tpu.memref_slice %arg3[%add3A, %add3A_86, %dma_start3A_90] : memref<32x126x80xi32, #tpu.memory_space<hbm>> -> memref<1x1x80xi32, #tpu.memory_space<hbm>>
      %dma_start3A_92 = tpu.memref_squeeze %dma_start3A_91 : memref<1x1x80xi32, #tpu.memory_space<hbm>> -> memref<80xi32, #tpu.memory_space<hbm>>
      tpu.enqueue_dma source(%dma_start3A_92 : memref<80xi32, #tpu.memory_space<hbm>>) target(%arg8 : memref<80xi32, #tpu.memory_space<vmem>>) target_semaphore(%arg14 : memref<!tpu.dma_semaphore, #tpu.memory_space<semaphore_mem>>)
      %dma_start3A_93 = arith.constant 0 : i32
      %dma_start3A_94 = arith.constant 0 : i32
      %dma_start3A_95 = tpu.memref_slice %arg2[%dma_start3A_93, %dma_start3A_94] : memref<20480x128xf32, #tpu.memory_space<hbm>> -> memref<20480x128xf32, #tpu.memory_space<hbm>>
      tpu.enqueue_indirect_dma source(%dma_start3A_95 : memref<20480x128xf32, #tpu.memory_space<hbm>>) target(%arg10 : memref<80x128xf32, #tpu.memory_space<vmem>>) offsets(%arg7 : memref<80xi32, #tpu.memory_space<vmem>>) semaphore(%arg15 : memref<!tpu.dma_semaphore, #tpu.memory_space<semaphore_mem>>)
      %mul3A_96 = arith.constant 2 : i32
      %mul3A_97 = arith.muli %mul3A_96, %scan3A_54 : i32
      %add3A_98 = arith.constant 1 : i32
      %add3A_99 = arith.addi %mul3A_97, %add3A_98 : i32
      "tpu.region"() ({
        %run_scoped3A_107 = tpu.sem_alloc : memref<!tpu.dma_semaphore, #tpu.memory_space<semaphore_mem>>
        %dma_start3A_108 = arith.constant 0 : i32
        %dma_start3A_109 = tpu.memref_slice %arg9[%add3A_99, %dma_start3A_108] : memref<125x80xi32, #tpu.memory_space<vmem>> -> memref<1x80xi32, #tpu.memory_space<vmem>>
        %dma_start3A_110 = tpu.memref_squeeze %dma_start3A_109 : memref<1x80xi32, #tpu.memory_space<vmem>> -> memref<80xi32, #tpu.memory_space<vmem>>
        %dma_start3A_111 = arith.constant 0 : i32
        %dma_start3A_112 = arith.constant 0 : i32
        %dma_start3A_113 = tpu.memref_slice %arg12[%dma_start3A_111, %dma_start3A_112] : memref<10240x128xf32, #tpu.memory_space<vmem_shared>> -> memref<10240x128xf32, #tpu.memory_space<vmem_shared>>
        tpu.enqueue_indirect_dma source(%arg11 : memref<80x128xf32, #tpu.memory_space<vmem>>) target(%dma_start3A_113 : memref<10240x128xf32, #tpu.memory_space<vmem_shared>>) offsets(%dma_start3A_110 : memref<80xi32, #tpu.memory_space<vmem>>) semaphore(%run_scoped3A_107 : memref<!tpu.dma_semaphore, #tpu.memory_space<semaphore_mem>>) {add = true}
        %dma_wait3A_114 = arith.constant 0 : i32
        %dma_wait3A_115 = tpu.memref_slice %arg9[%add3A_99, %dma_wait3A_114] : memref<125x80xi32, #tpu.memory_space<vmem>> -> memref<1x80xi32, #tpu.memory_space<vmem>>
        %dma_wait3A_116 = tpu.memref_squeeze %dma_wait3A_115 : memref<1x80xi32, #tpu.memory_space<vmem>> -> memref<80xi32, #tpu.memory_space<vmem>>
        %dma_wait3A_117 = arith.constant 0 : i32
        %dma_wait3A_118 = arith.constant 0 : i32
        %dma_wait3A_119 = tpu.memref_slice %arg12[%dma_wait3A_117, %dma_wait3A_118] : memref<10240x128xf32, #tpu.memory_space<vmem_shared>> -> memref<10240x128xf32, #tpu.memory_space<vmem_shared>>
        tpu.wait_indirect_dma semaphore(%run_scoped3A_107 : memref<!tpu.dma_semaphore, #tpu.memory_space<semaphore_mem>>) src(%arg11 : memref<80x128xf32, #tpu.memory_space<vmem>>) dst(%dma_wait3A_119 : memref<10240x128xf32, #tpu.memory_space<vmem_shared>>)
        tpu.yield
      }) : () -> ()
      %dma_wait3A_100 = arith.constant 0 : i32
      %dma_wait3A_101 = arith.constant 0 : i32
      %dma_wait3A_102 = tpu.memref_slice %arg3[%add3A, %dma_wait3A_100, %dma_wait3A_101] : memref<32x126x80xi32, #tpu.memory_space<hbm>> -> memref<1x1x80xi32, #tpu.memory_space<hbm>>
      %dma_wait3A_103 = tpu.memref_squeeze %dma_wait3A_102 : memref<1x1x80xi32, #tpu.memory_space<hbm>> -> memref<80xi32, #tpu.memory_space<hbm>>
      %dma_wait3A_104 = arith.constant 0 : i32
      %dma_wait3A_105 = tpu.memref_slice %arg3[%add3A, %dma_wait3A_100, %dma_wait3A_104] : memref<32x126x80xi32, #tpu.memory_space<hbm>> -> memref<1x1x80xi32, #tpu.memory_space<hbm>>
      %dma_wait3A_106 = tpu.memref_squeeze %dma_wait3A_105 : memref<1x1x80xi32, #tpu.memory_space<hbm>> -> memref<80xi32, #tpu.memory_space<hbm>>
      tpu.wait_dma2 semaphore(%arg14 : memref<!tpu.dma_semaphore, #tpu.memory_space<semaphore_mem>>) src(%dma_wait3A_106 : memref<80xi32, #tpu.memory_space<hbm>>) dst(%arg8 : memref<80xi32, #tpu.memory_space<vmem>>)
    }
    %scan3A_42 = arith.constant 62 : i32
    %dma_wait3A_43 = arith.constant 0 : i32
    %dma_wait3A_44 = arith.constant 0 : i32
    %dma_wait3A_45 = tpu.memref_slice %arg2[%dma_wait3A_43, %dma_wait3A_44] : memref<20480x128xf32, #tpu.memory_space<hbm>> -> memref<20480x128xf32, #tpu.memory_space<hbm>>
    tpu.wait_indirect_dma semaphore(%arg15 : memref<!tpu.dma_semaphore, #tpu.memory_space<semaphore_mem>>) src(%dma_wait3A_45 : memref<20480x128xf32, #tpu.memory_space<hbm>>) dst(%arg10 : memref<80x128xf32, #tpu.memory_space<vmem>>)
    %run_scoped3A = arith.constant 124 : i32
    "tpu.region"() ({
      %run_scoped3A_54 = tpu.sem_alloc : memref<!tpu.dma_semaphore, #tpu.memory_space<semaphore_mem>>
      %dma_start3A_55 = arith.constant 0 : i32
      %dma_start3A_56 = tpu.memref_slice %arg9[%run_scoped3A, %dma_start3A_55] : memref<125x80xi32, #tpu.memory_space<vmem>> -> memref<1x80xi32, #tpu.memory_space<vmem>>
      %dma_start3A_57 = tpu.memref_squeeze %dma_start3A_56 : memref<1x80xi32, #tpu.memory_space<vmem>> -> memref<80xi32, #tpu.memory_space<vmem>>
      %dma_start3A_58 = arith.constant 0 : i32
      %dma_start3A_59 = arith.constant 0 : i32
      %dma_start3A_60 = tpu.memref_slice %arg12[%dma_start3A_58, %dma_start3A_59] : memref<10240x128xf32, #tpu.memory_space<vmem_shared>> -> memref<10240x128xf32, #tpu.memory_space<vmem_shared>>
      tpu.enqueue_indirect_dma source(%arg10 : memref<80x128xf32, #tpu.memory_space<vmem>>) target(%dma_start3A_60 : memref<10240x128xf32, #tpu.memory_space<vmem_shared>>) offsets(%dma_start3A_57 : memref<80xi32, #tpu.memory_space<vmem>>) semaphore(%run_scoped3A_54 : memref<!tpu.dma_semaphore, #tpu.memory_space<semaphore_mem>>) {add = true}
      %dma_wait3A_61 = arith.constant 0 : i32
      %dma_wait3A_62 = tpu.memref_slice %arg9[%run_scoped3A, %dma_wait3A_61] : memref<125x80xi32, #tpu.memory_space<vmem>> -> memref<1x80xi32, #tpu.memory_space<vmem>>
      %dma_wait3A_63 = tpu.memref_squeeze %dma_wait3A_62 : memref<1x80xi32, #tpu.memory_space<vmem>> -> memref<80xi32, #tpu.memory_space<vmem>>
      %dma_wait3A_64 = arith.constant 0 : i32
      %dma_wait3A_65 = arith.constant 0 : i32
      %dma_wait3A_66 = tpu.memref_slice %arg12[%dma_wait3A_64, %dma_wait3A_65] : memref<10240x128xf32, #tpu.memory_space<vmem_shared>> -> memref<10240x128xf32, #tpu.memory_space<vmem_shared>>
      tpu.wait_indirect_dma semaphore(%run_scoped3A_54 : memref<!tpu.dma_semaphore, #tpu.memory_space<semaphore_mem>>) src(%arg10 : memref<80x128xf32, #tpu.memory_space<vmem>>) dst(%dma_wait3A_66 : memref<10240x128xf32, #tpu.memory_space<vmem_shared>>)
      tpu.yield
    }) : () -> ()
    %barrier3A_46 = arith.constant 0 : index
    tpu.barrier barrier_id(%barrier3A_46)
    %mul3A_47 = arith.constant 640 : i32
    %mul3A_48 = arith.muli %arg1, %mul3A_47 : i32
    %mul3A_49 = arith.constant 10240 : i32
    %mul3A_50 = arith.muli %arg0, %mul3A_49 : i32
    %mul3A_51 = arith.constant 640 : i32
    %mul3A_52 = arith.muli %arg1, %mul3A_51 : i32
    %add3A_53 = arith.addi %mul3A_50, %mul3A_52 : i32
    "tpu.region"() ({
      %run_scoped3A_54 = tpu.sem_alloc : memref<!tpu.dma_semaphore, #tpu.memory_space<semaphore_mem>>
      %dma_start3A_55 = arith.constant 0 : i32
      %dma_start3A_56 = tpu.memref_slice %arg6[%add3A_53, %dma_start3A_55] : memref<20480x128xf32, #tpu.memory_space<hbm>> -> memref<640x128xf32, #tpu.memory_space<hbm>>
      %dma_start3A_57 = arith.constant 0 : i32
      %dma_start3A_58 = tpu.memref_slice %arg12[%mul3A_48, %dma_start3A_57] : memref<10240x128xf32, #tpu.memory_space<vmem_shared>> -> memref<640x128xf32, #tpu.memory_space<vmem_shared>>
      tpu.enqueue_dma source(%dma_start3A_58 : memref<640x128xf32, #tpu.memory_space<vmem_shared>>) target(%dma_start3A_56 : memref<640x128xf32, #tpu.memory_space<hbm>>) target_semaphore(%run_scoped3A_54 : memref<!tpu.dma_semaphore, #tpu.memory_space<semaphore_mem>>)
      %dma_wait3A_59 = arith.constant 0 : i32
      %dma_wait3A_60 = tpu.memref_slice %arg6[%add3A_53, %dma_wait3A_59] : memref<20480x128xf32, #tpu.memory_space<hbm>> -> memref<640x128xf32, #tpu.memory_space<hbm>>
      %dma_wait3A_61 = arith.constant 0 : i32
      %dma_wait3A_62 = tpu.memref_slice %arg12[%mul3A_48, %dma_wait3A_61] : memref<10240x128xf32, #tpu.memory_space<vmem_shared>> -> memref<640x128xf32, #tpu.memory_space<vmem_shared>>
      tpu.wait_dma2 semaphore(%run_scoped3A_54 : memref<!tpu.dma_semaphore, #tpu.memory_space<semaphore_mem>>) src(%dma_wait3A_62 : memref<640x128xf32, #tpu.memory_space<vmem_shared>>) dst(%dma_wait3A_60 : memref<640x128xf32, #tpu.memory_space<hbm>>)
      tpu.yield
    }) : () -> ()
    return
  }
}

module attributes {stable_mosaic.version = 14 : i64} {
  func.func @body(%arg0: i32, %arg1: i32, %arg2: memref<1x2048x24xf32, #tpu.memory_space<vmem>>, %arg3: memref<24x128xf32, #tpu.memory_space<vmem>>, %arg4: memref<1x128xf32, #tpu.memory_space<vmem>>, %arg5: memref<1x2048x128xf32, #tpu.memory_space<vmem>>) attributes {dimension_semantics = [#tpu.dimension_semantics<arbitrary>, #tpu.dimension_semantics<arbitrary>], iteration_bounds = array<i64: 2, 5>, scalar_prefetch = 0 : i64, scratch_operands = 0 : i64, tpu.core_type = #tpu.core_type<tc>, window_params = [{transform_indices = @transform_0, window_bounds = array<i64: 1, 2048, 24>}, {pipeline_mode = #tpu.pipeline_mode<synchronous>, transform_indices = @transform_1, window_bounds = array<i64: 24, 128>}, {pipeline_mode = #tpu.pipeline_mode<synchronous>, transform_indices = @transform_2, window_bounds = array<i64: 1, 128>}, {transform_indices = @transform_3, window_bounds = array<i64: 1, 2048, 128>}]} {
    %get3A = arith.constant 0 : index
    %get3A_0 = arith.constant 0 : index
    %get3A_1 = arith.constant 0 : index
    %get3A_2 = vector.load %arg2[%get3A, %get3A_0, %get3A_1] : memref<1x2048x24xf32, #tpu.memory_space<vmem>>, vector<1x2048x24xf32>
    %get3A_3 = vector.shape_cast %get3A_2 : vector<1x2048x24xf32> to vector<2048x24xf32>
    %get3A_4 = arith.constant 0 : index
    %get3A_5 = arith.constant 0 : index
    %get3A_6 = vector.load %arg3[%get3A_4, %get3A_5] : memref<24x128xf32, #tpu.memory_space<vmem>>, vector<24x128xf32>
    %dot_general3A = arith.constant dense<0.000000e+00> : vector<2048x128xf32>
    %dot_general3A_7 = tpu.matmul %get3A_3, %get3A_6, %dot_general3A {dimension_numbers = #tpu.dot_dimension_numbers<[1], [0], [0], [1], [0, 0, 1, 1], [], []>, transpose_lhs_hint = false} : vector<2048x24xf32>, vector<24x128xf32>, vector<2048x128xf32> -> vector<2048x128xf32>
    %get3A_8 = arith.constant 0 : index
    %get3A_9 = arith.constant 0 : index
    %get3A_10 = vector.load %arg4[%get3A_8, %get3A_9] : memref<1x128xf32, #tpu.memory_space<vmem>>, vector<1x128xf32>
    %add3A = vector.broadcast %get3A_10 : vector<1x128xf32> to vector<2048x128xf32>
    %add3A_11 = arith.addf %dot_general3A_7, %add3A : vector<2048x128xf32>
    %broadcast_in_dim3A = vector.shape_cast %add3A_11 : vector<2048x128xf32> to vector<1x2048x128xf32>
    %swap3A = arith.constant 0 : index
    %swap3A_12 = arith.constant 0 : index
    %swap3A_13 = arith.constant 0 : index
    %swap3A_14 = vector.load %arg5[%swap3A, %swap3A_12, %swap3A_13] : memref<1x2048x128xf32, #tpu.memory_space<vmem>>, vector<1x2048x128xf32>
    tpu.vector_store %arg5[%swap3A, %swap3A_12, %swap3A_13], %broadcast_in_dim3A {strides = array<i32>} : memref<1x2048x128xf32, #tpu.memory_space<vmem>>, vector<1x2048x128xf32>,
    return
  }
  func.func @transform_0(%arg0: i32, %arg1: i32) -> (i32, i32, i32) {
    %c0_i32 = arith.constant 0 : i32
    %c0_i32_0 = arith.constant 0 : i32
    return %arg0, %arg1, %c0_i32 : i32, i32, i32
  }
  func.func @transform_1(%arg0: i32, %arg1: i32) -> (i32, i32) {
    %c0_i32 = arith.constant 0 : i32
    %c0_i32_0 = arith.constant 0 : i32
    %c0_i32_1 = arith.constant 0 : i32
    return %c0_i32, %c0_i32_0 : i32, i32
  }
  func.func @transform_2(%arg0: i32, %arg1: i32) -> (i32, i32) {
    %c0_i32 = arith.constant 0 : i32
    %c0_i32_0 = arith.constant 0 : i32
    %c0_i32_1 = arith.constant 0 : i32
    return %c0_i32, %c0_i32_0 : i32, i32
  }
  func.func @transform_3(%arg0: i32, %arg1: i32) -> (i32, i32, i32) {
    %c0_i32 = arith.constant 0 : i32
    %c0_i32_0 = arith.constant 0 : i32
    return %arg0, %arg1, %c0_i32 : i32, i32, i32
  }
}

module attributes {stable_mosaic.version = 14 : i64} {
  func.func @body(%arg0: i32, %arg1: memref<1x1x128xf32, #tpu.memory_space<vmem>>, %arg2: memref<1x1x128xf32, #tpu.memory_space<vmem>>, %arg3: memref<1x256x256xf32, #tpu.memory_space<vmem>>, %arg4: memref<1x8x256xf32, #tpu.memory_space<vmem>>) attributes {dimension_semantics = [#tpu.dimension_semantics<arbitrary>], iteration_bounds = array<i64: 3>, scalar_prefetch = 0 : i64, scratch_operands = 0 : i64, tpu.core_type = #tpu.core_type<tc>, window_params = [{transform_indices = @transform_0, window_bounds = array<i64: 1, 1, 128>}, {transform_indices = @transform_1, window_bounds = array<i64: 1, 1, 128>}, {transform_indices = @transform_2, window_bounds = array<i64: 1, 256, 256>}, {transform_indices = @transform_3, window_bounds = array<i64: 1, 8, 256>}]} {
    %get3A = arith.constant 0 : index
    %get3A_0 = arith.constant 128 : index
    %get3A_1 = arith.constant 0 : index
    %get3A_2 = vector.load %arg3[%get3A, %get3A_0, %get3A_1] : memref<1x256x256xf32, #tpu.memory_space<vmem>>, vector<1x128x256xf32>
    %get3A_3 = vector.shape_cast %get3A_2 : vector<1x128x256xf32> to vector<128x256xf32>
    %get3A_4 = arith.constant 0 : index
    %get3A_5 = arith.constant 0 : index
    %get3A_6 = arith.constant 0 : index
    %get3A_7 = vector.load %arg1[%get3A_4, %get3A_5, %get3A_6] : memref<1x1x128xf32, #tpu.memory_space<vmem>>, vector<1x1x128xf32>
    %get3A_8 = vector.shape_cast %get3A_7 : vector<1x1x128xf32> to vector<1x128xf32>
    %dot_general3A = arith.constant dense<0.000000e+00> : vector<1x256xf32>
    %dot_general3A_9 = tpu.matmul %get3A_8, %get3A_3, %dot_general3A {dimension_numbers = #tpu.dot_dimension_numbers<[1], [0], [0], [1], [0, 0, 1, 1], [], []>, transpose_lhs_hint = false} : vector<1x128xf32>, vector<128x256xf32>, vector<1x256xf32> -> vector<1x256xf32>
    %get3A_10 = arith.constant 0 : index
    %get3A_11 = arith.constant 0 : index
    %get3A_12 = arith.constant 0 : index
    %get3A_13 = vector.load %arg2[%get3A_10, %get3A_11, %get3A_12] : memref<1x1x128xf32, #tpu.memory_space<vmem>>, vector<1x1x128xf32>
    %get3A_14 = vector.shape_cast %get3A_13 : vector<1x1x128xf32> to vector<1x128xf32>
    %dot_general3A_15 = arith.constant dense<0.000000e+00> : vector<1x256xf32>
    %dot_general3A_16 = tpu.matmul %get3A_14, %get3A_3, %dot_general3A_15 {dimension_numbers = #tpu.dot_dimension_numbers<[1], [0], [0], [1], [0, 0, 1, 1], [], []>, transpose_lhs_hint = false} : vector<1x128xf32>, vector<128x256xf32>, vector<1x256xf32> -> vector<1x256xf32>
    %broadcast_in_dim3A = arith.constant 0.000000e+00 : f32
    %broadcast_in_dim3A_17 = vector.broadcast %broadcast_in_dim3A : f32 to vector<6x256xf32>
    %concatenate3A = tpu.concatenate %dot_general3A_9, %dot_general3A_16, %broadcast_in_dim3A_17 in 0 : vector<1x256xf32>, vector<1x256xf32>, vector<6x256xf32> -> vector<8x256xf32>
    %broadcast_in_dim3A_18 = vector.shape_cast %concatenate3A : vector<8x256xf32> to vector<1x8x256xf32>
    %swap3A = arith.constant 0 : index
    %swap3A_19 = arith.constant 0 : index
    %swap3A_20 = arith.constant 0 : index
    %swap3A_21 = vector.load %arg4[%swap3A, %swap3A_19, %swap3A_20] : memref<1x8x256xf32, #tpu.memory_space<vmem>>, vector<1x8x256xf32>
    tpu.vector_store %arg4[%swap3A, %swap3A_19, %swap3A_20], %broadcast_in_dim3A_18 {strides = array<i32>} : memref<1x8x256xf32, #tpu.memory_space<vmem>>, vector<1x8x256xf32>,
    return
  }
  func.func @transform_0(%arg0: i32) -> (i32, i32, i32) {
    %c0_i32 = arith.constant 0 : i32
    %c0_i32_0 = arith.constant 0 : i32
    %c0_i32_1 = arith.constant 0 : i32
    return %arg0, %c0_i32, %c0_i32_0 : i32, i32, i32
  }
  func.func @transform_1(%arg0: i32) -> (i32, i32, i32) {
    %c0_i32 = arith.constant 0 : i32
    %c0_i32_0 = arith.constant 0 : i32
    %c0_i32_1 = arith.constant 0 : i32
    return %arg0, %c0_i32, %c0_i32_0 : i32, i32, i32
  }
  func.func @transform_2(%arg0: i32) -> (i32, i32, i32) {
    %c0_i32 = arith.constant 0 : i32
    %c0_i32_0 = arith.constant 0 : i32
    %c0_i32_1 = arith.constant 0 : i32
    return %arg0, %c0_i32, %c0_i32_0 : i32, i32, i32
  }
  func.func @transform_3(%arg0: i32) -> (i32, i32, i32) {
    %c0_i32 = arith.constant 0 : i32
    %c0_i32_0 = arith.constant 0 : i32
    %c0_i32_1 = arith.constant 0 : i32
    return %arg0, %c0_i32, %c0_i32_0 : i32, i32, i32
  }
}

module attributes {stable_mosaic.version = 14 : i64} {
  func.func @body(%arg0: i32, %arg1: i32, %arg2: memref<1x2048x128xf32, #tpu.memory_space<vmem>>, %arg3: memref<1x2048x8xf32, #tpu.memory_space<vmem>>, %arg4: memref<128x256xf32, #tpu.memory_space<vmem>>, %arg5: memref<8x256xf32, #tpu.memory_space<vmem>>, %arg6: memref<1x256xf32, #tpu.memory_space<vmem>>, %arg7: memref<1x256xf32, #tpu.memory_space<vmem>>, %arg8: memref<1x256xf32, #tpu.memory_space<vmem>>, %arg9: memref<256x128xf32, #tpu.memory_space<vmem>>, %arg10: memref<1x128xf32, #tpu.memory_space<vmem>>, %arg11: memref<1x2048x128xf32, #tpu.memory_space<vmem>>, %arg12: memref<1x8x128xf32, #tpu.memory_space<vmem>>, %arg13: memref<1x8x8xf32, #tpu.memory_space<vmem>>, %arg14: memref<1x8x256xf32, #tpu.memory_space<vmem>>) attributes {dimension_semantics = [#tpu.dimension_semantics<arbitrary>, #tpu.dimension_semantics<arbitrary>], iteration_bounds = array<i64: 2, 15>, scalar_prefetch = 0 : i64, scratch_operands = 0 : i64, tpu.core_type = #tpu.core_type<tc>, window_params = [{transform_indices = @transform_0, window_bounds = array<i64: 1, 2048, 128>}, {transform_indices = @transform_1, window_bounds = array<i64: 1, 2048, 8>}, {pipeline_mode = #tpu.pipeline_mode<synchronous>, transform_indices = @transform_2, window_bounds = array<i64: 128, 256>}, {pipeline_mode = #tpu.pipeline_mode<synchronous>, transform_indices = @transform_3, window_bounds = array<i64: 8, 256>}, {pipeline_mode = #tpu.pipeline_mode<synchronous>, transform_indices = @transform_4, window_bounds = array<i64: 1, 256>}, {pipeline_mode = #tpu.pipeline_mode<synchronous>, transform_indices = @transform_5, window_bounds = array<i64: 1, 256>}, {pipeline_mode = #tpu.pipeline_mode<synchronous>, transform_indices = @transform_6, window_bounds = array<i64: 1, 256>}, {pipeline_mode = #tpu.pipeline_mode<synchronous>, transform_indices = @transform_7, window_bounds = array<i64: 256, 128>}, {pipeline_mode = #tpu.pipeline_mode<synchronous>, transform_indices = @transform_8, window_bounds = array<i64: 1, 128>}, {transform_indices = @transform_9, window_bounds = array<i64: 1, 2048, 128>}, {transform_indices = @transform_10, window_bounds = array<i64: 1, 8, 128>}, {transform_indices = @transform_11, window_bounds = array<i64: 1, 8, 8>}, {transform_indices = @transform_12, window_bounds = array<i64: 1, 8, 256>}]} {
    %lt3A = arith.constant 5 : i32
    %lt3A_0 = arith.cmpi slt, %arg1, %lt3A : i32
    %convert_element_type3A = arith.extui %lt3A_0 : i1 to i32
    %cond3A = arith.constant 0 : i32
    %cond3A_1 = arith.cmpi ne, %convert_element_type3A, %cond3A : i32
    scf.if %cond3A_1 {
      %get3A = arith.constant 0 : index
      %get3A_13 = arith.constant 0 : index
      %get3A_14 = arith.constant 0 : index
      %get3A_15 = vector.load %arg2[%get3A, %get3A_13, %get3A_14] : memref<1x2048x128xf32, #tpu.memory_space<vmem>>, vector<1x2048x128xf32>
      %get3A_16 = vector.shape_cast %get3A_15 : vector<1x2048x128xf32> to vector<2048x128xf32>
      %reduce_sum3A = arith.constant dense<0.000000e+00> : vector<128xf32>
      %reduce_sum3A_17 = vector.multi_reduction <add>, %get3A_16, %reduce_sum3A [0] : vector<2048x128xf32> to vector<128xf32>
      %broadcast_in_dim3A = vector.shape_cast %reduce_sum3A_17 : vector<128xf32> to vector<1x128xf32>
      %broadcast_in_dim3A_18 = arith.constant 0.000000e+00 : f32
      %broadcast_in_dim3A_19 = vector.broadcast %broadcast_in_dim3A_18 : f32 to vector<7x128xf32>
      %concatenate3A = tpu.concatenate %broadcast_in_dim3A, %broadcast_in_dim3A_19 in 0 : vector<1x128xf32>, vector<7x128xf32> -> vector<8x128xf32>
      %broadcast_in_dim3A_20 = vector.shape_cast %concatenate3A : vector<8x128xf32> to vector<1x8x128xf32>
      %get3A_21 = arith.constant 0 : index
      %get3A_22 = arith.constant 0 : index
      %get3A_23 = arith.constant 0 : index
      %get3A_24 = vector.load %arg3[%get3A_21, %get3A_22, %get3A_23] : memref<1x2048x8xf32, #tpu.memory_space<vmem>>, vector<1x2048x8xf32>
      %get3A_25 = vector.shape_cast %get3A_24 : vector<1x2048x8xf32> to vector<2048x8xf32>
      %reduce_sum3A_26 = arith.constant dense<0.000000e+00> : vector<8xf32>
      %reduce_sum3A_27 = vector.multi_reduction <add>, %get3A_25, %reduce_sum3A_26 [0] : vector<2048x8xf32> to vector<8xf32>
      %broadcast_in_dim3A_28 = vector.shape_cast %reduce_sum3A_27 : vector<8xf32> to vector<1x8xf32>
      %broadcast_in_dim3A_29 = arith.constant 0.000000e+00 : f32
      %broadcast_in_dim3A_30 = vector.broadcast %broadcast_in_dim3A_29 : f32 to vector<7x8xf32>
      %concatenate3A_31 = tpu.concatenate %broadcast_in_dim3A_28, %broadcast_in_dim3A_30 in 0 : vector<1x8xf32>, vector<7x8xf32> -> vector<8x8xf32>
      %broadcast_in_dim3A_32 = vector.shape_cast %concatenate3A_31 : vector<8x8xf32> to vector<1x8x8xf32>
      %eq3A = arith.constant 0 : i32
      %eq3A_33 = arith.cmpi eq, %arg1, %eq3A : i32
      %get3A_34 = arith.constant 0 : index
      %get3A_35 = arith.constant 0 : index
      %get3A_36 = arith.constant 0 : index
      %get3A_37 = vector.load %arg12[%get3A_34, %get3A_35, %get3A_36] : memref<1x8x128xf32, #tpu.memory_space<vmem>>, vector<1x8x128xf32>
      %add3A = arith.addf %get3A_37, %broadcast_in_dim3A_20 : vector<1x8x128xf32>
      %select_n3A = arith.select %eq3A_33, %broadcast_in_dim3A_20, %add3A : vector<1x8x128xf32>
      %swap3A = arith.constant 0 : index
      %swap3A_38 = arith.constant 0 : index
      %swap3A_39 = arith.constant 0 : index
      %swap3A_40 = vector.load %arg12[%swap3A, %swap3A_38, %swap3A_39] : memref<1x8x128xf32, #tpu.memory_space<vmem>>, vector<1x8x128xf32>
      tpu.vector_store %arg12[%swap3A, %swap3A_38, %swap3A_39], %select_n3A {strides = array<i32>} : memref<1x8x128xf32, #tpu.memory_space<vmem>>, vector<1x8x128xf32>,
      %eq3A_41 = arith.constant 0 : i32
      %eq3A_42 = arith.cmpi eq, %arg1, %eq3A_41 : i32
      %get3A_43 = arith.constant 0 : index
      %get3A_44 = arith.constant 0 : index
      %get3A_45 = arith.constant 0 : index
      %get3A_46 = vector.load %arg13[%get3A_43, %get3A_44, %get3A_45] : memref<1x8x8xf32, #tpu.memory_space<vmem>>, vector<1x8x8xf32>
      %add3A_47 = arith.addf %get3A_46, %broadcast_in_dim3A_32 : vector<1x8x8xf32>
      %select_n3A_48 = arith.select %eq3A_42, %broadcast_in_dim3A_32, %add3A_47 : vector<1x8x8xf32>
      %swap3A_49 = arith.constant 0 : index
      %swap3A_50 = arith.constant 0 : index
      %swap3A_51 = arith.constant 0 : index
      %swap3A_52 = vector.load %arg13[%swap3A_49, %swap3A_50, %swap3A_51] : memref<1x8x8xf32, #tpu.memory_space<vmem>>, vector<1x8x8xf32>
      tpu.vector_store %arg13[%swap3A_49, %swap3A_50, %swap3A_51], %select_n3A_48 {strides = array<i32>} : memref<1x8x8xf32, #tpu.memory_space<vmem>>, vector<1x8x8xf32>,
    } else {
    }
    %ge3A = arith.constant 5 : i32
    %ge3A_2 = arith.cmpi sge, %arg1, %ge3A : i32
    %lt3A_3 = arith.constant 10 : i32
    %lt3A_4 = arith.cmpi slt, %arg1, %lt3A_3 : i32
    %and3A = arith.andi %ge3A_2, %lt3A_4 : i1
    %convert_element_type3A_5 = arith.extui %and3A : i1 to i32
    %cond3A_6 = arith.constant 0 : i32
    %cond3A_7 = arith.cmpi ne, %convert_element_type3A_5, %cond3A_6 : i32
    scf.if %cond3A_7 {
      %get3A = arith.constant 0 : index
      %get3A_13 = arith.constant 0 : index
      %get3A_14 = arith.constant 0 : index
      %get3A_15 = vector.load %arg12[%get3A, %get3A_13, %get3A_14] : memref<1x8x128xf32, #tpu.memory_space<vmem>>, vector<1x1x128xf32>
      %get3A_16 = vector.shape_cast %get3A_15 : vector<1x1x128xf32> to vector<1x128xf32>
      %get3A_17 = arith.constant 0 : index
      %get3A_18 = arith.constant 0 : index
      %get3A_19 = vector.load %arg4[%get3A_17, %get3A_18] : memref<128x256xf32, #tpu.memory_space<vmem>>, vector<128x256xf32>
      %dot_general3A = arith.constant dense<0.000000e+00> : vector<1x256xf32>
      %dot_general3A_20 = tpu.matmul %get3A_16, %get3A_19, %dot_general3A {dimension_numbers = #tpu.dot_dimension_numbers<[1], [0], [0], [1], [0, 0, 1, 1], [], []>, transpose_lhs_hint = false} : vector<1x128xf32>, vector<128x256xf32>, vector<1x256xf32> -> vector<1x256xf32>
      %get3A_21 = arith.constant 0 : index
      %get3A_22 = arith.constant 0 : index
      %get3A_23 = arith.constant 0 : index
      %get3A_24 = vector.load %arg13[%get3A_21, %get3A_22, %get3A_23] : memref<1x8x8xf32, #tpu.memory_space<vmem>>, vector<1x1x8xf32>
      %get3A_25 = vector.shape_cast %get3A_24 : vector<1x1x8xf32> to vector<1x8xf32>
      %get3A_26 = arith.constant 0 : index
      %get3A_27 = arith.constant 0 : index
      %get3A_28 = vector.load %arg5[%get3A_26, %get3A_27] : memref<8x256xf32, #tpu.memory_space<vmem>>, vector<8x256xf32>
      %dot_general3A_29 = arith.constant dense<0.000000e+00> : vector<1x256xf32>
      %dot_general3A_30 = tpu.matmul %get3A_25, %get3A_28, %dot_general3A_29 {dimension_numbers = #tpu.dot_dimension_numbers<[1], [0], [0], [1], [0, 0, 1, 1], [], []>, transpose_lhs_hint = false} : vector<1x8xf32>, vector<8x256xf32>, vector<1x256xf32> -> vector<1x256xf32>
      %add3A = arith.addf %dot_general3A_20, %dot_general3A_30 : vector<1x256xf32>
      %mul3A = arith.constant 9.99999974E-5 : f32
      %mul3A_31 = vector.broadcast %mul3A : f32 to vector<1x256xf32>
      %mul3A_32 = arith.mulf %add3A, %mul3A_31 : vector<1x256xf32>
      %get3A_33 = arith.constant 0 : index
      %get3A_34 = arith.constant 0 : index
      %get3A_35 = vector.load %arg6[%get3A_33, %get3A_34] : memref<1x256xf32, #tpu.memory_space<vmem>>, vector<1x256xf32>
      %add3A_36 = arith.addf %mul3A_32, %get3A_35 : vector<1x256xf32>
      %get3A_37 = arith.constant 0 : index
      %get3A_38 = arith.constant 0 : index
      %get3A_39 = arith.constant 0 : index
      %get3A_40 = vector.load %arg2[%get3A_37, %get3A_38, %get3A_39] : memref<1x2048x128xf32, #tpu.memory_space<vmem>>, vector<1x2048x128xf32>
      %get3A_41 = vector.shape_cast %get3A_40 : vector<1x2048x128xf32> to vector<2048x128xf32>
      %convert_element_type3A_42 = arith.truncf %get3A_41 : vector<2048x128xf32> to vector<2048x128xbf16>
      %get3A_43 = arith.constant 0 : index
      %get3A_44 = arith.constant 0 : index
      %get3A_45 = vector.load %arg4[%get3A_43, %get3A_44] : memref<128x256xf32, #tpu.memory_space<vmem>>, vector<128x256xf32>
      %convert_element_type3A_46 = arith.truncf %get3A_45 : vector<128x256xf32> to vector<128x256xbf16>
      %dot_general3A_47 = arith.constant dense<0.000000e+00> : vector<2048x256xf32>
      %dot_general3A_48 = tpu.matmul %convert_element_type3A_42, %convert_element_type3A_46, %dot_general3A_47 {dimension_numbers = #tpu.dot_dimension_numbers<[1], [0], [0], [1], [0, 0, 1, 1], [], []>, transpose_lhs_hint = false} : vector<2048x128xbf16>, vector<128x256xbf16>, vector<2048x256xf32> -> vector<2048x256xf32>
      %get3A_49 = arith.constant 0 : index
      %get3A_50 = arith.constant 0 : index
      %get3A_51 = arith.constant 0 : index
      %get3A_52 = vector.load %arg3[%get3A_49, %get3A_50, %get3A_51] : memref<1x2048x8xf32, #tpu.memory_space<vmem>>, vector<1x2048x8xf32>
      %get3A_53 = vector.shape_cast %get3A_52 : vector<1x2048x8xf32> to vector<2048x8xf32>
      %get3A_54 = arith.constant 0 : index
      %get3A_55 = arith.constant 0 : index
      %get3A_56 = vector.load %arg5[%get3A_54, %get3A_55] : memref<8x256xf32, #tpu.memory_space<vmem>>, vector<8x256xf32>
      %dot_general3A_57 = arith.constant dense<0.000000e+00> : vector<2048x256xf32>
      %dot_general3A_58 = tpu.matmul %get3A_53, %get3A_56, %dot_general3A_57 {dimension_numbers = #tpu.dot_dimension_numbers<[1], [0], [0], [1], [0, 0, 1, 1], [], []>, transpose_lhs_hint = false} : vector<2048x8xf32>, vector<8x256xf32>, vector<2048x256xf32> -> vector<2048x256xf32>
      %add3A_59 = arith.addf %dot_general3A_48, %dot_general3A_58 : vector<2048x256xf32>
      %get3A_60 = arith.constant 0 : index
      %get3A_61 = arith.constant 0 : index
      %get3A_62 = vector.load %arg6[%get3A_60, %get3A_61] : memref<1x256xf32, #tpu.memory_space<vmem>>, vector<1x256xf32>
      %add3A_63 = vector.broadcast %get3A_62 : vector<1x256xf32> to vector<2048x256xf32>
      %add3A_64 = arith.addf %add3A_59, %add3A_63 : vector<2048x256xf32>
      %iota3A = tpu.iota {dimensions = array<i32: 0>} : vector<2048x1xi32>
      %sub3A = arith.constant 5 : i32
      %sub3A_65 = arith.subi %arg1, %sub3A : i32
      %mul3A_66 = arith.constant 2048 : i32
      %mul3A_67 = arith.muli %sub3A_65, %mul3A_66 : i32
      %sub3A_68 = arith.constant 10000 : i32
      %sub3A_69 = arith.subi %sub3A_68, %mul3A_67 : i32
      %lt3A_70 = vector.broadcast %sub3A_69 : i32 to vector<2048x1xi32>
      %lt3A_71 = arith.cmpi slt, %iota3A, %lt3A_70 : vector<2048x1xi32>
      %sub3A_72 = vector.broadcast %add3A_36 : vector<1x256xf32> to vector<2048x256xf32>
      %sub3A_73 = arith.subf %add3A_64, %sub3A_72 : vector<2048x256xf32>
      %jit3A = arith.constant 0.000000e+00 : f32
      %broadcast_in_dim3A = vector.shape_cast %lt3A_71 : vector<2048x1xi1> to vector<2048x1xi1>
      %broadcast_in_dim3A_74 = vector.broadcast %broadcast_in_dim3A : vector<2048x1xi1> to vector<2048x256xi1>
      %broadcast_in_dim3A_75 = vector.broadcast %jit3A : f32 to vector<2048x256xf32>
      %select_n3A = arith.select %broadcast_in_dim3A_74, %sub3A_73, %broadcast_in_dim3A_75 : vector<2048x256xi1>, vector<2048x256xf32>
      %mul3A_76 = arith.mulf %select_n3A, %select_n3A : vector<2048x256xf32>
      %reduce_sum3A = arith.constant dense<0.000000e+00> : vector<256xf32>
      %reduce_sum3A_77 = vector.multi_reduction <add>, %mul3A_76, %reduce_sum3A [0] : vector<2048x256xf32> to vector<256xf32>
      %broadcast_in_dim3A_78 = vector.shape_cast %reduce_sum3A_77 : vector<256xf32> to vector<1x256xf32>
      %broadcast_in_dim3A_79 = arith.constant 0.000000e+00 : f32
      %broadcast_in_dim3A_80 = vector.broadcast %broadcast_in_dim3A_79 : f32 to vector<6x256xf32>
      %concatenate3A = tpu.concatenate %broadcast_in_dim3A_78, %add3A_36, %broadcast_in_dim3A_80 in 0 : vector<1x256xf32>, vector<1x256xf32>, vector<6x256xf32> -> vector<8x256xf32>
      %broadcast_in_dim3A_81 = vector.shape_cast %concatenate3A : vector<8x256xf32> to vector<1x8x256xf32>
      %broadcast_in_dim3A_82 = arith.constant 0.000000e+00 : f32
      %broadcast_in_dim3A_83 = vector.broadcast %broadcast_in_dim3A_82 : f32 to vector<7x256xf32>
      %concatenate3A_84 = tpu.concatenate %broadcast_in_dim3A_78, %broadcast_in_dim3A_83 in 0 : vector<1x256xf32>, vector<7x256xf32> -> vector<8x256xf32>
      %broadcast_in_dim3A_85 = vector.shape_cast %concatenate3A_84 : vector<8x256xf32> to vector<1x8x256xf32>
      %eq3A = arith.constant 5 : i32
      %eq3A_86 = arith.cmpi eq, %arg1, %eq3A : i32
      %get3A_87 = arith.constant 0 : index
      %get3A_88 = arith.constant 0 : index
      %get3A_89 = arith.constant 0 : index
      %get3A_90 = vector.load %arg14[%get3A_87, %get3A_88, %get3A_89] : memref<1x8x256xf32, #tpu.memory_space<vmem>>, vector<1x8x256xf32>
      %add3A_91 = arith.addf %get3A_90, %broadcast_in_dim3A_85 : vector<1x8x256xf32>
      %select_n3A_92 = arith.select %eq3A_86, %broadcast_in_dim3A_81, %add3A_91 : vector<1x8x256xf32>
      %swap3A = arith.constant 0 : index
      %swap3A_93 = arith.constant 0 : index
      %swap3A_94 = arith.constant 0 : index
      %swap3A_95 = vector.load %arg14[%swap3A, %swap3A_93, %swap3A_94] : memref<1x8x256xf32, #tpu.memory_space<vmem>>, vector<1x8x256xf32>
      tpu.vector_store %arg14[%swap3A, %swap3A_93, %swap3A_94], %select_n3A_92 {strides = array<i32>} : memref<1x8x256xf32, #tpu.memory_space<vmem>>, vector<1x8x256xf32>,
    } else {
    }
    %ge3A_8 = arith.constant 10 : i32
    %ge3A_9 = arith.cmpi sge, %arg1, %ge3A_8 : i32
    %convert_element_type3A_10 = arith.extui %ge3A_9 : i1 to i32
    %cond3A_11 = arith.constant 0 : i32
    %cond3A_12 = arith.cmpi ne, %convert_element_type3A_10, %cond3A_11 : i32
    scf.if %cond3A_12 {
      %get3A = arith.constant 0 : index
      %get3A_13 = arith.constant 0 : index
      %get3A_14 = arith.constant 0 : index
      %get3A_15 = vector.load %arg14[%get3A, %get3A_13, %get3A_14] : memref<1x8x256xf32, #tpu.memory_space<vmem>>, vector<1x1x256xf32>
      %get3A_16 = vector.shape_cast %get3A_15 : vector<1x1x256xf32> to vector<256xf32>
      %mul3A = arith.constant 9.99999974E-5 : f32
      %mul3A_17 = vector.broadcast %mul3A : f32 to vector<256xf32>
      %mul3A_18 = arith.mulf %get3A_16, %mul3A_17 : vector<256xf32>
      %get3A_19 = arith.constant 0 : index
      %get3A_20 = arith.constant 1 : index
      %get3A_21 = arith.constant 0 : index
      %get3A_22 = vector.load %arg14[%get3A_19, %get3A_20, %get3A_21] : memref<1x8x256xf32, #tpu.memory_space<vmem>>, vector<1x1x256xf32>
      %get3A_23 = vector.shape_cast %get3A_22 : vector<1x1x256xf32> to vector<256xf32>
      %add3A = arith.constant 9.99999974E-6 : f32
      %add3A_24 = vector.broadcast %add3A : f32 to vector<256xf32>
      %add3A_25 = arith.addf %mul3A_18, %add3A_24 : vector<256xf32>
      %rsqrt3A = math.rsqrt %add3A_25 : vector<256xf32>
      %get3A_26 = arith.constant 0 : index
      %get3A_27 = arith.constant 0 : index
      %get3A_28 = arith.constant 0 : index
      %get3A_29 = vector.load %arg2[%get3A_26, %get3A_27, %get3A_28] : memref<1x2048x128xf32, #tpu.memory_space<vmem>>, vector<1x2048x128xf32>
      %get3A_30 = vector.shape_cast %get3A_29 : vector<1x2048x128xf32> to vector<2048x128xf32>
      %convert_element_type3A_31 = arith.truncf %get3A_30 : vector<2048x128xf32> to vector<2048x128xbf16>
      %get3A_32 = arith.constant 0 : index
      %get3A_33 = arith.constant 0 : index
      %get3A_34 = vector.load %arg4[%get3A_32, %get3A_33] : memref<128x256xf32, #tpu.memory_space<vmem>>, vector<128x256xf32>
      %convert_element_type3A_35 = arith.truncf %get3A_34 : vector<128x256xf32> to vector<128x256xbf16>
      %dot_general3A = arith.constant dense<0.000000e+00> : vector<2048x256xf32>
      %dot_general3A_36 = tpu.matmul %convert_element_type3A_31, %convert_element_type3A_35, %dot_general3A {dimension_numbers = #tpu.dot_dimension_numbers<[1], [0], [0], [1], [0, 0, 1, 1], [], []>, transpose_lhs_hint = false} : vector<2048x128xbf16>, vector<128x256xbf16>, vector<2048x256xf32> -> vector<2048x256xf32>
      %get3A_37 = arith.constant 0 : index
      %get3A_38 = arith.constant 0 : index
      %get3A_39 = arith.constant 0 : index
      %get3A_40 = vector.load %arg3[%get3A_37, %get3A_38, %get3A_39] : memref<1x2048x8xf32, #tpu.memory_space<vmem>>, vector<1x2048x8xf32>
      %get3A_41 = vector.shape_cast %get3A_40 : vector<1x2048x8xf32> to vector<2048x8xf32>
      %get3A_42 = arith.constant 0 : index
      %get3A_43 = arith.constant 0 : index
      %get3A_44 = vector.load %arg5[%get3A_42, %get3A_43] : memref<8x256xf32, #tpu.memory_space<vmem>>, vector<8x256xf32>
      %dot_general3A_45 = arith.constant dense<0.000000e+00> : vector<2048x256xf32>
      %dot_general3A_46 = tpu.matmul %get3A_41, %get3A_44, %dot_general3A_45 {dimension_numbers = #tpu.dot_dimension_numbers<[1], [0], [0], [1], [0, 0, 1, 1], [], []>, transpose_lhs_hint = false} : vector<2048x8xf32>, vector<8x256xf32>, vector<2048x256xf32> -> vector<2048x256xf32>
      %add3A_47 = arith.addf %dot_general3A_36, %dot_general3A_46 : vector<2048x256xf32>
      %get3A_48 = arith.constant 0 : index
      %get3A_49 = arith.constant 0 : index
      %get3A_50 = vector.load %arg6[%get3A_48, %get3A_49] : memref<1x256xf32, #tpu.memory_space<vmem>>, vector<1x256xf32>
      %add3A_51 = vector.broadcast %get3A_50 : vector<1x256xf32> to vector<2048x256xf32>
      %add3A_52 = arith.addf %add3A_47, %add3A_51 : vector<2048x256xf32>
      %broadcast_in_dim3A = vector.shape_cast %get3A_23 : vector<256xf32> to vector<1x256xf32>
      %sub3A = vector.broadcast %broadcast_in_dim3A : vector<1x256xf32> to vector<2048x256xf32>
      %sub3A_53 = arith.subf %add3A_52, %sub3A : vector<2048x256xf32>
      %get3A_54 = arith.constant 0 : index
      %get3A_55 = arith.constant 0 : index
      %get3A_56 = vector.load %arg7[%get3A_54, %get3A_55] : memref<1x256xf32, #tpu.memory_space<vmem>>, vector<1x256xf32>
      %get3A_57 = vector.shape_cast %get3A_56 : vector<1x256xf32> to vector<256xf32>
      %mul3A_58 = arith.mulf %rsqrt3A, %get3A_57 : vector<256xf32>
      %broadcast_in_dim3A_59 = vector.shape_cast %mul3A_58 : vector<256xf32> to vector<1x256xf32>
      %mul3A_60 = vector.broadcast %broadcast_in_dim3A_59 : vector<1x256xf32> to vector<2048x256xf32>
      %mul3A_61 = arith.mulf %sub3A_53, %mul3A_60 : vector<2048x256xf32>
      %get3A_62 = arith.constant 0 : index
      %get3A_63 = arith.constant 0 : index
      %get3A_64 = vector.load %arg8[%get3A_62, %get3A_63] : memref<1x256xf32, #tpu.memory_space<vmem>>, vector<1x256xf32>
      %get3A_65 = vector.shape_cast %get3A_64 : vector<1x256xf32> to vector<256xf32>
      %broadcast_in_dim3A_66 = vector.shape_cast %get3A_65 : vector<256xf32> to vector<1x256xf32>
      %add3A_67 = vector.broadcast %broadcast_in_dim3A_66 : vector<1x256xf32> to vector<2048x256xf32>
      %add3A_68 = arith.addf %mul3A_61, %add3A_67 : vector<2048x256xf32>
      %max3A = arith.constant 0.000000e+00 : f32
      %max3A_69 = vector.broadcast %max3A : f32 to vector<2048x256xf32>
      %max3A_70 = arith.maximumf %add3A_68, %max3A_69 : vector<2048x256xf32>
      %convert_element_type3A_71 = arith.truncf %max3A_70 : vector<2048x256xf32> to vector<2048x256xbf16>
      %get3A_72 = arith.constant 0 : index
      %get3A_73 = arith.constant 0 : index
      %get3A_74 = vector.load %arg9[%get3A_72, %get3A_73] : memref<256x128xf32, #tpu.memory_space<vmem>>, vector<256x128xf32>
      %convert_element_type3A_75 = arith.truncf %get3A_74 : vector<256x128xf32> to vector<256x128xbf16>
      %dot_general3A_76 = arith.constant dense<0.000000e+00> : vector<2048x128xf32>
      %dot_general3A_77 = tpu.matmul %convert_element_type3A_71, %convert_element_type3A_75, %dot_general3A_76 {dimension_numbers = #tpu.dot_dimension_numbers<[1], [0], [0], [1], [0, 0, 1, 1], [], []>, transpose_lhs_hint = false} : vector<2048x256xbf16>, vector<256x128xbf16>, vector<2048x128xf32> -> vector<2048x128xf32>
      %get3A_78 = arith.constant 0 : index
      %get3A_79 = arith.constant 0 : index
      %get3A_80 = vector.load %arg10[%get3A_78, %get3A_79] : memref<1x128xf32, #tpu.memory_space<vmem>>, vector<1x128xf32>
      %add3A_81 = vector.broadcast %get3A_80 : vector<1x128xf32> to vector<2048x128xf32>
      %add3A_82 = arith.addf %dot_general3A_77, %add3A_81 : vector<2048x128xf32>
      %max3A_83 = arith.constant 0.000000e+00 : f32
      %max3A_84 = vector.broadcast %max3A_83 : f32 to vector<2048x128xf32>
      %max3A_85 = arith.maximumf %add3A_82, %max3A_84 : vector<2048x128xf32>
      %broadcast_in_dim3A_86 = vector.shape_cast %max3A_85 : vector<2048x128xf32> to vector<1x2048x128xf32>
      %swap3A = arith.constant 0 : index
      %swap3A_87 = arith.constant 0 : index
      %swap3A_88 = arith.constant 0 : index
      %swap3A_89 = vector.load %arg11[%swap3A, %swap3A_87, %swap3A_88] : memref<1x2048x128xf32, #tpu.memory_space<vmem>>, vector<1x2048x128xf32>
      tpu.vector_store %arg11[%swap3A, %swap3A_87, %swap3A_88], %broadcast_in_dim3A_86 {strides = array<i32>} : memref<1x2048x128xf32, #tpu.memory_space<vmem>>, vector<1x2048x128xf32>,
    } else {
    }
    return
  }
  func.func @transform_0(%arg0: i32, %arg1: i32) -> (i32, i32, i32) {
    %jit3A = arith.constant 5 : i32
    %eq3A = arith.constant 0 : i32
    %eq3A_0 = arith.cmpi eq, %jit3A, %eq3A : i32
    %jit3A_1 = arith.constant 1 : i32
    %select_n3A = arith.select %eq3A_0, %jit3A_1, %jit3A : i32
    %rem3A = arith.remsi %arg1, %select_n3A : i32
    %ne3A = arith.constant 0 : i32
    %ne3A_2 = arith.cmpi ne, %rem3A, %ne3A : i32
    %lt3A = arith.constant 0 : i32
    %lt3A_3 = arith.cmpi slt, %rem3A, %lt3A : i32
    %lt3A_4 = arith.constant 0 : i32
    %lt3A_5 = arith.cmpi slt, %select_n3A, %lt3A_4 : i32
    %ne3A_6 = arith.xori %lt3A_3, %lt3A_5 : i1
    %and3A = arith.andi %ne3A_6, %ne3A_2 : i1
    %add3A = arith.addi %rem3A, %select_n3A : i32
    %select_n3A_7 = arith.select %and3A, %add3A, %rem3A : i32
    %c0_i32 = arith.constant 0 : i32
    %c0_i32_8 = arith.constant 0 : i32
    return %arg0, %select_n3A_7, %c0_i32 : i32, i32, i32
  }
  func.func @transform_1(%arg0: i32, %arg1: i32) -> (i32, i32, i32) {
    %jit3A = arith.constant 5 : i32
    %eq3A = arith.constant 0 : i32
    %eq3A_0 = arith.cmpi eq, %jit3A, %eq3A : i32
    %jit3A_1 = arith.constant 1 : i32
    %select_n3A = arith.select %eq3A_0, %jit3A_1, %jit3A : i32
    %rem3A = arith.remsi %arg1, %select_n3A : i32
    %ne3A = arith.constant 0 : i32
    %ne3A_2 = arith.cmpi ne, %rem3A, %ne3A : i32
    %lt3A = arith.constant 0 : i32
    %lt3A_3 = arith.cmpi slt, %rem3A, %lt3A : i32
    %lt3A_4 = arith.constant 0 : i32
    %lt3A_5 = arith.cmpi slt, %select_n3A, %lt3A_4 : i32
    %ne3A_6 = arith.xori %lt3A_3, %lt3A_5 : i1
    %and3A = arith.andi %ne3A_6, %ne3A_2 : i1
    %add3A = arith.addi %rem3A, %select_n3A : i32
    %select_n3A_7 = arith.select %and3A, %add3A, %rem3A : i32
    %c0_i32 = arith.constant 0 : i32
    %c0_i32_8 = arith.constant 0 : i32
    return %arg0, %select_n3A_7, %c0_i32 : i32, i32, i32
  }
  func.func @transform_2(%arg0: i32, %arg1: i32) -> (i32, i32) {
    %c0_i32 = arith.constant 0 : i32
    %c0_i32_0 = arith.constant 0 : i32
    %c0_i32_1 = arith.constant 0 : i32
    return %c0_i32, %c0_i32_0 : i32, i32
  }
  func.func @transform_3(%arg0: i32, %arg1: i32) -> (i32, i32) {
    %c0_i32 = arith.constant 0 : i32
    %c0_i32_0 = arith.constant 0 : i32
    %c0_i32_1 = arith.constant 0 : i32
    return %c0_i32, %c0_i32_0 : i32, i32
  }
  func.func @transform_4(%arg0: i32, %arg1: i32) -> (i32, i32) {
    %c0_i32 = arith.constant 0 : i32
    %c0_i32_0 = arith.constant 0 : i32
    %c0_i32_1 = arith.constant 0 : i32
    return %c0_i32, %c0_i32_0 : i32, i32
  }
  func.func @transform_5(%arg0: i32, %arg1: i32) -> (i32, i32) {
    %c0_i32 = arith.constant 0 : i32
    %c0_i32_0 = arith.constant 0 : i32
    %c0_i32_1 = arith.constant 0 : i32
    return %c0_i32, %c0_i32_0 : i32, i32
  }
  func.func @transform_6(%arg0: i32, %arg1: i32) -> (i32, i32) {
    %c0_i32 = arith.constant 0 : i32
    %c0_i32_0 = arith.constant 0 : i32
    %c0_i32_1 = arith.constant 0 : i32
    return %c0_i32, %c0_i32_0 : i32, i32
  }
  func.func @transform_7(%arg0: i32, %arg1: i32) -> (i32, i32) {
    %c0_i32 = arith.constant 0 : i32
    %c0_i32_0 = arith.constant 0 : i32
    %c0_i32_1 = arith.constant 0 : i32
    return %c0_i32, %c0_i32_0 : i32, i32
  }
  func.func @transform_8(%arg0: i32, %arg1: i32) -> (i32, i32) {
    %c0_i32 = arith.constant 0 : i32
    %c0_i32_0 = arith.constant 0 : i32
    %c0_i32_1 = arith.constant 0 : i32
    return %c0_i32, %c0_i32_0 : i32, i32
  }
  func.func @transform_9(%arg0: i32, %arg1: i32) -> (i32, i32, i32) {
    %jit3A = arith.constant 5 : i32
    %eq3A = arith.constant 0 : i32
    %eq3A_0 = arith.cmpi eq, %jit3A, %eq3A : i32
    %jit3A_1 = arith.constant 1 : i32
    %select_n3A = arith.select %eq3A_0, %jit3A_1, %jit3A : i32
    %rem3A = arith.remsi %arg1, %select_n3A : i32
    %ne3A = arith.constant 0 : i32
    %ne3A_2 = arith.cmpi ne, %rem3A, %ne3A : i32
    %lt3A = arith.constant 0 : i32
    %lt3A_3 = arith.cmpi slt, %rem3A, %lt3A : i32
    %lt3A_4 = arith.constant 0 : i32
    %lt3A_5 = arith.cmpi slt, %select_n3A, %lt3A_4 : i32
    %ne3A_6 = arith.xori %lt3A_3, %lt3A_5 : i1
    %and3A = arith.andi %ne3A_6, %ne3A_2 : i1
    %add3A = arith.addi %rem3A, %select_n3A : i32
    %select_n3A_7 = arith.select %and3A, %add3A, %rem3A : i32
    %c0_i32 = arith.constant 0 : i32
    %c0_i32_8 = arith.constant 0 : i32
    return %arg0, %select_n3A_7, %c0_i32 : i32, i32, i32
  }
  func.func @transform_10(%arg0: i32, %arg1: i32) -> (i32, i32, i32) {
    %c0_i32 = arith.constant 0 : i32
    %c0_i32_0 = arith.constant 0 : i32
    %c0_i32_1 = arith.constant 0 : i32
    return %arg0, %c0_i32, %c0_i32_0 : i32, i32, i32
  }
  func.func @transform_11(%arg0: i32, %arg1: i32) -> (i32, i32, i32) {
    %c0_i32 = arith.constant 0 : i32
    %c0_i32_0 = arith.constant 0 : i32
    %c0_i32_1 = arith.constant 0 : i32
    return %arg0, %c0_i32, %c0_i32_0 : i32, i32, i32
  }
  func.func @transform_12(%arg0: i32, %arg1: i32) -> (i32, i32, i32) {
    %c0_i32 = arith.constant 0 : i32
    %c0_i32_0 = arith.constant 0 : i32
    %c0_i32_1 = arith.constant 0 : i32
    return %arg0, %c0_i32, %c0_i32_0 : i32, i32, i32
  }
}

module attributes {stable_mosaic.version = 14 : i64} {
  func.func @body(%arg0: i32, %arg1: i32, %arg2: memref<1x2048x128xf32, #tpu.memory_space<vmem>>, %arg3: memref<1x2048x8xf32, #tpu.memory_space<vmem>>, %arg4: memref<128x256xf32, #tpu.memory_space<vmem>>, %arg5: memref<8x256xf32, #tpu.memory_space<vmem>>, %arg6: memref<1x256xf32, #tpu.memory_space<vmem>>, %arg7: memref<1x256xf32, #tpu.memory_space<vmem>>, %arg8: memref<1x256xf32, #tpu.memory_space<vmem>>, %arg9: memref<256x128xf32, #tpu.memory_space<vmem>>, %arg10: memref<1x128xf32, #tpu.memory_space<vmem>>, %arg11: memref<1x2048x128xf32, #tpu.memory_space<vmem>>, %arg12: memref<1x8x128xf32, #tpu.memory_space<vmem>>, %arg13: memref<1x8x8xf32, #tpu.memory_space<vmem>>, %arg14: memref<1x8x256xf32, #tpu.memory_space<vmem>>, %arg15: memref<1x8x128xf32, #tpu.memory_space<vmem>>) attributes {dimension_semantics = [#tpu.dimension_semantics<arbitrary>, #tpu.dimension_semantics<arbitrary>], iteration_bounds = array<i64: 2, 15>, scalar_prefetch = 0 : i64, scratch_operands = 0 : i64, tpu.core_type = #tpu.core_type<tc>, window_params = [{transform_indices = @transform_0, window_bounds = array<i64: 1, 2048, 128>}, {transform_indices = @transform_1, window_bounds = array<i64: 1, 2048, 8>}, {pipeline_mode = #tpu.pipeline_mode<synchronous>, transform_indices = @transform_2, window_bounds = array<i64: 128, 256>}, {pipeline_mode = #tpu.pipeline_mode<synchronous>, transform_indices = @transform_3, window_bounds = array<i64: 8, 256>}, {pipeline_mode = #tpu.pipeline_mode<synchronous>, transform_indices = @transform_4, window_bounds = array<i64: 1, 256>}, {pipeline_mode = #tpu.pipeline_mode<synchronous>, transform_indices = @transform_5, window_bounds = array<i64: 1, 256>}, {pipeline_mode = #tpu.pipeline_mode<synchronous>, transform_indices = @transform_6, window_bounds = array<i64: 1, 256>}, {pipeline_mode = #tpu.pipeline_mode<synchronous>, transform_indices = @transform_7, window_bounds = array<i64: 256, 128>}, {pipeline_mode = #tpu.pipeline_mode<synchronous>, transform_indices = @transform_8, window_bounds = array<i64: 1, 128>}, {transform_indices = @transform_9, window_bounds = array<i64: 1, 2048, 128>}, {transform_indices = @transform_10, window_bounds = array<i64: 1, 8, 128>}, {transform_indices = @transform_11, window_bounds = array<i64: 1, 8, 8>}, {transform_indices = @transform_12, window_bounds = array<i64: 1, 8, 256>}, {transform_indices = @transform_13, window_bounds = array<i64: 1, 8, 128>}]} {
    %lt3A = arith.constant 5 : i32
    %lt3A_0 = arith.cmpi slt, %arg1, %lt3A : i32
    %convert_element_type3A = arith.extui %lt3A_0 : i1 to i32
    %cond3A = arith.constant 0 : i32
    %cond3A_1 = arith.cmpi ne, %convert_element_type3A, %cond3A : i32
    scf.if %cond3A_1 {
      %get3A = arith.constant 0 : index
      %get3A_13 = arith.constant 0 : index
      %get3A_14 = arith.constant 0 : index
      %get3A_15 = vector.load %arg2[%get3A, %get3A_13, %get3A_14] : memref<1x2048x128xf32, #tpu.memory_space<vmem>>, vector<1x2048x128xf32>
      %get3A_16 = vector.shape_cast %get3A_15 : vector<1x2048x128xf32> to vector<2048x128xf32>
      %reduce_sum3A = arith.constant dense<0.000000e+00> : vector<128xf32>
      %reduce_sum3A_17 = vector.multi_reduction <add>, %get3A_16, %reduce_sum3A [0] : vector<2048x128xf32> to vector<128xf32>
      %broadcast_in_dim3A = vector.shape_cast %reduce_sum3A_17 : vector<128xf32> to vector<1x128xf32>
      %broadcast_in_dim3A_18 = arith.constant 0.000000e+00 : f32
      %broadcast_in_dim3A_19 = vector.broadcast %broadcast_in_dim3A_18 : f32 to vector<7x128xf32>
      %concatenate3A = tpu.concatenate %broadcast_in_dim3A, %broadcast_in_dim3A_19 in 0 : vector<1x128xf32>, vector<7x128xf32> -> vector<8x128xf32>
      %broadcast_in_dim3A_20 = vector.shape_cast %concatenate3A : vector<8x128xf32> to vector<1x8x128xf32>
      %get3A_21 = arith.constant 0 : index
      %get3A_22 = arith.constant 0 : index
      %get3A_23 = arith.constant 0 : index
      %get3A_24 = vector.load %arg3[%get3A_21, %get3A_22, %get3A_23] : memref<1x2048x8xf32, #tpu.memory_space<vmem>>, vector<1x2048x8xf32>
      %get3A_25 = vector.shape_cast %get3A_24 : vector<1x2048x8xf32> to vector<2048x8xf32>
      %reduce_sum3A_26 = arith.constant dense<0.000000e+00> : vector<8xf32>
      %reduce_sum3A_27 = vector.multi_reduction <add>, %get3A_25, %reduce_sum3A_26 [0] : vector<2048x8xf32> to vector<8xf32>
      %broadcast_in_dim3A_28 = vector.shape_cast %reduce_sum3A_27 : vector<8xf32> to vector<1x8xf32>
      %broadcast_in_dim3A_29 = arith.constant 0.000000e+00 : f32
      %broadcast_in_dim3A_30 = vector.broadcast %broadcast_in_dim3A_29 : f32 to vector<7x8xf32>
      %concatenate3A_31 = tpu.concatenate %broadcast_in_dim3A_28, %broadcast_in_dim3A_30 in 0 : vector<1x8xf32>, vector<7x8xf32> -> vector<8x8xf32>
      %broadcast_in_dim3A_32 = vector.shape_cast %concatenate3A_31 : vector<8x8xf32> to vector<1x8x8xf32>
      %eq3A = arith.constant 0 : i32
      %eq3A_33 = arith.cmpi eq, %arg1, %eq3A : i32
      %get3A_34 = arith.constant 0 : index
      %get3A_35 = arith.constant 0 : index
      %get3A_36 = arith.constant 0 : index
      %get3A_37 = vector.load %arg12[%get3A_34, %get3A_35, %get3A_36] : memref<1x8x128xf32, #tpu.memory_space<vmem>>, vector<1x8x128xf32>
      %add3A = arith.addf %get3A_37, %broadcast_in_dim3A_20 : vector<1x8x128xf32>
      %select_n3A = arith.select %eq3A_33, %broadcast_in_dim3A_20, %add3A : vector<1x8x128xf32>
      %swap3A = arith.constant 0 : index
      %swap3A_38 = arith.constant 0 : index
      %swap3A_39 = arith.constant 0 : index
      %swap3A_40 = vector.load %arg12[%swap3A, %swap3A_38, %swap3A_39] : memref<1x8x128xf32, #tpu.memory_space<vmem>>, vector<1x8x128xf32>
      tpu.vector_store %arg12[%swap3A, %swap3A_38, %swap3A_39], %select_n3A {strides = array<i32>} : memref<1x8x128xf32, #tpu.memory_space<vmem>>, vector<1x8x128xf32>,
      %eq3A_41 = arith.constant 0 : i32
      %eq3A_42 = arith.cmpi eq, %arg1, %eq3A_41 : i32
      %get3A_43 = arith.constant 0 : index
      %get3A_44 = arith.constant 0 : index
      %get3A_45 = arith.constant 0 : index
      %get3A_46 = vector.load %arg13[%get3A_43, %get3A_44, %get3A_45] : memref<1x8x8xf32, #tpu.memory_space<vmem>>, vector<1x8x8xf32>
      %add3A_47 = arith.addf %get3A_46, %broadcast_in_dim3A_32 : vector<1x8x8xf32>
      %select_n3A_48 = arith.select %eq3A_42, %broadcast_in_dim3A_32, %add3A_47 : vector<1x8x8xf32>
      %swap3A_49 = arith.constant 0 : index
      %swap3A_50 = arith.constant 0 : index
      %swap3A_51 = arith.constant 0 : index
      %swap3A_52 = vector.load %arg13[%swap3A_49, %swap3A_50, %swap3A_51] : memref<1x8x8xf32, #tpu.memory_space<vmem>>, vector<1x8x8xf32>
      tpu.vector_store %arg13[%swap3A_49, %swap3A_50, %swap3A_51], %select_n3A_48 {strides = array<i32>} : memref<1x8x8xf32, #tpu.memory_space<vmem>>, vector<1x8x8xf32>,
    } else {
    }
    %ge3A = arith.constant 5 : i32
    %ge3A_2 = arith.cmpi sge, %arg1, %ge3A : i32
    %lt3A_3 = arith.constant 10 : i32
    %lt3A_4 = arith.cmpi slt, %arg1, %lt3A_3 : i32
    %and3A = arith.andi %ge3A_2, %lt3A_4 : i1
    %convert_element_type3A_5 = arith.extui %and3A : i1 to i32
    %cond3A_6 = arith.constant 0 : i32
    %cond3A_7 = arith.cmpi ne, %convert_element_type3A_5, %cond3A_6 : i32
    scf.if %cond3A_7 {
      %get3A = arith.constant 0 : index
      %get3A_13 = arith.constant 0 : index
      %get3A_14 = arith.constant 0 : index
      %get3A_15 = vector.load %arg12[%get3A, %get3A_13, %get3A_14] : memref<1x8x128xf32, #tpu.memory_space<vmem>>, vector<1x1x128xf32>
      %get3A_16 = vector.shape_cast %get3A_15 : vector<1x1x128xf32> to vector<1x128xf32>
      %get3A_17 = arith.constant 0 : index
      %get3A_18 = arith.constant 0 : index
      %get3A_19 = vector.load %arg4[%get3A_17, %get3A_18] : memref<128x256xf32, #tpu.memory_space<vmem>>, vector<128x256xf32>
      %dot_general3A = arith.constant dense<0.000000e+00> : vector<1x256xf32>
      %dot_general3A_20 = tpu.matmul %get3A_16, %get3A_19, %dot_general3A {dimension_numbers = #tpu.dot_dimension_numbers<[1], [0], [0], [1], [0, 0, 1, 1], [], []>, transpose_lhs_hint = false} : vector<1x128xf32>, vector<128x256xf32>, vector<1x256xf32> -> vector<1x256xf32>
      %get3A_21 = arith.constant 0 : index
      %get3A_22 = arith.constant 0 : index
      %get3A_23 = arith.constant 0 : index
      %get3A_24 = vector.load %arg13[%get3A_21, %get3A_22, %get3A_23] : memref<1x8x8xf32, #tpu.memory_space<vmem>>, vector<1x1x8xf32>
      %get3A_25 = vector.shape_cast %get3A_24 : vector<1x1x8xf32> to vector<1x8xf32>
      %get3A_26 = arith.constant 0 : index
      %get3A_27 = arith.constant 0 : index
      %get3A_28 = vector.load %arg5[%get3A_26, %get3A_27] : memref<8x256xf32, #tpu.memory_space<vmem>>, vector<8x256xf32>
      %dot_general3A_29 = arith.constant dense<0.000000e+00> : vector<1x256xf32>
      %dot_general3A_30 = tpu.matmul %get3A_25, %get3A_28, %dot_general3A_29 {dimension_numbers = #tpu.dot_dimension_numbers<[1], [0], [0], [1], [0, 0, 1, 1], [], []>, transpose_lhs_hint = false} : vector<1x8xf32>, vector<8x256xf32>, vector<1x256xf32> -> vector<1x256xf32>
      %add3A = arith.addf %dot_general3A_20, %dot_general3A_30 : vector<1x256xf32>
      %mul3A = arith.constant 9.99999974E-5 : f32
      %mul3A_31 = vector.broadcast %mul3A : f32 to vector<1x256xf32>
      %mul3A_32 = arith.mulf %add3A, %mul3A_31 : vector<1x256xf32>
      %get3A_33 = arith.constant 0 : index
      %get3A_34 = arith.constant 0 : index
      %get3A_35 = vector.load %arg6[%get3A_33, %get3A_34] : memref<1x256xf32, #tpu.memory_space<vmem>>, vector<1x256xf32>
      %add3A_36 = arith.addf %mul3A_32, %get3A_35 : vector<1x256xf32>
      %get3A_37 = arith.constant 0 : index
      %get3A_38 = arith.constant 0 : index
      %get3A_39 = arith.constant 0 : index
      %get3A_40 = vector.load %arg2[%get3A_37, %get3A_38, %get3A_39] : memref<1x2048x128xf32, #tpu.memory_space<vmem>>, vector<1x2048x128xf32>
      %get3A_41 = vector.shape_cast %get3A_40 : vector<1x2048x128xf32> to vector<2048x128xf32>
      %convert_element_type3A_42 = arith.truncf %get3A_41 : vector<2048x128xf32> to vector<2048x128xbf16>
      %get3A_43 = arith.constant 0 : index
      %get3A_44 = arith.constant 0 : index
      %get3A_45 = vector.load %arg4[%get3A_43, %get3A_44] : memref<128x256xf32, #tpu.memory_space<vmem>>, vector<128x256xf32>
      %convert_element_type3A_46 = arith.truncf %get3A_45 : vector<128x256xf32> to vector<128x256xbf16>
      %dot_general3A_47 = arith.constant dense<0.000000e+00> : vector<2048x256xf32>
      %dot_general3A_48 = tpu.matmul %convert_element_type3A_42, %convert_element_type3A_46, %dot_general3A_47 {dimension_numbers = #tpu.dot_dimension_numbers<[1], [0], [0], [1], [0, 0, 1, 1], [], []>, transpose_lhs_hint = false} : vector<2048x128xbf16>, vector<128x256xbf16>, vector<2048x256xf32> -> vector<2048x256xf32>
      %get3A_49 = arith.constant 0 : index
      %get3A_50 = arith.constant 0 : index
      %get3A_51 = arith.constant 0 : index
      %get3A_52 = vector.load %arg3[%get3A_49, %get3A_50, %get3A_51] : memref<1x2048x8xf32, #tpu.memory_space<vmem>>, vector<1x2048x8xf32>
      %get3A_53 = vector.shape_cast %get3A_52 : vector<1x2048x8xf32> to vector<2048x8xf32>
      %get3A_54 = arith.constant 0 : index
      %get3A_55 = arith.constant 0 : index
      %get3A_56 = vector.load %arg5[%get3A_54, %get3A_55] : memref<8x256xf32, #tpu.memory_space<vmem>>, vector<8x256xf32>
      %dot_general3A_57 = arith.constant dense<0.000000e+00> : vector<2048x256xf32>
      %dot_general3A_58 = tpu.matmul %get3A_53, %get3A_56, %dot_general3A_57 {dimension_numbers = #tpu.dot_dimension_numbers<[1], [0], [0], [1], [0, 0, 1, 1], [], []>, transpose_lhs_hint = false} : vector<2048x8xf32>, vector<8x256xf32>, vector<2048x256xf32> -> vector<2048x256xf32>
      %add3A_59 = arith.addf %dot_general3A_48, %dot_general3A_58 : vector<2048x256xf32>
      %get3A_60 = arith.constant 0 : index
      %get3A_61 = arith.constant 0 : index
      %get3A_62 = vector.load %arg6[%get3A_60, %get3A_61] : memref<1x256xf32, #tpu.memory_space<vmem>>, vector<1x256xf32>
      %add3A_63 = vector.broadcast %get3A_62 : vector<1x256xf32> to vector<2048x256xf32>
      %add3A_64 = arith.addf %add3A_59, %add3A_63 : vector<2048x256xf32>
      %iota3A = tpu.iota {dimensions = array<i32: 0>} : vector<2048x1xi32>
      %sub3A = arith.constant 5 : i32
      %sub3A_65 = arith.subi %arg1, %sub3A : i32
      %mul3A_66 = arith.constant 2048 : i32
      %mul3A_67 = arith.muli %sub3A_65, %mul3A_66 : i32
      %sub3A_68 = arith.constant 10000 : i32
      %sub3A_69 = arith.subi %sub3A_68, %mul3A_67 : i32
      %lt3A_70 = vector.broadcast %sub3A_69 : i32 to vector<2048x1xi32>
      %lt3A_71 = arith.cmpi slt, %iota3A, %lt3A_70 : vector<2048x1xi32>
      %sub3A_72 = vector.broadcast %add3A_36 : vector<1x256xf32> to vector<2048x256xf32>
      %sub3A_73 = arith.subf %add3A_64, %sub3A_72 : vector<2048x256xf32>
      %jit3A = arith.constant 0.000000e+00 : f32
      %broadcast_in_dim3A = vector.shape_cast %lt3A_71 : vector<2048x1xi1> to vector<2048x1xi1>
      %broadcast_in_dim3A_74 = vector.broadcast %broadcast_in_dim3A : vector<2048x1xi1> to vector<2048x256xi1>
      %broadcast_in_dim3A_75 = vector.broadcast %jit3A : f32 to vector<2048x256xf32>
      %select_n3A = arith.select %broadcast_in_dim3A_74, %sub3A_73, %broadcast_in_dim3A_75 : vector<2048x256xi1>, vector<2048x256xf32>
      %mul3A_76 = arith.mulf %select_n3A, %select_n3A : vector<2048x256xf32>
      %reduce_sum3A = arith.constant dense<0.000000e+00> : vector<256xf32>
      %reduce_sum3A_77 = vector.multi_reduction <add>, %mul3A_76, %reduce_sum3A [0] : vector<2048x256xf32> to vector<256xf32>
      %broadcast_in_dim3A_78 = vector.shape_cast %reduce_sum3A_77 : vector<256xf32> to vector<1x256xf32>
      %broadcast_in_dim3A_79 = arith.constant 0.000000e+00 : f32
      %broadcast_in_dim3A_80 = vector.broadcast %broadcast_in_dim3A_79 : f32 to vector<6x256xf32>
      %concatenate3A = tpu.concatenate %broadcast_in_dim3A_78, %add3A_36, %broadcast_in_dim3A_80 in 0 : vector<1x256xf32>, vector<1x256xf32>, vector<6x256xf32> -> vector<8x256xf32>
      %broadcast_in_dim3A_81 = vector.shape_cast %concatenate3A : vector<8x256xf32> to vector<1x8x256xf32>
      %broadcast_in_dim3A_82 = arith.constant 0.000000e+00 : f32
      %broadcast_in_dim3A_83 = vector.broadcast %broadcast_in_dim3A_82 : f32 to vector<7x256xf32>
      %concatenate3A_84 = tpu.concatenate %broadcast_in_dim3A_78, %broadcast_in_dim3A_83 in 0 : vector<1x256xf32>, vector<7x256xf32> -> vector<8x256xf32>
      %broadcast_in_dim3A_85 = vector.shape_cast %concatenate3A_84 : vector<8x256xf32> to vector<1x8x256xf32>
      %eq3A = arith.constant 5 : i32
      %eq3A_86 = arith.cmpi eq, %arg1, %eq3A : i32
      %get3A_87 = arith.constant 0 : index
      %get3A_88 = arith.constant 0 : index
      %get3A_89 = arith.constant 0 : index
      %get3A_90 = vector.load %arg14[%get3A_87, %get3A_88, %get3A_89] : memref<1x8x256xf32, #tpu.memory_space<vmem>>, vector<1x8x256xf32>
      %add3A_91 = arith.addf %get3A_90, %broadcast_in_dim3A_85 : vector<1x8x256xf32>
      %select_n3A_92 = arith.select %eq3A_86, %broadcast_in_dim3A_81, %add3A_91 : vector<1x8x256xf32>
      %swap3A = arith.constant 0 : index
      %swap3A_93 = arith.constant 0 : index
      %swap3A_94 = arith.constant 0 : index
      %swap3A_95 = vector.load %arg14[%swap3A, %swap3A_93, %swap3A_94] : memref<1x8x256xf32, #tpu.memory_space<vmem>>, vector<1x8x256xf32>
      tpu.vector_store %arg14[%swap3A, %swap3A_93, %swap3A_94], %select_n3A_92 {strides = array<i32>} : memref<1x8x256xf32, #tpu.memory_space<vmem>>, vector<1x8x256xf32>,
    } else {
    }
    %ge3A_8 = arith.constant 10 : i32
    %ge3A_9 = arith.cmpi sge, %arg1, %ge3A_8 : i32
    %convert_element_type3A_10 = arith.extui %ge3A_9 : i1 to i32
    %cond3A_11 = arith.constant 0 : i32
    %cond3A_12 = arith.cmpi ne, %convert_element_type3A_10, %cond3A_11 : i32
    scf.if %cond3A_12 {
      %get3A = arith.constant 0 : index
      %get3A_13 = arith.constant 0 : index
      %get3A_14 = arith.constant 0 : index
      %get3A_15 = vector.load %arg14[%get3A, %get3A_13, %get3A_14] : memref<1x8x256xf32, #tpu.memory_space<vmem>>, vector<1x1x256xf32>
      %get3A_16 = vector.shape_cast %get3A_15 : vector<1x1x256xf32> to vector<256xf32>
      %mul3A = arith.constant 9.99999974E-5 : f32
      %mul3A_17 = vector.broadcast %mul3A : f32 to vector<256xf32>
      %mul3A_18 = arith.mulf %get3A_16, %mul3A_17 : vector<256xf32>
      %get3A_19 = arith.constant 0 : index
      %get3A_20 = arith.constant 1 : index
      %get3A_21 = arith.constant 0 : index
      %get3A_22 = vector.load %arg14[%get3A_19, %get3A_20, %get3A_21] : memref<1x8x256xf32, #tpu.memory_space<vmem>>, vector<1x1x256xf32>
      %get3A_23 = vector.shape_cast %get3A_22 : vector<1x1x256xf32> to vector<256xf32>
      %add3A = arith.constant 9.99999974E-6 : f32
      %add3A_24 = vector.broadcast %add3A : f32 to vector<256xf32>
      %add3A_25 = arith.addf %mul3A_18, %add3A_24 : vector<256xf32>
      %rsqrt3A = math.rsqrt %add3A_25 : vector<256xf32>
      %get3A_26 = arith.constant 0 : index
      %get3A_27 = arith.constant 0 : index
      %get3A_28 = arith.constant 0 : index
      %get3A_29 = vector.load %arg2[%get3A_26, %get3A_27, %get3A_28] : memref<1x2048x128xf32, #tpu.memory_space<vmem>>, vector<1x2048x128xf32>
      %get3A_30 = vector.shape_cast %get3A_29 : vector<1x2048x128xf32> to vector<2048x128xf32>
      %convert_element_type3A_31 = arith.truncf %get3A_30 : vector<2048x128xf32> to vector<2048x128xbf16>
      %get3A_32 = arith.constant 0 : index
      %get3A_33 = arith.constant 0 : index
      %get3A_34 = vector.load %arg4[%get3A_32, %get3A_33] : memref<128x256xf32, #tpu.memory_space<vmem>>, vector<128x256xf32>
      %convert_element_type3A_35 = arith.truncf %get3A_34 : vector<128x256xf32> to vector<128x256xbf16>
      %dot_general3A = arith.constant dense<0.000000e+00> : vector<2048x256xf32>
      %dot_general3A_36 = tpu.matmul %convert_element_type3A_31, %convert_element_type3A_35, %dot_general3A {dimension_numbers = #tpu.dot_dimension_numbers<[1], [0], [0], [1], [0, 0, 1, 1], [], []>, transpose_lhs_hint = false} : vector<2048x128xbf16>, vector<128x256xbf16>, vector<2048x256xf32> -> vector<2048x256xf32>
      %get3A_37 = arith.constant 0 : index
      %get3A_38 = arith.constant 0 : index
      %get3A_39 = arith.constant 0 : index
      %get3A_40 = vector.load %arg3[%get3A_37, %get3A_38, %get3A_39] : memref<1x2048x8xf32, #tpu.memory_space<vmem>>, vector<1x2048x8xf32>
      %get3A_41 = vector.shape_cast %get3A_40 : vector<1x2048x8xf32> to vector<2048x8xf32>
      %get3A_42 = arith.constant 0 : index
      %get3A_43 = arith.constant 0 : index
      %get3A_44 = vector.load %arg5[%get3A_42, %get3A_43] : memref<8x256xf32, #tpu.memory_space<vmem>>, vector<8x256xf32>
      %dot_general3A_45 = arith.constant dense<0.000000e+00> : vector<2048x256xf32>
      %dot_general3A_46 = tpu.matmul %get3A_41, %get3A_44, %dot_general3A_45 {dimension_numbers = #tpu.dot_dimension_numbers<[1], [0], [0], [1], [0, 0, 1, 1], [], []>, transpose_lhs_hint = false} : vector<2048x8xf32>, vector<8x256xf32>, vector<2048x256xf32> -> vector<2048x256xf32>
      %add3A_47 = arith.addf %dot_general3A_36, %dot_general3A_46 : vector<2048x256xf32>
      %get3A_48 = arith.constant 0 : index
      %get3A_49 = arith.constant 0 : index
      %get3A_50 = vector.load %arg6[%get3A_48, %get3A_49] : memref<1x256xf32, #tpu.memory_space<vmem>>, vector<1x256xf32>
      %add3A_51 = vector.broadcast %get3A_50 : vector<1x256xf32> to vector<2048x256xf32>
      %add3A_52 = arith.addf %add3A_47, %add3A_51 : vector<2048x256xf32>
      %broadcast_in_dim3A = vector.shape_cast %get3A_23 : vector<256xf32> to vector<1x256xf32>
      %sub3A = vector.broadcast %broadcast_in_dim3A : vector<1x256xf32> to vector<2048x256xf32>
      %sub3A_53 = arith.subf %add3A_52, %sub3A : vector<2048x256xf32>
      %get3A_54 = arith.constant 0 : index
      %get3A_55 = arith.constant 0 : index
      %get3A_56 = vector.load %arg7[%get3A_54, %get3A_55] : memref<1x256xf32, #tpu.memory_space<vmem>>, vector<1x256xf32>
      %get3A_57 = vector.shape_cast %get3A_56 : vector<1x256xf32> to vector<256xf32>
      %mul3A_58 = arith.mulf %rsqrt3A, %get3A_57 : vector<256xf32>
      %broadcast_in_dim3A_59 = vector.shape_cast %mul3A_58 : vector<256xf32> to vector<1x256xf32>
      %mul3A_60 = vector.broadcast %broadcast_in_dim3A_59 : vector<1x256xf32> to vector<2048x256xf32>
      %mul3A_61 = arith.mulf %sub3A_53, %mul3A_60 : vector<2048x256xf32>
      %get3A_62 = arith.constant 0 : index
      %get3A_63 = arith.constant 0 : index
      %get3A_64 = vector.load %arg8[%get3A_62, %get3A_63] : memref<1x256xf32, #tpu.memory_space<vmem>>, vector<1x256xf32>
      %get3A_65 = vector.shape_cast %get3A_64 : vector<1x256xf32> to vector<256xf32>
      %broadcast_in_dim3A_66 = vector.shape_cast %get3A_65 : vector<256xf32> to vector<1x256xf32>
      %add3A_67 = vector.broadcast %broadcast_in_dim3A_66 : vector<1x256xf32> to vector<2048x256xf32>
      %add3A_68 = arith.addf %mul3A_61, %add3A_67 : vector<2048x256xf32>
      %max3A = arith.constant 0.000000e+00 : f32
      %max3A_69 = vector.broadcast %max3A : f32 to vector<2048x256xf32>
      %max3A_70 = arith.maximumf %add3A_68, %max3A_69 : vector<2048x256xf32>
      %convert_element_type3A_71 = arith.truncf %max3A_70 : vector<2048x256xf32> to vector<2048x256xbf16>
      %get3A_72 = arith.constant 0 : index
      %get3A_73 = arith.constant 0 : index
      %get3A_74 = vector.load %arg9[%get3A_72, %get3A_73] : memref<256x128xf32, #tpu.memory_space<vmem>>, vector<256x128xf32>
      %convert_element_type3A_75 = arith.truncf %get3A_74 : vector<256x128xf32> to vector<256x128xbf16>
      %dot_general3A_76 = arith.constant dense<0.000000e+00> : vector<2048x128xf32>
      %dot_general3A_77 = tpu.matmul %convert_element_type3A_71, %convert_element_type3A_75, %dot_general3A_76 {dimension_numbers = #tpu.dot_dimension_numbers<[1], [0], [0], [1], [0, 0, 1, 1], [], []>, transpose_lhs_hint = false} : vector<2048x256xbf16>, vector<256x128xbf16>, vector<2048x128xf32> -> vector<2048x128xf32>
      %get3A_78 = arith.constant 0 : index
      %get3A_79 = arith.constant 0 : index
      %get3A_80 = vector.load %arg10[%get3A_78, %get3A_79] : memref<1x128xf32, #tpu.memory_space<vmem>>, vector<1x128xf32>
      %add3A_81 = vector.broadcast %get3A_80 : vector<1x128xf32> to vector<2048x128xf32>
      %add3A_82 = arith.addf %dot_general3A_77, %add3A_81 : vector<2048x128xf32>
      %broadcast_in_dim3A_83 = vector.shape_cast %add3A_82 : vector<2048x128xf32> to vector<1x2048x128xf32>
      %swap3A = arith.constant 0 : index
      %swap3A_84 = arith.constant 0 : index
      %swap3A_85 = arith.constant 0 : index
      %swap3A_86 = vector.load %arg11[%swap3A, %swap3A_84, %swap3A_85] : memref<1x2048x128xf32, #tpu.memory_space<vmem>>, vector<1x2048x128xf32>
      tpu.vector_store %arg11[%swap3A, %swap3A_84, %swap3A_85], %broadcast_in_dim3A_83 {strides = array<i32>} : memref<1x2048x128xf32, #tpu.memory_space<vmem>>, vector<1x2048x128xf32>,
      %iota3A = tpu.iota {dimensions = array<i32: 0>} : vector<2048x1xi32>
      %sub3A_87 = arith.constant 10 : i32
      %sub3A_88 = arith.subi %arg1, %sub3A_87 : i32
      %mul3A_89 = arith.constant 2048 : i32
      %mul3A_90 = arith.muli %sub3A_88, %mul3A_89 : i32
      %sub3A_91 = arith.constant 10000 : i32
      %sub3A_92 = arith.subi %sub3A_91, %mul3A_90 : i32
      %lt3A_93 = vector.broadcast %sub3A_92 : i32 to vector<2048x1xi32>
      %lt3A_94 = arith.cmpi slt, %iota3A, %lt3A_93 : vector<2048x1xi32>
      %jit3A = arith.constant 0.000000e+00 : f32
      %broadcast_in_dim3A_95 = vector.shape_cast %lt3A_94 : vector<2048x1xi1> to vector<2048x1xi1>
      %broadcast_in_dim3A_96 = vector.broadcast %broadcast_in_dim3A_95 : vector<2048x1xi1> to vector<2048x128xi1>
      %broadcast_in_dim3A_97 = vector.broadcast %jit3A : f32 to vector<2048x128xf32>
      %select_n3A = arith.select %broadcast_in_dim3A_96, %add3A_82, %broadcast_in_dim3A_97 : vector<2048x128xi1>, vector<2048x128xf32>
      %reduce_sum3A = arith.constant dense<0.000000e+00> : vector<128xf32>
      %reduce_sum3A_98 = vector.multi_reduction <add>, %select_n3A, %reduce_sum3A [0] : vector<2048x128xf32> to vector<128xf32>
      %broadcast_in_dim3A_99 = vector.shape_cast %reduce_sum3A_98 : vector<128xf32> to vector<1x128xf32>
      %broadcast_in_dim3A_100 = arith.constant 0.000000e+00 : f32
      %broadcast_in_dim3A_101 = vector.broadcast %broadcast_in_dim3A_100 : f32 to vector<7x128xf32>
      %concatenate3A = tpu.concatenate %broadcast_in_dim3A_99, %broadcast_in_dim3A_101 in 0 : vector<1x128xf32>, vector<7x128xf32> -> vector<8x128xf32>
      %broadcast_in_dim3A_102 = vector.shape_cast %concatenate3A : vector<8x128xf32> to vector<1x8x128xf32>
      %eq3A = arith.constant 10 : i32
      %eq3A_103 = arith.cmpi eq, %arg1, %eq3A : i32
      %get3A_104 = arith.constant 0 : index
      %get3A_105 = arith.constant 0 : index
      %get3A_106 = arith.constant 0 : index
      %get3A_107 = vector.load %arg15[%get3A_104, %get3A_105, %get3A_106] : memref<1x8x128xf32, #tpu.memory_space<vmem>>, vector<1x8x128xf32>
      %add3A_108 = arith.addf %get3A_107, %broadcast_in_dim3A_102 : vector<1x8x128xf32>
      %select_n3A_109 = arith.select %eq3A_103, %broadcast_in_dim3A_102, %add3A_108 : vector<1x8x128xf32>
      %swap3A_110 = arith.constant 0 : index
      %swap3A_111 = arith.constant 0 : index
      %swap3A_112 = arith.constant 0 : index
      %swap3A_113 = vector.load %arg15[%swap3A_110, %swap3A_111, %swap3A_112] : memref<1x8x128xf32, #tpu.memory_space<vmem>>, vector<1x8x128xf32>
      tpu.vector_store %arg15[%swap3A_110, %swap3A_111, %swap3A_112], %select_n3A_109 {strides = array<i32>} : memref<1x8x128xf32, #tpu.memory_space<vmem>>, vector<1x8x128xf32>,
    } else {
    }
    return
  }
  func.func @transform_0(%arg0: i32, %arg1: i32) -> (i32, i32, i32) {
    %jit3A = arith.constant 5 : i32
    %eq3A = arith.constant 0 : i32
    %eq3A_0 = arith.cmpi eq, %jit3A, %eq3A : i32
    %jit3A_1 = arith.constant 1 : i32
    %select_n3A = arith.select %eq3A_0, %jit3A_1, %jit3A : i32
    %rem3A = arith.remsi %arg1, %select_n3A : i32
    %ne3A = arith.constant 0 : i32
    %ne3A_2 = arith.cmpi ne, %rem3A, %ne3A : i32
    %lt3A = arith.constant 0 : i32
    %lt3A_3 = arith.cmpi slt, %rem3A, %lt3A : i32
    %lt3A_4 = arith.constant 0 : i32
    %lt3A_5 = arith.cmpi slt, %select_n3A, %lt3A_4 : i32
    %ne3A_6 = arith.xori %lt3A_3, %lt3A_5 : i1
    %and3A = arith.andi %ne3A_6, %ne3A_2 : i1
    %add3A = arith.addi %rem3A, %select_n3A : i32
    %select_n3A_7 = arith.select %and3A, %add3A, %rem3A : i32
    %c0_i32 = arith.constant 0 : i32
    %c0_i32_8 = arith.constant 0 : i32
    return %arg0, %select_n3A_7, %c0_i32 : i32, i32, i32
  }
  func.func @transform_1(%arg0: i32, %arg1: i32) -> (i32, i32, i32) {
    %jit3A = arith.constant 5 : i32
    %eq3A = arith.constant 0 : i32
    %eq3A_0 = arith.cmpi eq, %jit3A, %eq3A : i32
    %jit3A_1 = arith.constant 1 : i32
    %select_n3A = arith.select %eq3A_0, %jit3A_1, %jit3A : i32
    %rem3A = arith.remsi %arg1, %select_n3A : i32
    %ne3A = arith.constant 0 : i32
    %ne3A_2 = arith.cmpi ne, %rem3A, %ne3A : i32
    %lt3A = arith.constant 0 : i32
    %lt3A_3 = arith.cmpi slt, %rem3A, %lt3A : i32
    %lt3A_4 = arith.constant 0 : i32
    %lt3A_5 = arith.cmpi slt, %select_n3A, %lt3A_4 : i32
    %ne3A_6 = arith.xori %lt3A_3, %lt3A_5 : i1
    %and3A = arith.andi %ne3A_6, %ne3A_2 : i1
    %add3A = arith.addi %rem3A, %select_n3A : i32
    %select_n3A_7 = arith.select %and3A, %add3A, %rem3A : i32
    %c0_i32 = arith.constant 0 : i32
    %c0_i32_8 = arith.constant 0 : i32
    return %arg0, %select_n3A_7, %c0_i32 : i32, i32, i32
  }
  func.func @transform_2(%arg0: i32, %arg1: i32) -> (i32, i32) {
    %c0_i32 = arith.constant 0 : i32
    %c0_i32_0 = arith.constant 0 : i32
    %c0_i32_1 = arith.constant 0 : i32
    return %c0_i32, %c0_i32_0 : i32, i32
  }
  func.func @transform_3(%arg0: i32, %arg1: i32) -> (i32, i32) {
    %c0_i32 = arith.constant 0 : i32
    %c0_i32_0 = arith.constant 0 : i32
    %c0_i32_1 = arith.constant 0 : i32
    return %c0_i32, %c0_i32_0 : i32, i32
  }
  func.func @transform_4(%arg0: i32, %arg1: i32) -> (i32, i32) {
    %c0_i32 = arith.constant 0 : i32
    %c0_i32_0 = arith.constant 0 : i32
    %c0_i32_1 = arith.constant 0 : i32
    return %c0_i32, %c0_i32_0 : i32, i32
  }
  func.func @transform_5(%arg0: i32, %arg1: i32) -> (i32, i32) {
    %c0_i32 = arith.constant 0 : i32
    %c0_i32_0 = arith.constant 0 : i32
    %c0_i32_1 = arith.constant 0 : i32
    return %c0_i32, %c0_i32_0 : i32, i32
  }
  func.func @transform_6(%arg0: i32, %arg1: i32) -> (i32, i32) {
    %c0_i32 = arith.constant 0 : i32
    %c0_i32_0 = arith.constant 0 : i32
    %c0_i32_1 = arith.constant 0 : i32
    return %c0_i32, %c0_i32_0 : i32, i32
  }
  func.func @transform_7(%arg0: i32, %arg1: i32) -> (i32, i32) {
    %c0_i32 = arith.constant 0 : i32
    %c0_i32_0 = arith.constant 0 : i32
    %c0_i32_1 = arith.constant 0 : i32
    return %c0_i32, %c0_i32_0 : i32, i32
  }
  func.func @transform_8(%arg0: i32, %arg1: i32) -> (i32, i32) {
    %c0_i32 = arith.constant 0 : i32
    %c0_i32_0 = arith.constant 0 : i32
    %c0_i32_1 = arith.constant 0 : i32
    return %c0_i32, %c0_i32_0 : i32, i32
  }
  func.func @transform_9(%arg0: i32, %arg1: i32) -> (i32, i32, i32) {
    %jit3A = arith.constant 5 : i32
    %eq3A = arith.constant 0 : i32
    %eq3A_0 = arith.cmpi eq, %jit3A, %eq3A : i32
    %jit3A_1 = arith.constant 1 : i32
    %select_n3A = arith.select %eq3A_0, %jit3A_1, %jit3A : i32
    %rem3A = arith.remsi %arg1, %select_n3A : i32
    %ne3A = arith.constant 0 : i32
    %ne3A_2 = arith.cmpi ne, %rem3A, %ne3A : i32
    %lt3A = arith.constant 0 : i32
    %lt3A_3 = arith.cmpi slt, %rem3A, %lt3A : i32
    %lt3A_4 = arith.constant 0 : i32
    %lt3A_5 = arith.cmpi slt, %select_n3A, %lt3A_4 : i32
    %ne3A_6 = arith.xori %lt3A_3, %lt3A_5 : i1
    %and3A = arith.andi %ne3A_6, %ne3A_2 : i1
    %add3A = arith.addi %rem3A, %select_n3A : i32
    %select_n3A_7 = arith.select %and3A, %add3A, %rem3A : i32
    %c0_i32 = arith.constant 0 : i32
    %c0_i32_8 = arith.constant 0 : i32
    return %arg0, %select_n3A_7, %c0_i32 : i32, i32, i32
  }
  func.func @transform_10(%arg0: i32, %arg1: i32) -> (i32, i32, i32) {
    %c0_i32 = arith.constant 0 : i32
    %c0_i32_0 = arith.constant 0 : i32
    %c0_i32_1 = arith.constant 0 : i32
    return %arg0, %c0_i32, %c0_i32_0 : i32, i32, i32
  }
  func.func @transform_11(%arg0: i32, %arg1: i32) -> (i32, i32, i32) {
    %c0_i32 = arith.constant 0 : i32
    %c0_i32_0 = arith.constant 0 : i32
    %c0_i32_1 = arith.constant 0 : i32
    return %arg0, %c0_i32, %c0_i32_0 : i32, i32, i32
  }
  func.func @transform_12(%arg0: i32, %arg1: i32) -> (i32, i32, i32) {
    %c0_i32 = arith.constant 0 : i32
    %c0_i32_0 = arith.constant 0 : i32
    %c0_i32_1 = arith.constant 0 : i32
    return %arg0, %c0_i32, %c0_i32_0 : i32, i32, i32
  }
  func.func @transform_13(%arg0: i32, %arg1: i32) -> (i32, i32, i32) {
    %c0_i32 = arith.constant 0 : i32
    %c0_i32_0 = arith.constant 0 : i32
    %c0_i32_1 = arith.constant 0 : i32
    return %arg0, %c0_i32, %c0_i32_0 : i32, i32, i32
  }
}

module attributes {stable_mosaic.version = 14 : i64} {
  func.func @body(%arg0: memref<2x8x128xf32, #tpu.memory_space<vmem>>, %arg1: memref<2x64xf32, #tpu.memory_space<vmem>>, %arg2: memref<64x128xf32, #tpu.memory_space<vmem>>, %arg3: memref<1x128xf32, #tpu.memory_space<vmem>>, %arg4: memref<256x128xf32, #tpu.memory_space<vmem>>, %arg5: memref<1x128xf32, #tpu.memory_space<vmem>>, %arg6: memref<2x128xf32, #tpu.memory_space<vmem>>, %arg7: memref<1x1xf32, #tpu.memory_space<vmem>>) attributes {dimension_semantics = [], scalar_prefetch = 0 : i64, scratch_operands = 0 : i64, tpu.core_type = #tpu.core_type<tc>} {
    %get3A = arith.constant 0 : index
    %get3A_0 = arith.constant 0 : index
    %get3A_1 = arith.constant 0 : index
    %get3A_2 = vector.load %arg0[%get3A, %get3A_0, %get3A_1] : memref<2x8x128xf32, #tpu.memory_space<vmem>>, vector<2x1x128xf32>
    %get3A_3 = vector.shape_cast %get3A_2 : vector<2x1x128xf32> to vector<2x128xf32>
    %mul3A = arith.constant 9.99999974E-5 : f32
    %mul3A_4 = vector.broadcast %mul3A : f32 to vector<2x128xf32>
    %mul3A_5 = arith.mulf %get3A_3, %mul3A_4 : vector<2x128xf32>
    %get3A_6 = arith.constant 0 : index
    %get3A_7 = arith.constant 0 : index
    %get3A_8 = vector.load %arg1[%get3A_6, %get3A_7] : memref<2x64xf32, #tpu.memory_space<vmem>>, vector<2x64xf32>
    %get3A_9 = arith.constant 0 : index
    %get3A_10 = arith.constant 0 : index
    %get3A_11 = vector.load %arg2[%get3A_9, %get3A_10] : memref<64x128xf32, #tpu.memory_space<vmem>>, vector<64x128xf32>
    %dot_general3A = arith.constant dense<0.000000e+00> : vector<2x128xf32>
    %dot_general3A_12 = tpu.matmul %get3A_8, %get3A_11, %dot_general3A {dimension_numbers = #tpu.dot_dimension_numbers<[1], [0], [0], [1], [0, 0, 1, 1], [], []>, transpose_lhs_hint = false} : vector<2x64xf32>, vector<64x128xf32>, vector<2x128xf32> -> vector<2x128xf32>
    %get3A_13 = arith.constant 0 : index
    %get3A_14 = arith.constant 0 : index
    %get3A_15 = vector.load %arg3[%get3A_13, %get3A_14] : memref<1x128xf32, #tpu.memory_space<vmem>>, vector<1x128xf32>
    %add3A = vector.broadcast %get3A_15 : vector<1x128xf32> to vector<2x128xf32>
    %add3A_16 = arith.addf %dot_general3A_12, %add3A : vector<2x128xf32>
    %concatenate3A = tpu.concatenate %mul3A_5, %add3A_16 in 1 : vector<2x128xf32>, vector<2x128xf32> -> vector<2x256xf32>
    %get3A_17 = arith.constant 0 : index
    %get3A_18 = arith.constant 0 : index
    %get3A_19 = vector.load %arg4[%get3A_17, %get3A_18] : memref<256x128xf32, #tpu.memory_space<vmem>>, vector<256x128xf32>
    %dot_general3A_20 = arith.constant dense<0.000000e+00> : vector<2x128xf32>
    %dot_general3A_21 = tpu.matmul %concatenate3A, %get3A_19, %dot_general3A_20 {dimension_numbers = #tpu.dot_dimension_numbers<[1], [0], [0], [1], [0, 0, 1, 1], [], []>, transpose_lhs_hint = false} : vector<2x256xf32>, vector<256x128xf32>, vector<2x128xf32> -> vector<2x128xf32>
    %get3A_22 = arith.constant 0 : index
    %get3A_23 = arith.constant 0 : index
    %get3A_24 = vector.load %arg5[%get3A_22, %get3A_23] : memref<1x128xf32, #tpu.memory_space<vmem>>, vector<1x128xf32>
    %add3A_25 = vector.broadcast %get3A_24 : vector<1x128xf32> to vector<2x128xf32>
    %add3A_26 = arith.addf %dot_general3A_21, %add3A_25 : vector<2x128xf32>
    %swap3A = arith.constant 0 : index
    %swap3A_27 = arith.constant 0 : index
    %swap3A_28 = vector.load %arg6[%swap3A, %swap3A_27] : memref<2x128xf32, #tpu.memory_space<vmem>>, vector<2x128xf32>
    tpu.vector_store %arg6[%swap3A, %swap3A_27], %add3A_26 {strides = array<i32>} : memref<2x128xf32, #tpu.memory_space<vmem>>, vector<2x128xf32>,
    %get3A_29 = arith.constant 0 : index
    %get3A_30 = arith.constant 0 : index
    %get3A_31 = vector.load %arg4[%get3A_29, %get3A_30] : memref<256x128xf32, #tpu.memory_space<vmem>>, vector<256x128xf32>
    %abs3A = math.absf %get3A_31 : vector<256x128xf32>
    %reduce_sum3A = vector.shape_cast %abs3A : vector<256x128xf32> to vector<1x256x128xf32>
    %reduce_sum3A_32 = arith.constant dense<0.000000e+00> : vector<1xf32>
    %reduce_sum3A_33 = vector.multi_reduction <add>, %reduce_sum3A, %reduce_sum3A_32 [1, 2] : vector<1x256x128xf32> to vector<1xf32>
    %reduce_sum3A_34 = vector.shape_cast %reduce_sum3A_33 : vector<1xf32> to vector<1x1x1xf32>
    %reduce_sum3A_35 = vector.extract %reduce_sum3A_34[0, 0, 0] : f32 from vector<1x1x1xf32>
    %div3A = arith.constant 3.276800e+04 : f32
    %div3A_36 = arith.divf %reduce_sum3A_35, %div3A : f32
    %broadcast_in_dim3A = vector.broadcast %div3A_36 : f32 to vector<1x1xf32>
    %swap3A_37 = arith.constant 0 : index
    %swap3A_38 = arith.constant 0 : index
    %swap3A_39 = vector.load %arg7[%swap3A_37, %swap3A_38] : memref<1x1xf32, #tpu.memory_space<vmem>>, vector<1x1xf32>
    tpu.vector_store %arg7[%swap3A_37, %swap3A_38], %broadcast_in_dim3A {strides = array<i32>} : memref<1x1xf32, #tpu.memory_space<vmem>>, vector<1x1xf32>,
    return
  }
}

</mosaic_0001>

<sc_bundles>
// kernel: kernel.12.cloned.1.call-start
scs
__scs_entry_jumppad:
0x0: {  	(pc) =	sbr.rel $0x88, $3  }
0x1: {  	(tag) =	ssettag $0x0;
	lr =	simm.s32 $0x1  }
0x2: {  	[smem:$0x3F8F] =	sst lr;
	_ =	strace $0xD0000000  }
0x3: {  	_ = 	snop  }
0x4: {  	_ = 	snop  }
0x5: {  	_ = 	snop  }
0x6: {  	_ = 	snop  }
0x7: {  	_ = 	snop  }
__scs_overlays_trampoline_lowered:
0x8: {  	[smem:$0x3F9E] =	sst s0  }
0x9: {  	[smem:$0x3F9F] =	sst s1  }
0xa: {  	[smem:$0x3FA0] =	sst s2  }
0xb: {  	[smem:$0x3FA1] =	sst s3  }
0xc: {  	[smem:$0x3FA2] =	sst s4  }
0xd: {  	[smem:$0x3FA3] =	sst s5  }
0xe: {  	[smem:$0x3FA4] =	sst s6  }
0xf: {  	[smem:$0x3FA5] =	sst s7  }
0x10: {  	[smem:$0x3FA6] =	sst s8  }
0x11: {  	[smem:$0x3FA7] =	sst s9;
	s0 =	simm.s32 @!p0 $0x0  }
0x12: {  	s1 =	sld [smem:$0x3F8D];
	s0 =	simm.s32 @p0 $0x1  }
0x13: {  	[smem:$0x3FA8] =	sst s0;
	s0 =	simm.s32 @!p1 $0x0  }
0x14: {  	s2 =	sld [smem:$0x3F8C];
	s0 =	simm.s32 @p1 $0x1  }
0x15: {  	[smem:$0x3FA9] =	sst s0;
	s0 =	simm.s32 @!p2 $0x0  }
0x16: {  	s3 =	sld [smem:$0x3FDB];
	s0 =	simm.s32 @p2 $0x1  }
0x17: {  	s4 =	simm.s32 $0x1BF5;
	[smem:$0x3FAB] =	sst s0  }
0x18: {  	s0 =	sld [smem:$0x3F8E];
	_ =	swait.ge [sflag:s4], $0x0  }
0x19: {  	s7 =	sld [smem:$0x3F8F]  }
0x1a: {  	s8 =	sadd.s32 $0xFFFFE003, lr  }
0x1b: {  	s9 =	sadd.s32 $0xFFFFFEF7, lr;
	s5 =	simm.s32 $0xFFFFFFFF;
	p2 =	slt.u32 s8, $0xFFFFF086  }
0x1c: {  	p1 =	slt.u32 s9, $0xF7A;
	s5 =	simm.s32 @!p2 $0x0  }
0x1d: {  	s5 =	simm.s32 @p1 $0x1;
	p0 =	seq.s32 s7, s2  }
0x1e: {  	s7 =	smul.u32 @!p0 $0xF7A, s2;
	p2 =	seq.s32 @!p0 s5, $0x0  }
0x1f: {  	s9 =	smul.u32 $0xF7A, s1;
	s8 =	simm.s32 @!p0 $0x1BF5;
	p2 =	por !p2, p0  }
0x20: {  	[sflag:s8] =	ssyncset.s32 @!p0 $0xFFFFF086;
	s6 =	sadd.s32 @!p0 s3, s7;
	s7 =	simm.s32 @!p0 $0x108  }
0x21: {  	s3 =	sadd.s32 s3, s9;
	s6 =	sadd.s32 @!p0 $0x88, s6;
	s7 =	simm.s32 @p2 $0x1082  }
0x22: {  	[simem:s7], [sflag:s8] =	dma.local @!p0 [hbm:s6], $0xF7A  }
0x23: {  	s9 =	sor.u32 $0xD0000000, s2;
	s6 =	simm.s32 $0x108;
	_ =	swait.ge @!p0 [sflag:s8], $0x0  }
0x24: {  	s3 =	sadd.s32 $0x88, s3;
	s6 =	simm.s32 @!p1 $0x1082;
	[sflag:s4] =	ssyncset.s32 $0xFFFFF086  }
0x25: {  	[simem:s6], [sflag:s4] =	dma.local [hbm:s3], $0xF7A  }
0x26: {  	[smem:$0x3F8F] =	sst s1;
	(tag) =	ssettag s2;
	_ =	strace s9  }
0x27: {  	s1 =	sld [smem:$0x3F9F]  }
0x28: {  	s2 =	sld [smem:$0x3FA0]  }
0x29: {  	s4 =	sld [smem:$0x3FA2]  }
0x2a: {  	p0 =	seq.s32 s5, $0x0;
	s5 =	sld [smem:$0x3FA3]  }
0x2b: {  	s6 =	sld [smem:$0x3FA4]  }
0x2c: {  	s7 =	sld [smem:$0x3FA5]  }
0x2d: {  	s3 =	simm.s32 $0x108;
	s8 =	sld [smem:$0x3FA6]  }
0x2e: {  	s3 =	simm.s32 @!p0 $0x1082;
	s9 =	sld [smem:$0x3FA7]  }
0x2f: {  	lr =	sadd.s32 s0, s3;
	s0 =	sld [smem:$0x3F9E]  }
0x30: {  	s3 =	sld [smem:$0x3FA1]  }
0x31: {  	[smem:$0x3FAA] =	sst s10  }
0x32: {  	s10 =	sld [smem:$0x3FA8];
	_ =	sdelay $0x3  }
0x33: {  	p0 =	seq.s32 s10, $0x1;
	s10 =	sld [smem:$0x3FAA];
	_ =	sdelay $0x3  }
0x34: {  	[smem:$0x3FAA] =	sst s10  }
0x35: {  	s10 =	sld [smem:$0x3FA9];
	_ =	sdelay $0x3  }
0x36: {  	p1 =	seq.s32 s10, $0x1;
	s10 =	sld [smem:$0x3FAA];
	_ =	sdelay $0x3  }
0x37: {  	[smem:$0x3FAA] =	sst s10  }
0x38: {  	s10 =	sld [smem:$0x3FAB]  }
0x39: {  	_ = 	snop;
	(pc) =	sbr.ind lr, $3  }
0x3a: {  	_ = 	snop  }
0x3b: {  	_ = 	snop  }
0x3c: {  	p2 =	seq.s32 s10, $0x1;
	s10 =	sld [smem:$0x3FAA]  }
0x3d: {  	_ =	shalt  }
0x3e: {  	_ =	shalt  }
0x3f: {  	_ =	shalt  }
0x40: {  	_ =	shalt  }
0x41: {  	_ =	shalt  }
0x42: {  	_ =	shalt  }
0x43: {  	_ =	shalt  }
0x44: {  	_ =	shalt  }
0x45: {  	_ =	shalt  }
0x46: {  	_ =	shalt  }
0x47: {  	_ =	shalt  }
0x48: {  	_ =	shalt  }
0x49: {  	_ =	shalt  }
0x4a: {  	_ =	shalt  }
0x4b: {  	_ =	shalt  }
0x4c: {  	_ =	shalt  }
0x4d: {  	_ =	shalt  }
0x4e: {  	_ =	shalt  }
0x4f: {  	_ =	shalt  }
0x50: {  	_ =	shalt  }
0x51: {  	_ =	shalt  }
0x52: {  	_ =	shalt  }
0x53: {  	_ =	shalt  }
0x54: {  	_ =	shalt  }
0x55: {  	_ =	shalt  }
0x56: {  	_ =	shalt  }
0x57: {  	_ =	shalt  }
0x58: {  	_ =	shalt  }
0x59: {  	_ =	shalt  }
0x5a: {  	_ =	shalt  }
0x5b: {  	_ =	shalt  }
0x5c: {  	_ =	shalt  }
0x5d: {  	_ =	shalt  }
0x5e: {  	_ =	shalt  }
0x5f: {  	_ =	shalt  }
0x60: {  	_ =	shalt  }
0x61: {  	_ =	shalt  }
0x62: {  	_ =	shalt  }
0x63: {  	_ =	shalt  }
0x64: {  	_ =	shalt  }
0x65: {  	_ =	shalt  }
0x66: {  	_ =	shalt  }
0x67: {  	_ =	shalt  }
0x68: {  	_ =	shalt  }
0x69: {  	_ =	shalt  }
0x6a: {  	_ =	shalt  }
0x6b: {  	_ =	shalt  }
0x6c: {  	_ =	shalt  }
0x6d: {  	_ =	shalt  }
0x6e: {  	_ =	shalt  }
0x6f: {  	_ =	shalt  }
0x70: {  	_ =	shalt  }
0x71: {  	_ =	shalt  }
0x72: {  	_ =	shalt  }
0x73: {  	_ =	shalt  }
0x74: {  	_ =	shalt  }
0x75: {  	_ =	shalt  }
0x76: {  	_ =	shalt  }
0x77: {  	_ =	shalt  }
0x78: {  	_ =	shalt  }
0x79: {  	_ =	shalt  }
0x7a: {  	_ =	shalt  }
0x7b: {  	_ =	shalt  }
0x7c: {  	_ =	shalt  }
0x7d: {  	_ =	shalt  }
0x7e: {  	_ =	shalt  }
0x7f: {  	_ =	shalt  }
0x80: {  	_ =	shalt  }
0x81: {  	_ =	shalt  }
0x82: {  	_ =	shalt  }
0x83: {  	_ =	shalt  }
0x84: {  	_ =	shalt  }
0x85: {  	_ =	shalt  }
0x86: {  	_ =	shalt  }
0x87: {  	_ =	shalt  }
.Lfunc_end0:
.L_simem_size_0:
called_computation_lowered:
.L_overlay_start_0:
0x88: {  	s2 =	sld [smem:$0x3FD9]  }
0x89: {  	s3 =	sld [smem:$0x3FFE];
	_ =	sdelay $0x1  }
0x8a: {  	s1 =	srdreg.scid  }
0x8b: {  	s0 =	sand.u32 $0x1, s1  }
0x8c: {  	s16 =	sshll.u32 s0, $0xA;
	s2 =	sadd.s32 s3, s2  }
0x8d: {  	s2 =	sadd.s32 s2, s16  }
0x8e: {  	[smem:$0x3FB6] =	sst s2  }
0x8f: {  	_ = 	snop  }
0x90: {  	(tm) =	ssettm $0x1  }
0x91: {  	s17 =	sld [smem:$0x3FFB];
	_ =	sdelay $0x3  }
0x92: {  	_ =	strace s17  }
0x93: {  	s2 =	sld [smem:$0x3FFC];
	_ =	sdelay $0x3  }
0x94: {  	_ =	strace s2  }
0x95: {  	s2 =	sld [smem:$0x3FFD];
	_ =	sdelay $0x3  }
0x96: {  	_ =	strace s2  }
0x97: {  	_ =	strace $0x8FFFFFFF  }
0x98: {  	s18 =	sld [smem:$0x3FDB];
	_ =	sdelay $0x1  }
0x99: {  	s19 =	simm.s32 $_scs_section_size  }
0x9a: {  	s4 =	simm.s32 $_size__tile_overlayer_lowered;
	s5 =	simm.s32 $_tile_overlayer_lowered  }
0x9b: {  	s22 =	simm.s32 $0x1BFF;
	s21 =	sshll.u32 s5, $0x1;
	s2 =	sadd.s32 s19, s18  }
0x9c: {  	s6 =	simm.s32 $0x0;
	s20 =	sshll.u32 s4, $0x1;
	s4 =	sadd.s32 s21, s2  }
0x9d: {  	[timem:s6], [sflag:s22] =	dma.local [hbm:s4], s20  }
0x9e: {  	_ =	swait.ge [sflag:s22], s20  }
0x9f: {  	s3 =	ssub.s32 $0x0, s20;
	[sflag:s22] =	ssyncset.done $0x0  }
0xa0: {  	[sflag:s22] =	ssyncadd.s32 s3;
	_ =	sdelay $0x1  }
0xa1: {  	s23 =	simm.s32 $0x1B8B  }
0xa2: {  	_ =	swait.ge [sflag:s23], $0x1  }
0xa3: {  	[sflag:s23] =	ssyncset.done $0x0  }
0xa4: {  	s25 =	simm.s32 $0x1B8E;
	s24 =	sld [smem:$0x3FFE];
	[sflag:s23] =	ssyncadd.s32 $0xFFFFFFFF  }
0xa5: {  	s26 =	simm.s32 $execute0_lowered;
	[smem:$0x3FD2] =	sst s25  }
0xa6: {  	s4 =	sshll.u32 s26, $0x1;
	_ =	strace $0x80000046;
	[dreg:$0x1] =	wrdreg $0xFFFFFFFF  }
0xa7: {  	s28 =	simm.s32 $_size_execute0_lowered;
	s2 =	sadd.s32 s2, s4;
	[dreg:$0x0] =	wrdreg $0x0  }
0xa8: {  	s4 =	sshll.u32 s28, $0x1;
	[dreg:$0x2] =	wrdreg s2  }
0xa9: {  	[dreg:$0x3] =	wrdreg s4  }
0xaa: {  	[dreg:$0x4] =	wrdreg $0xC0  }
0xab: {  	_ =	task [dreg:s6], $0x5FFFF  }
0xac: {  	[dreg:$0x1] =	wrdreg $0xFFFFFFFF  }
0xad: {  	[dreg:$0x0] =	wrdreg $0x60  }
0xae: {  	[dreg:$0x2] =	wrdreg s24  }
0xaf: {  	[dreg:$0x3] =	wrdreg $0x2CB00  }
0xb0: {  	[dreg:$0x4] =	wrdreg $0x9  }
0xb1: {  	_ =	task.clear_ibuf [dreg:s6], $0x5FFFF;
	_ =	strace $0x90000046  }
0xb2: {  	s29 =	simm.s32 $0x9;
	_ =	strace $0x80000048  }
0xb3: {  	_ =	swait.ge [sflag:s29], $0x1  }
0xb4: {  	[sflag:s29] =	ssyncadd.s32 $0xFFFFFFFF  }
0xb5: {  	_ =	strace $0x90000048  }
0xb6: {  	_ =	sfence  }
0xb7: {  	s30 =	sld [smem:$0x0];
	_ =	sdelay $0x2  }
0xb8: {  	s31 =	sshll.u32 s1, $0xD;
	s1 =	sshrl.u32 s1, $0x2  }
0xb9: {  	s3 =	sand.u32 $0x4000, s31;
	s1 =	sadd.s32 s1, s30  }
0xba: {  	s0 =	sor.u32 s3, s0;
	s1 =	sshll.u32 s1, $0x11  }
0xbb: {  	s0 =	sor.u32 s1, s0  }
0xbc: {  	s0 =	sadd.s32 $0x8F2B, s0  }
0xbd: {  	[sflag:s0] =	ssyncadd.remote.s32 $0x1  }
0xbe: {  	_ =	sfence.sel $0xFFFF  }
0xbf: {  	[dreg:$0x0] =	wrdreg $0xFFFFFFFF;
	(pc) =	sbr.abs _section_cstart, $3  }
0xc0: {  	[dreg:$0x1] =	wrdreg $0xFFFFFFFF  }
0xc1: {  	_ =	task.clear_ibuf [dreg:s6], $0x2FFFF;
	_ =	strace $0x9FFFFFFF  }
0xc2: {  	(tm) =	ssettm $0x7FFFFFFF  }
0xc3: {  	_ =	shalt  }
tec
execute0_lowered:
.L_overlay_start_1:
0x0: {  	(tag) =	ssettag $0x1  }
0x1: {  	s7 =	rddreg [dreg:$0x0]  }
0x2: {  	s1 =	rddreg [dreg:$0x1]  }
0x3: {  	s2 =	srdreg.scid;
	s3 =	simm.s32 $0x0;
	s0 =	stileid.u32  }
0x4: {  	s18 =	simm.s32 $0xA0;
	s19 =	simm.s32 $0x5;
	s20 =	simm.s32 $0x4  }
0x5: {  	s21 =	simm.s32 $0x1;
	s22 =	simm.s32 $0x2;
	s10 =	smul.u32 $0x280, s0  }
0x6: {  	s23 =	simm.s32 $0x27B0;
	s28 =	simm.s32 $0x0;
	s12 =	smul.u32 $0x5000, s0  }
0x7: {  	s8 =	sand.u32 $0x1, s2;
	[smem:$0x7FF] =	sst s3;
	s26 =	smul.u32 $0x2760, s0  }
0x8: {  	s5 =	sadd.s32 $0xE800, s7;
	s4 =	sshll.u32 s8, $0x4;
	s14 =	smul.u32 $0x27600, s8  }
0x9: {  	_ =	strace $0x80000047;
	s24 =	ssub.s32 $0x2, s8;
	s29 =	smul.u32 $0x2800, s8  }
0xa: {  	s9 =	sor.u32 s0, s4;
	s4 =	sadd.s32 $0x4F0800, s7;
	s13 =	sadd.s32 s10, s7  }
0xb: {  	s25 =	sshrl.u32 s24, $0x1;
	s12 =	sshrl.u32 s12, $0x2;
	s6 =	smul.u32 $0x4E2, s9  }
0xc: {  	s9 =	smul.u32 $0x2760, s9;
	s15 =	ssub.s32 s24, s25;
	s16 =	sadd.s32 s12, s1  }
0xd: {  	s17 =	sadd.s32 s26, s14;
	s12 =	sadd.s32 s29, s13;
	s24 =	simm.s32 $0x3  }
0xe: {  	s25 =	simm.s32 $0x2A30;
	s26 =	simm.s32 $0x2760;
	s30 =	sadd.s32 $0xF0, s17  }
0xf: {  	s12 =	sadd.s32 $0x18A00, s12;
	s13 =	smax.u32 s15, $0x1;
	s15 =	sadd.s32 $0xA0, s17  }
0x10: {  	s16 =	sshrl.u32 s16, $0x3;
	s17 =	simm.s32 $0x50;
	s11 =	sadd.s32 s6, s7  }
0x11: {  	s6 =	sadd.s32 $0x18600, s7;
	s7 =	sshll.u32 s0, $0x6;
	s9 =	sshrl.u32 s9, $0x3  }
0x12: {  	s31 =	sshrl.u32 s30, $0x3;
	s8 =	sor.u32 $0x1C04, s7;
	s9 =	sadd.s32 s5, s9  }
0x13: {  	s11 =	sadd.s32 $0x4A00, s11;
	s14 =	sadd.s32 s31, s5;
	s10 =	sadd.s32 $0xA, s9  }
.LBB2_1:
0x14: {  	[spmem:s16], [sflag:s8] =	dma.local [hbm:s6], $0x280  }
0x15: {  	[tilespmem:s3], [sflag:$0x1] =	stream.linear.gather [hbm4b:s9+s3], $0x50, $0x38;
	[tilespmem:$0x40B0] =	vst v63  }
0x16: {  	_ = 	snop  }
0x17: {  	[tilespmem:s17], [sflag:$0x2] =	stream.linear.gather [hbm4b:s10+s3], $0x50, $0x38;
	[tilespmem:$0x40B0] =	vst v63  }
0x18: {  	_ = 	snop  }
0x19: {  	[tilespmem:s18], [sflag:$0x5] =	stream.linear.gather [hbm4b:s11+s3], $0x2710, $0x38;
	[tilespmem:$0x40B0] =	vst v63  }
0x1a: {  	_ =	swait.ge [sflag:s19], $0x2710  }
0x1b: {  	[sflag:s19] =	ssyncset.done $0x0  }
0x1c: {  	[sflag:s19] =	ssyncadd.s32 $0xFFFFD8F0  }
0x1d: {  	_ =	swait.ge [sflag:s20], $0x280  }
0x1e: {  	[sflag:s20] =	ssyncset.done $0x0  }
0x1f: {  	[sflag:s20] =	ssyncadd.s32 $0xFFFFFD80  }
0x20: {  	_ =	swait.ge [sflag:s21], $0x50  }
0x21: {  	[sflag:s21] =	ssyncset.done $0x0  }
0x22: {  	[sflag:s21] =	ssyncadd.s32 $0xFFFFFFB0  }
0x23: {  	_ =	swait.ge [sflag:s22], $0x50  }
0x24: {  	[sflag:s22] =	ssyncset.done $0x0  }
0x25: {  	[sflag:s22] =	ssyncadd.s32 $0xFFFFFFB0  }
0x26: {  	[tilespmem:s23], [sflag:$0x3] =	stream.indirect.gather [hbm4b:s4+s17], $0x8, s3, s17, $0xb8;
	[tilespmem:$0x40B0] =	vst v63  }
0x27: {  	[bflag:$0x0] =	sbarrier.arrive $0xFFFF  }
0x28: {  	_ =	swait.ge [sflag:s24], $0x280  }
0x29: {  	s29 =	sshrl.u32 s15, $0x3;
	[sflag:s24] =	ssyncset.done $0x0  }
0x2a: {  	s29 =	sadd.s32 s5, s29;
	[sflag:s24] =	ssyncadd.s32 $0xFFFFFD80  }
0x2b: {  	[tilespmem:s3], [sflag:$0x1] =	stream.linear.gather [hbm4b:s29+s3], $0x50, $0x38;
	[tilespmem:$0x40B0] =	vst v63  }
0x2c: {  	_ = 	snop  }
0x2d: {  	[tilespmem:s25], [sflag:$0x4] =	stream.indirect.gather [hbm4b:s4+s17], $0x8, s17, s17, $0xb8;
	[tilespmem:$0x40B0] =	vst v63  }
0x2e: {  	s29 =	simm.s32 $0xA0  }
0x2f: {  	[spmem:s1] =	stream.indirect.scatter.add.f32 [tilespmem:s23], [sflag:$0x5], $0x8, s29, s17, $0xb8;
	[tilespmem:$0x40B0] =	vst v63  }
0x30: {  	_ =	swait.ge [sflag:s19], $0x280  }
0x31: {  	[sflag:s19] =	ssyncset.done $0x0  }
0x32: {  	[sflag:s19] =	ssyncadd.s32 $0xFFFFFD80  }
0x33: {  	_ =	swait.ge [sflag:s20], $0x280  }
0x34: {  	[sflag:s20] =	ssyncset.done $0x0  }
0x35: {  	[sflag:s20] =	ssyncadd.s32 $0xFFFFFD80  }
0x36: {  	_ =	swait.ge [sflag:s21], $0x50  }
0x37: {  	[sflag:s21] =	ssyncset.done $0x0  }
0x38: {  	s29 =	sadd.s32 $0x0, s14;
	[sflag:s21] =	ssyncadd.s32 $0xFFFFFFB0  }
0x39: {  	[tilespmem:s17], [sflag:$0x2] =	stream.linear.gather [hbm4b:s29+s3], $0x50, $0x38;
	[tilespmem:$0x40B0] =	vst v63  }
0x3a: {  	_ = 	snop  }
0x3b: {  	[tilespmem:s23], [sflag:$0x3] =	stream.indirect.gather [hbm4b:s4+s17], $0x8, s3, s17, $0xb8;
	[tilespmem:$0x40B0] =	vst v63  }
0x3c: {  	s29 =	simm.s32 $0xF0  }
0x3d: {  	[spmem:s1] =	stream.indirect.scatter.add.f32 [tilespmem:s25], [sflag:$0x5], $0x8, s29, s17, $0xb8;
	[tilespmem:$0x40B0] =	vst v63  }
0x3e: {  	_ =	swait.ge [sflag:s19], $0x280  }
0x3f: {  	[sflag:s19] =	ssyncset.done $0x0  }
0x40: {  	[sflag:s19] =	ssyncadd.s32 $0xFFFFFD80  }
0x41: {  	_ =	swait.ge [sflag:s22], $0x50  }
0x42: {  	s30 =	simm.s32 $0x14;
	s31 =	smov.u32 s15;
	[sflag:s22] =	ssyncset.done $0x0  }
.LBB2_2:
0x43: {  	[sflag:s22] =	ssyncadd.s32 $0xFFFFFFB0  }
0x44: {  	s29 =	sadd.s32 $0xA0, s29;
	s31 =	sadd.s32 $0xA0, s31;
	s0 =	smov.u32 s30  }
0x45: {  	p0 =	sne.s32 s30, $0x4C4;
	s30 =	sadd.s32 $0x14, s30;
	_ =	swait.ge [sflag:s24], $0x280  }
0x46: {  	s2 =	sshrl.u32 s31, $0x3;
	[sflag:s24] =	ssyncset.done $0x0  }
0x47: {  	s2 =	sadd.s32 s5, s2;
	[sflag:s24] =	ssyncadd.s32 $0xFFFFFD80  }
0x48: {  	[tilespmem:s3], [sflag:$0x1] =	stream.linear.gather [hbm4b:s2+s3], $0x50, $0x38;
	[tilespmem:$0x40B0] =	vst v63  }
0x49: {  	_ = 	snop  }
0x4a: {  	[tilespmem:s25], [sflag:$0x4] =	stream.indirect.gather [hbm4b:s4+s17], $0x8, s17, s17, $0xb8;
	[tilespmem:$0x40B0] =	vst v63  }
0x4b: {  	s2 =	sadd.s32 $0xFFFFFFB0, s29  }
0x4c: {  	[spmem:s1] =	stream.indirect.scatter.add.f32 [tilespmem:s23], [sflag:$0x5], $0x8, s2, s17, $0xb8;
	[tilespmem:$0x40B0] =	vst v63  }
0x4d: {  	_ =	swait.ge [sflag:s19], $0x280  }
0x4e: {  	[sflag:s19] =	ssyncset.done $0x0  }
0x4f: {  	[sflag:s19] =	ssyncadd.s32 $0xFFFFFD80  }
0x50: {  	_ =	swait.ge [sflag:s20], $0x280  }
0x51: {  	[sflag:s20] =	ssyncset.done $0x0  }
0x52: {  	[sflag:s20] =	ssyncadd.s32 $0xFFFFFD80  }
0x53: {  	_ =	swait.ge [sflag:s21], $0x50  }
0x54: {  	[sflag:s21] =	ssyncset.done $0x0  }
0x55: {  	s0 =	sadd.s32 s0, s14;
	[sflag:s21] =	ssyncadd.s32 $0xFFFFFFB0  }
0x56: {  	[tilespmem:s17], [sflag:$0x2] =	stream.linear.gather [hbm4b:s0+s3], $0x50, $0x38;
	[tilespmem:$0x40B0] =	vst v63  }
0x57: {  	_ = 	snop  }
0x58: {  	[tilespmem:s23], [sflag:$0x3] =	stream.indirect.gather [hbm4b:s4+s17], $0x8, s3, s17, $0xb8;
	[tilespmem:$0x40B0] =	vst v63  }
0x59: {  	_ = 	snop  }
0x5a: {  	[spmem:s1] =	stream.indirect.scatter.add.f32 [tilespmem:s25], [sflag:$0x5], $0x8, s29, s17, $0xb8;
	[tilespmem:$0x40B0] =	vst v63  }
.Ltmp0:
0x5b: {  	_ =	swait.ge [sflag:s19], $0x280;
	(pc) =	sbr.rel @p0 .LBB2_2-.Ltmp0, $4  }
0x5c: {  	[sflag:s19] =	ssyncset.done $0x0  }
0x5d: {  	[sflag:s19] =	ssyncadd.s32 $0xFFFFFD80  }
0x5e: {  	_ =	swait.ge [sflag:s22], $0x50  }
0x5f: {  	[sflag:s22] =	ssyncset.done $0x0  }
0x60: {  	[sflag:s22] =	ssyncadd.s32 $0xFFFFFFB0  }
0x61: {  	_ =	swait.ge [sflag:s24], $0x280  }
0x62: {  	[sflag:s24] =	ssyncset.done $0x0  }
0x63: {  	[sflag:s24] =	ssyncadd.s32 $0xFFFFFD80  }
0x64: {  	[spmem:s1] =	stream.indirect.scatter.add.f32 [tilespmem:s23], [sflag:$0x5], $0x8, s26, s17, $0xb8;
	[tilespmem:$0x40B0] =	vst v63  }
0x65: {  	_ =	swait.ge [sflag:s19], $0x280  }
0x66: {  	s28 =	sadd.s32 $0x1, s28;
	[sflag:s19] =	ssyncset.done $0x0  }
0x67: {  	p0 =	sne.s32 s28, s13;
	[sflag:s19] =	ssyncadd.s32 $0xFFFFFD80  }
.Ltmp1:
0x68: {  	s0 =	sor.u32 $0x1C05, s7;
	[bflag:$0x0] =	sbarrier.arrive $0xFFFF;
	(pc) =	sbr.rel @p0 .LBB2_1-.Ltmp1, $4  }
0x69: {  	[hbm:s12], [sflag:s0] =	dma.local [spmem:s16], $0x280  }
0x6a: {  	_ =	swait.ge [sflag:s19], $0x280  }
0x6b: {  	[sflag:s19] =	ssyncset.done $0x0  }
0x6c: {  	[sflag:s19] =	ssyncadd.s32 $0xFFFFFD80  }
0x6d: {  	_ =	sfence.sel $0x180000  }
0x6e: {  	[bflag:$0x0] =	sbarrier.arrive $0xFFFF  }
0x6f: {  	_ =	strace $0x90000047  }
0x70: {  	s0 =	stileid.u32;
	[bflag:$0x2] =	sbarrier.arrive $0xFFFF  }
0x71: {  	p0 =	sne.s32 s0, $0x0;
	s0 =	rddreg [dreg:$0x2]  }
0x72: {  	s0 =	sadd.s32 @!p0 $0x100000, s0  }
0x73: {  	[sflag:s0] =	ssyncadd.tile.s32 @!p0 $0x1;
	_ =	shalt  }
.Lfunc_end2:
_tile_overlayer_lowered:
.L_overlay_start_2:
0x74: {  	(tag) =	ssettag $0x2  }
0x75: {  	s0 =	rddreg [dreg:$0x0];
	s2 =	stileid.u32  }
0x76: {  	s1 =	rddreg [dreg:$0x1];
	p0 =	sne.s32 s2, $0x0  }
0x77: {  	s3 =	rddreg [dreg:$0x2];
	[bflag:$0x3] =	sbarrier.arrive $0xFFFF;
	s2 =	simm.s32 @!p0 $0x1C05  }
0x78: {  	[timem:s3], [sflag:s2] =	dma.local @!p0 [hbm:s0], s1  }
0x79: {  	s0 =	simm.s32 @!p0 $0x5  }
0x7a: {  	_ =	swait.ge @!p0 [sflag:s0], s1  }
0x7b: {  	s1 =	ssub.s32 @!p0 $0x0, s1;
	[sflag:s0] =	ssyncset.done @!p0 $0x0  }
0x7c: {  	[sflag:s0] =	ssyncadd.s32 @!p0 s1  }
0x7d: {  	[bflag:$0x3] =	sbarrier.arrive $0xFFFF  }
0x7e: {  	_ =	shalt  }

// kernel: kernel.15.cloned.1.call-start
scs
__scs_entry_jumppad:
0x0: {  	(pc) =	sbr.rel $0x88, $3  }
0x1: {  	(tag) =	ssettag $0x0;
	lr =	simm.s32 $0x1  }
0x2: {  	[smem:$0x3F8F] =	sst lr;
	_ =	strace $0xD0000000  }
0x3: {  	_ = 	snop  }
0x4: {  	_ = 	snop  }
0x5: {  	_ = 	snop  }
0x6: {  	_ = 	snop  }
0x7: {  	_ = 	snop  }
__scs_overlays_trampoline_lowered:
0x8: {  	[smem:$0x3F9E] =	sst s0  }
0x9: {  	[smem:$0x3F9F] =	sst s1  }
0xa: {  	[smem:$0x3FA0] =	sst s2  }
0xb: {  	[smem:$0x3FA1] =	sst s3  }
0xc: {  	[smem:$0x3FA2] =	sst s4  }
0xd: {  	[smem:$0x3FA3] =	sst s5  }
0xe: {  	[smem:$0x3FA4] =	sst s6  }
0xf: {  	[smem:$0x3FA5] =	sst s7  }
0x10: {  	[smem:$0x3FA6] =	sst s8  }
0x11: {  	[smem:$0x3FA7] =	sst s9;
	s0 =	simm.s32 @!p0 $0x0  }
0x12: {  	s1 =	sld [smem:$0x3F8D];
	s0 =	simm.s32 @p0 $0x1  }
0x13: {  	[smem:$0x3FA8] =	sst s0;
	s0 =	simm.s32 @!p1 $0x0  }
0x14: {  	s2 =	sld [smem:$0x3F8C];
	s0 =	simm.s32 @p1 $0x1  }
0x15: {  	[smem:$0x3FA9] =	sst s0;
	s0 =	simm.s32 @!p2 $0x0  }
0x16: {  	s3 =	sld [smem:$0x3FDB];
	s0 =	simm.s32 @p2 $0x1  }
0x17: {  	s4 =	simm.s32 $0x1BF5;
	[smem:$0x3FAB] =	sst s0  }
0x18: {  	s0 =	sld [smem:$0x3F8E];
	_ =	swait.ge [sflag:s4], $0x0  }
0x19: {  	s7 =	sld [smem:$0x3F8F]  }
0x1a: {  	s8 =	sadd.s32 $0xFFFFE003, lr  }
0x1b: {  	s9 =	sadd.s32 $0xFFFFFEF7, lr;
	s5 =	simm.s32 $0xFFFFFFFF;
	p2 =	slt.u32 s8, $0xFFFFF086  }
0x1c: {  	p1 =	slt.u32 s9, $0xF7A;
	s5 =	simm.s32 @!p2 $0x0  }
0x1d: {  	s5 =	simm.s32 @p1 $0x1;
	p0 =	seq.s32 s7, s2  }
0x1e: {  	s7 =	smul.u32 @!p0 $0xF7A, s2;
	p2 =	seq.s32 @!p0 s5, $0x0  }
0x1f: {  	s9 =	smul.u32 $0xF7A, s1;
	s8 =	simm.s32 @!p0 $0x1BF5;
	p2 =	por !p2, p0  }
0x20: {  	[sflag:s8] =	ssyncset.s32 @!p0 $0xFFFFF086;
	s6 =	sadd.s32 @!p0 s3, s7;
	s7 =	simm.s32 @!p0 $0x108  }
0x21: {  	s3 =	sadd.s32 s3, s9;
	s6 =	sadd.s32 @!p0 $0x88, s6;
	s7 =	simm.s32 @p2 $0x1082  }
0x22: {  	[simem:s7], [sflag:s8] =	dma.local @!p0 [hbm:s6], $0xF7A  }
0x23: {  	s9 =	sor.u32 $0xD0000000, s2;
	s6 =	simm.s32 $0x108;
	_ =	swait.ge @!p0 [sflag:s8], $0x0  }
0x24: {  	s3 =	sadd.s32 $0x88, s3;
	s6 =	simm.s32 @!p1 $0x1082;
	[sflag:s4] =	ssyncset.s32 $0xFFFFF086  }
0x25: {  	[simem:s6], [sflag:s4] =	dma.local [hbm:s3], $0xF7A  }
0x26: {  	[smem:$0x3F8F] =	sst s1;
	(tag) =	ssettag s2;
	_ =	strace s9  }
0x27: {  	s1 =	sld [smem:$0x3F9F]  }
0x28: {  	s2 =	sld [smem:$0x3FA0]  }
0x29: {  	s4 =	sld [smem:$0x3FA2]  }
0x2a: {  	p0 =	seq.s32 s5, $0x0;
	s5 =	sld [smem:$0x3FA3]  }
0x2b: {  	s6 =	sld [smem:$0x3FA4]  }
0x2c: {  	s7 =	sld [smem:$0x3FA5]  }
0x2d: {  	s3 =	simm.s32 $0x108;
	s8 =	sld [smem:$0x3FA6]  }
0x2e: {  	s3 =	simm.s32 @!p0 $0x1082;
	s9 =	sld [smem:$0x3FA7]  }
0x2f: {  	lr =	sadd.s32 s0, s3;
	s0 =	sld [smem:$0x3F9E]  }
0x30: {  	s3 =	sld [smem:$0x3FA1]  }
0x31: {  	[smem:$0x3FAA] =	sst s10  }
0x32: {  	s10 =	sld [smem:$0x3FA8];
	_ =	sdelay $0x3  }
0x33: {  	p0 =	seq.s32 s10, $0x1;
	s10 =	sld [smem:$0x3FAA];
	_ =	sdelay $0x3  }
0x34: {  	[smem:$0x3FAA] =	sst s10  }
0x35: {  	s10 =	sld [smem:$0x3FA9];
	_ =	sdelay $0x3  }
0x36: {  	p1 =	seq.s32 s10, $0x1;
	s10 =	sld [smem:$0x3FAA];
	_ =	sdelay $0x3  }
0x37: {  	[smem:$0x3FAA] =	sst s10  }
0x38: {  	s10 =	sld [smem:$0x3FAB]  }
0x39: {  	_ = 	snop;
	(pc) =	sbr.ind lr, $3  }
0x3a: {  	_ = 	snop  }
0x3b: {  	_ = 	snop  }
0x3c: {  	p2 =	seq.s32 s10, $0x1;
	s10 =	sld [smem:$0x3FAA]  }
0x3d: {  	_ =	shalt  }
0x3e: {  	_ =	shalt  }
0x3f: {  	_ =	shalt  }
0x40: {  	_ =	shalt  }
0x41: {  	_ =	shalt  }
0x42: {  	_ =	shalt  }
0x43: {  	_ =	shalt  }
0x44: {  	_ =	shalt  }
0x45: {  	_ =	shalt  }
0x46: {  	_ =	shalt  }
0x47: {  	_ =	shalt  }
0x48: {  	_ =	shalt  }
0x49: {  	_ =	shalt  }
0x4a: {  	_ =	shalt  }
0x4b: {  	_ =	shalt  }
0x4c: {  	_ =	shalt  }
0x4d: {  	_ =	shalt  }
0x4e: {  	_ =	shalt  }
0x4f: {  	_ =	shalt  }
0x50: {  	_ =	shalt  }
0x51: {  	_ =	shalt  }
0x52: {  	_ =	shalt  }
0x53: {  	_ =	shalt  }
0x54: {  	_ =	shalt  }
0x55: {  	_ =	shalt  }
0x56: {  	_ =	shalt  }
0x57: {  	_ =	shalt  }
0x58: {  	_ =	shalt  }
0x59: {  	_ =	shalt  }
0x5a: {  	_ =	shalt  }
0x5b: {  	_ =	shalt  }
0x5c: {  	_ =	shalt  }
0x5d: {  	_ =	shalt  }
0x5e: {  	_ =	shalt  }
0x5f: {  	_ =	shalt  }
0x60: {  	_ =	shalt  }
0x61: {  	_ =	shalt  }
0x62: {  	_ =	shalt  }
0x63: {  	_ =	shalt  }
0x64: {  	_ =	shalt  }
0x65: {  	_ =	shalt  }
0x66: {  	_ =	shalt  }
0x67: {  	_ =	shalt  }
0x68: {  	_ =	shalt  }
0x69: {  	_ =	shalt  }
0x6a: {  	_ =	shalt  }
0x6b: {  	_ =	shalt  }
0x6c: {  	_ =	shalt  }
0x6d: {  	_ =	shalt  }
0x6e: {  	_ =	shalt  }
0x6f: {  	_ =	shalt  }
0x70: {  	_ =	shalt  }
0x71: {  	_ =	shalt  }
0x72: {  	_ =	shalt  }
0x73: {  	_ =	shalt  }
0x74: {  	_ =	shalt  }
0x75: {  	_ =	shalt  }
0x76: {  	_ =	shalt  }
0x77: {  	_ =	shalt  }
0x78: {  	_ =	shalt  }
0x79: {  	_ =	shalt  }
0x7a: {  	_ =	shalt  }
0x7b: {  	_ =	shalt  }
0x7c: {  	_ =	shalt  }
0x7d: {  	_ =	shalt  }
0x7e: {  	_ =	shalt  }
0x7f: {  	_ =	shalt  }
0x80: {  	_ =	shalt  }
0x81: {  	_ =	shalt  }
0x82: {  	_ =	shalt  }
0x83: {  	_ =	shalt  }
0x84: {  	_ =	shalt  }
0x85: {  	_ =	shalt  }
0x86: {  	_ =	shalt  }
0x87: {  	_ =	shalt  }
.Lfunc_end0:
.L_simem_size_0:
called_computation.1_lowered:
.L_overlay_start_0:
0x88: {  	s2 =	sld [smem:$0x3FD9]  }
0x89: {  	s3 =	sld [smem:$0x3FFE];
	_ =	sdelay $0x1  }
0x8a: {  	s1 =	srdreg.scid  }
0x8b: {  	s0 =	sand.u32 $0x1, s1  }
0x8c: {  	s17 =	sshll.u32 s0, $0xA;
	s2 =	sadd.s32 s3, s2  }
0x8d: {  	s2 =	sadd.s32 s2, s17  }
0x8e: {  	[smem:$0x3FB6] =	sst s2  }
0x8f: {  	_ = 	snop  }
0x90: {  	(tm) =	ssettm $0x1  }
0x91: {  	s18 =	sld [smem:$0x3FFB];
	_ =	sdelay $0x3  }
0x92: {  	_ =	strace s18  }
0x93: {  	s2 =	sld [smem:$0x3FFC];
	_ =	sdelay $0x3  }
0x94: {  	_ =	strace s2  }
0x95: {  	s2 =	sld [smem:$0x3FFD];
	_ =	sdelay $0x3  }
0x96: {  	_ =	strace s2  }
0x97: {  	_ =	strace $0x8FFFFFFF  }
0x98: {  	s19 =	sld [smem:$0x3FDB];
	_ =	sdelay $0x1  }
0x99: {  	s20 =	simm.s32 $_scs_section_size  }
0x9a: {  	s4 =	simm.s32 $_size__tile_overlayer_lowered;
	s5 =	simm.s32 $_tile_overlayer_lowered  }
0x9b: {  	s6 =	simm.s32 $0x1BFF;
	s21 =	sshll.u32 s5, $0x1;
	s3 =	sadd.s32 s20, s19  }
0x9c: {  	s22 =	simm.s32 $0x0;
	s4 =	sshll.u32 s4, $0x1;
	s5 =	sadd.s32 s21, s3  }
0x9d: {  	[timem:s22], [sflag:s6] =	dma.local [hbm:s5], s4  }
0x9e: {  	_ =	swait.ge [sflag:s6], s4  }
0x9f: {  	s4 =	ssub.s32 $0x0, s4;
	[sflag:s6] =	ssyncset.done $0x0  }
0xa0: {  	[sflag:s6] =	ssyncadd.s32 s4;
	_ =	sdelay $0x1  }
0xa1: {  	s23 =	simm.s32 $0x1B8B  }
0xa2: {  	_ =	swait.ge [sflag:s23], $0x1  }
0xa3: {  	[sflag:s23] =	ssyncset.done $0x0  }
0xa4: {  	[sflag:s23] =	ssyncadd.s32 $0xFFFFFFFF  }
0xa5: {  	s4 =	sld [smem:$0x0]  }
0xa6: {  	s5 =	sand.u32 $0xFFFFFFFE, s1  }
0xa7: {  	p0 =	sne.s32 s1, s5  }
0xa8: {  	s5 =	sshll.u32 @p0 s5, $0xE  }
0xa9: {  	s5 =	sadd.s32 @p0 $0x11B8D, s5;
	s6 =	sshll.u32 @p0 s4, $0x11  }
0xaa: {  	s5 =	sor.u32 @p0 s6, s5  }
0xab: {  	[sflag:s5] =	ssyncadd.remote.s32 @p0 $0x1;
	_ =	sdelay $0x1  }
0xac: {  	s5 =	simm.s32 @p0 $0x1B8D  }
0xad: {  	_ =	swait.eq @p0 [sflag:s5], $0x1  }
0xae: {  	[sflag:s5] =	ssyncadd.s32 @p0 $0xFFFFFFFF  }
0xaf: {  	s6 =	sshll.u32 @!p0 s1, $0xE  }
0xb0: {  	s6 =	sor.u32 @!p0 $0x4000, s6;
	s5 =	simm.s32 @!p0 $0x1B8D  }
0xb1: {  	s4 =	sshll.u32 @!p0 s4, $0x11;
	s6 =	sadd.s32 @!p0 $0x11B8D, s6;
	_ =	swait.eq @!p0 [sflag:s5], $0x1  }
0xb2: {  	s4 =	sor.u32 @!p0 s4, s6;
	[sflag:s5] =	ssyncadd.s32 @!p0 $0xFFFFFFFF  }
0xb3: {  	s25 =	simm.s32 $0x1B8E;
	s24 =	sld [smem:$0x3FFE];
	[sflag:s4] =	ssyncadd.remote.s32 @!p0 $0x1  }
0xb4: {  	s26 =	simm.s32 $execute0_lowered;
	[smem:$0x3FD2] =	sst s25  }
0xb5: {  	s5 =	sshll.u32 s26, $0x1;
	_ =	strace $0x80000049;
	[dreg:$0x1] =	wrdreg $0xFFFFFFFF  }
0xb6: {  	s28 =	simm.s32 $_size_execute0_lowered;
	s3 =	sadd.s32 s3, s5;
	[dreg:$0x0] =	wrdreg $0x0  }
0xb7: {  	s5 =	sshll.u32 s28, $0x1;
	[dreg:$0x2] =	wrdreg s3  }
0xb8: {  	[dreg:$0x3] =	wrdreg s5  }
0xb9: {  	[dreg:$0x4] =	wrdreg $0xC0  }
0xba: {  	_ =	task [dreg:s22], $0x5FFFF  }
0xbb: {  	[dreg:$0x1] =	wrdreg $0xFFFFFFFF  }
0xbc: {  	[dreg:$0x0] =	wrdreg $0x60  }
0xbd: {  	[dreg:$0x2] =	wrdreg s24  }
0xbe: {  	[dreg:$0x3] =	wrdreg $0x77B00  }
0xbf: {  	[dreg:$0x4] =	wrdreg $0xA  }
0xc0: {  	_ =	task.clear_ibuf [dreg:s22], $0x5FFFF;
	_ =	strace $0x90000049  }
0xc1: {  	s29 =	simm.s32 $0xA;
	_ =	strace $0x8000004B  }
0xc2: {  	_ =	swait.ge [sflag:s29], $0x1  }
0xc3: {  	[sflag:s29] =	ssyncadd.s32 $0xFFFFFFFF  }
0xc4: {  	_ =	strace $0x9000004B  }
0xc5: {  	_ =	sfence  }
0xc6: {  	s30 =	sld [smem:$0x0];
	_ =	sdelay $0x2  }
0xc7: {  	s31 =	sshll.u32 s1, $0xD;
	s1 =	sshrl.u32 s1, $0x2  }
0xc8: {  	s4 =	sand.u32 $0x4000, s31;
	s1 =	sadd.s32 s1, s30  }
0xc9: {  	s0 =	sor.u32 s4, s0;
	s1 =	sshll.u32 s1, $0x11  }
0xca: {  	s0 =	sor.u32 s1, s0  }
0xcb: {  	s0 =	sadd.s32 $0x8F2B, s0  }
0xcc: {  	[sflag:s0] =	ssyncadd.remote.s32 $0x1  }
0xcd: {  	_ =	sfence.sel $0xFFFF  }
0xce: {  	[dreg:$0x0] =	wrdreg $0xFFFFFFFF;
	(pc) =	sbr.abs _section_cstart, $3  }
0xcf: {  	[dreg:$0x1] =	wrdreg $0xFFFFFFFF  }
0xd0: {  	_ =	task.clear_ibuf [dreg:s22], $0x2FFFF;
	_ =	strace $0x9FFFFFFF  }
0xd1: {  	(tm) =	ssettm $0x7FFFFFFF  }
tec
execute0_lowered:
.L_overlay_start_1:
0x0: {  	(tag) =	ssettag $0x1  }
0x1: {  	s0 =	srdreg.scid;
	s8 =	rddreg [dreg:$0x0]  }
0x2: {  	s22 =	stileid.u32;
	s2 =	rddreg [dreg:$0x1];
	s3 =	simm.s32 $0x0  }
0x3: {  	s18 =	simm.s32 $0xA0;
	s19 =	simm.s32 $0x5;
	s20 =	simm.s32 $0x4  }
0x4: {  	s21 =	simm.s32 $0x1;
	s28 =	simm.s32 $0x0;
	s10 =	smul.u32 $0x2800, s22  }
0x5: {  	s7 =	sand.u32 $0x1, s0;
	[smem:$0x7FF] =	sst s3;
	s13 =	smul.u32 $0x50000, s22  }
0x6: {  	s4 =	sadd.s32 $0x27800, s8;
	s5 =	sadd.s32 $0x1DA00, s8;
	s29 =	smul.u32 $0x2760, s22  }
0x7: {  	s1 =	sshll.u32 s7, $0x4;
	_ =	strace $0x8000004A;
	s11 =	smul.u32 $0x28000, s7  }
0x8: {  	s23 =	ssub.s32 $0x2, s7;
	s24 =	smul.u32 $0x27600, s7;
	s7 =	sshll.u32 s22, $0x6  }
0x9: {  	s9 =	sor.u32 s22, s1;
	s25 =	sshrl.u32 s23, $0x1;
	s26 =	sshrl.u32 s13, $0x2  }
0xa: {  	s22 =	simm.s32 $0x2;
	s6 =	smul.u32 $0x4E2, s9;
	s10 =	sadd.s32 s10, s11  }
0xb: {  	s9 =	smul.u32 $0x2760, s9;
	s15 =	ssub.s32 s23, s25;
	s16 =	sadd.s32 s26, s2  }
0xc: {  	s17 =	sadd.s32 s29, s24;
	s23 =	simm.s32 $0x27B0;
	s24 =	simm.s32 $0x3  }
0xd: {  	s25 =	simm.s32 $0x4FB0;
	s26 =	simm.s32 $0x2760;
	s14 =	sadd.s32 s10, s8  }
0xe: {  	s13 =	sadd.s32 $0xF0, s17;
	s16 =	sshrl.u32 s16, $0x3;
	s12 =	sadd.s32 s6, s8  }
0xf: {  	s6 =	sadd.s32 $0x77800, s8;
	s30 =	sshrl.u32 s9, $0x3;
	s9 =	sor.u32 $0x1C04, s7  }
0x10: {  	s31 =	sshrl.u32 s13, $0x3;
	s13 =	smax.u32 s15, $0x1;
	s15 =	sadd.s32 $0xA0, s17  }
0x11: {  	s17 =	simm.s32 $0x50;
	s8 =	sadd.s32 s5, s30;
	s11 =	sadd.s32 $0x4A00, s12  }
0x12: {  	s12 =	sadd.s32 $0x7A000, s14;
	s14 =	sadd.s32 s31, s5;
	s10 =	sadd.s32 $0xA, s8  }
.LBB2_1:
0x13: {  	[spmem:s16], [sflag:s9] =	dma.local [hbm:s6], $0x2800  }
0x14: {  	[tilespmem:s3], [sflag:$0x1] =	stream.linear.gather [hbm4b:s8+s3], $0x50, $0x38;
	[tilespmem:$0x1B7B0] =	vst v63  }
0x15: {  	_ = 	snop  }
0x16: {  	[tilespmem:s17], [sflag:$0x2] =	stream.linear.gather [hbm4b:s10+s3], $0x50, $0x38;
	[tilespmem:$0x1B7B0] =	vst v63  }
0x17: {  	_ = 	snop  }
0x18: {  	[tilespmem:s18], [sflag:$0x5] =	stream.linear.gather [hbm4b:s11+s3], $0x2710, $0x38;
	[tilespmem:$0x1B7B0] =	vst v63  }
0x19: {  	_ =	swait.ge [sflag:s19], $0x2710  }
0x1a: {  	[sflag:s19] =	ssyncset.done $0x0  }
0x1b: {  	[sflag:s19] =	ssyncadd.s32 $0xFFFFD8F0  }
0x1c: {  	_ =	swait.ge [sflag:s20], $0x2800  }
0x1d: {  	[sflag:s20] =	ssyncset.done $0x0  }
0x1e: {  	[sflag:s20] =	ssyncadd.s32 $0xFFFFD800  }
0x1f: {  	_ =	swait.ge [sflag:s21], $0x50  }
0x20: {  	[sflag:s21] =	ssyncset.done $0x0  }
0x21: {  	[sflag:s21] =	ssyncadd.s32 $0xFFFFFFB0  }
0x22: {  	_ =	swait.ge [sflag:s22], $0x50  }
0x23: {  	[sflag:s22] =	ssyncset.done $0x0  }
0x24: {  	[sflag:s22] =	ssyncadd.s32 $0xFFFFFFB0  }
0x25: {  	[tilespmem:s23], [sflag:$0x3] =	stream.indirect.gather [hbm4b:s4+s17], $0x80, s3, s17, $0xb8;
	[tilespmem:$0x1B7B0] =	vst v63  }
0x26: {  	[bflag:$0x0] =	sbarrier.arrive $0xFFFF  }
0x27: {  	_ =	swait.ge [sflag:s24], $0x2800  }
0x28: {  	s29 =	sshrl.u32 s15, $0x3;
	[sflag:s24] =	ssyncset.done $0x0  }
0x29: {  	s29 =	sadd.s32 s5, s29;
	[sflag:s24] =	ssyncadd.s32 $0xFFFFD800  }
0x2a: {  	[tilespmem:s3], [sflag:$0x1] =	stream.linear.gather [hbm4b:s29+s3], $0x50, $0x38;
	[tilespmem:$0x1B7B0] =	vst v63  }
0x2b: {  	_ = 	snop  }
0x2c: {  	[tilespmem:s25], [sflag:$0x4] =	stream.indirect.gather [hbm4b:s4+s17], $0x80, s17, s17, $0xb8;
	[tilespmem:$0x1B7B0] =	vst v63  }
0x2d: {  	s29 =	simm.s32 $0xA0  }
0x2e: {  	[spmem:s2] =	stream.indirect.scatter.add.f32 [tilespmem:s23], [sflag:$0x5], $0x80, s29, s17, $0xb8;
	[tilespmem:$0x1B7B0] =	vst v63  }
0x2f: {  	_ =	swait.ge [sflag:s19], $0x2800  }
0x30: {  	[sflag:s19] =	ssyncset.done $0x0  }
0x31: {  	[sflag:s19] =	ssyncadd.s32 $0xFFFFD800  }
0x32: {  	_ =	swait.ge [sflag:s20], $0x2800  }
0x33: {  	[sflag:s20] =	ssyncset.done $0x0  }
0x34: {  	[sflag:s20] =	ssyncadd.s32 $0xFFFFD800  }
0x35: {  	_ =	swait.ge [sflag:s21], $0x50  }
0x36: {  	[sflag:s21] =	ssyncset.done $0x0  }
0x37: {  	s29 =	sadd.s32 $0x0, s14;
	[sflag:s21] =	ssyncadd.s32 $0xFFFFFFB0  }
0x38: {  	[tilespmem:s17], [sflag:$0x2] =	stream.linear.gather [hbm4b:s29+s3], $0x50, $0x38;
	[tilespmem:$0x1B7B0] =	vst v63  }
0x39: {  	_ = 	snop  }
0x3a: {  	[tilespmem:s23], [sflag:$0x3] =	stream.indirect.gather [hbm4b:s4+s17], $0x80, s3, s17, $0xb8;
	[tilespmem:$0x1B7B0] =	vst v63  }
0x3b: {  	s29 =	simm.s32 $0xF0  }
0x3c: {  	[spmem:s2] =	stream.indirect.scatter.add.f32 [tilespmem:s25], [sflag:$0x5], $0x80, s29, s17, $0xb8;
	[tilespmem:$0x1B7B0] =	vst v63  }
0x3d: {  	_ =	swait.ge [sflag:s19], $0x2800  }
0x3e: {  	[sflag:s19] =	ssyncset.done $0x0  }
0x3f: {  	[sflag:s19] =	ssyncadd.s32 $0xFFFFD800  }
0x40: {  	_ =	swait.ge [sflag:s22], $0x50  }
0x41: {  	s30 =	simm.s32 $0x14;
	s31 =	smov.u32 s15;
	[sflag:s22] =	ssyncset.done $0x0  }
.LBB2_2:
0x42: {  	[sflag:s22] =	ssyncadd.s32 $0xFFFFFFB0  }
0x43: {  	s29 =	sadd.s32 $0xA0, s29;
	s31 =	sadd.s32 $0xA0, s31;
	s1 =	smov.u32 s30  }
0x44: {  	p0 =	sne.s32 s30, $0x4C4;
	s30 =	sadd.s32 $0x14, s30;
	_ =	swait.ge [sflag:s24], $0x2800  }
0x45: {  	s0 =	sshrl.u32 s31, $0x3;
	[sflag:s24] =	ssyncset.done $0x0  }
0x46: {  	s0 =	sadd.s32 s5, s0;
	[sflag:s24] =	ssyncadd.s32 $0xFFFFD800  }
0x47: {  	[tilespmem:s3], [sflag:$0x1] =	stream.linear.gather [hbm4b:s0+s3], $0x50, $0x38;
	[tilespmem:$0x1B7B0] =	vst v63  }
0x48: {  	_ = 	snop  }
0x49: {  	[tilespmem:s25], [sflag:$0x4] =	stream.indirect.gather [hbm4b:s4+s17], $0x80, s17, s17, $0xb8;
	[tilespmem:$0x1B7B0] =	vst v63  }
0x4a: {  	s0 =	sadd.s32 $0xFFFFFFB0, s29  }
0x4b: {  	[spmem:s2] =	stream.indirect.scatter.add.f32 [tilespmem:s23], [sflag:$0x5], $0x80, s0, s17, $0xb8;
	[tilespmem:$0x1B7B0] =	vst v63  }
0x4c: {  	_ =	swait.ge [sflag:s19], $0x2800  }
0x4d: {  	[sflag:s19] =	ssyncset.done $0x0  }
0x4e: {  	[sflag:s19] =	ssyncadd.s32 $0xFFFFD800  }
0x4f: {  	_ =	swait.ge [sflag:s20], $0x2800  }
0x50: {  	[sflag:s20] =	ssyncset.done $0x0  }
0x51: {  	[sflag:s20] =	ssyncadd.s32 $0xFFFFD800  }
0x52: {  	_ =	swait.ge [sflag:s21], $0x50  }
0x53: {  	[sflag:s21] =	ssyncset.done $0x0  }
0x54: {  	s0 =	sadd.s32 s1, s14;
	[sflag:s21] =	ssyncadd.s32 $0xFFFFFFB0  }
0x55: {  	[tilespmem:s17], [sflag:$0x2] =	stream.linear.gather [hbm4b:s0+s3], $0x50, $0x38;
	[tilespmem:$0x1B7B0] =	vst v63  }
0x56: {  	_ = 	snop  }
0x57: {  	[tilespmem:s23], [sflag:$0x3] =	stream.indirect.gather [hbm4b:s4+s17], $0x80, s3, s17, $0xb8;
	[tilespmem:$0x1B7B0] =	vst v63  }
0x58: {  	_ = 	snop  }
0x59: {  	[spmem:s2] =	stream.indirect.scatter.add.f32 [tilespmem:s25], [sflag:$0x5], $0x80, s29, s17, $0xb8;
	[tilespmem:$0x1B7B0] =	vst v63  }
.Ltmp0:
0x5a: {  	_ =	swait.ge [sflag:s19], $0x2800;
	(pc) =	sbr.rel @p0 .LBB2_2-.Ltmp0, $4  }
0x5b: {  	[sflag:s19] =	ssyncset.done $0x0  }
0x5c: {  	[sflag:s19] =	ssyncadd.s32 $0xFFFFD800  }
0x5d: {  	_ =	swait.ge [sflag:s22], $0x50  }
0x5e: {  	[sflag:s22] =	ssyncset.done $0x0  }
0x5f: {  	[sflag:s22] =	ssyncadd.s32 $0xFFFFFFB0  }
0x60: {  	_ =	swait.ge [sflag:s24], $0x2800  }
0x61: {  	[sflag:s24] =	ssyncset.done $0x0  }
0x62: {  	[sflag:s24] =	ssyncadd.s32 $0xFFFFD800  }
0x63: {  	[spmem:s2] =	stream.indirect.scatter.add.f32 [tilespmem:s23], [sflag:$0x5], $0x80, s26, s17, $0xb8;
	[tilespmem:$0x1B7B0] =	vst v63  }
0x64: {  	_ =	swait.ge [sflag:s19], $0x2800  }
0x65: {  	s28 =	sadd.s32 $0x1, s28;
	[sflag:s19] =	ssyncset.done $0x0  }
0x66: {  	p0 =	sne.s32 s28, s13;
	[sflag:s19] =	ssyncadd.s32 $0xFFFFD800  }
.Ltmp1:
0x67: {  	s0 =	sor.u32 $0x1C05, s7;
	[bflag:$0x0] =	sbarrier.arrive $0xFFFF;
	(pc) =	sbr.rel @p0 .LBB2_1-.Ltmp1, $4  }
0x68: {  	[hbm:s12], [sflag:s0] =	dma.local [spmem:s16], $0x2800  }
0x69: {  	_ =	swait.ge [sflag:s19], $0x2800  }
0x6a: {  	[sflag:s19] =	ssyncset.done $0x0  }
0x6b: {  	[sflag:s19] =	ssyncadd.s32 $0xFFFFD800  }
0x6c: {  	_ =	sfence.sel $0x180000  }
0x6d: {  	[bflag:$0x0] =	sbarrier.arrive $0xFFFF  }
0x6e: {  	_ =	strace $0x9000004A  }
0x6f: {  	s0 =	stileid.u32;
	[bflag:$0x2] =	sbarrier.arrive $0xFFFF  }
0x70: {  	p0 =	sne.s32 s0, $0x0;
	s0 =	rddreg [dreg:$0x2]  }
0x71: {  	s0 =	sadd.s32 @!p0 $0x100000, s0  }
0x72: {  	[sflag:s0] =	ssyncadd.tile.s32 @!p0 $0x1;
	_ =	shalt  }
.Lfunc_end2:
_tile_overlayer_lowered:
.L_overlay_start_2:
0x73: {  	(tag) =	ssettag $0x2  }
0x74: {  	s0 =	rddreg [dreg:$0x0];
	s2 =	stileid.u32  }
0x75: {  	s1 =	rddreg [dreg:$0x1];
	p0 =	sne.s32 s2, $0x0  }
0x76: {  	s3 =	rddreg [dreg:$0x2];
	[bflag:$0x3] =	sbarrier.arrive $0xFFFF;
	s2 =	simm.s32 @!p0 $0x1C05  }
0x77: {  	[timem:s3], [sflag:s2] =	dma.local @!p0 [hbm:s0], s1  }
0x78: {  	s0 =	simm.s32 @!p0 $0x5  }
0x79: {  	_ =	swait.ge @!p0 [sflag:s0], s1  }
0x7a: {  	s1 =	ssub.s32 @!p0 $0x0, s1;
	[sflag:s0] =	ssyncset.done @!p0 $0x0  }
0x7b: {  	[sflag:s0] =	ssyncadd.s32 @!p0 s1  }
0x7c: {  	[bflag:$0x3] =	sbarrier.arrive $0xFFFF  }
0x7d: {  	_ =	shalt  }

// kernel: kernel.18.cloned.1.call-start
scs
__scs_entry_jumppad:
0x0: {  	(pc) =	sbr.rel $0x88, $3  }
0x1: {  	(tag) =	ssettag $0x0;
	lr =	simm.s32 $0x1  }
0x2: {  	[smem:$0x3F8F] =	sst lr;
	_ =	strace $0xD0000000  }
0x3: {  	_ = 	snop  }
0x4: {  	_ = 	snop  }
0x5: {  	_ = 	snop  }
0x6: {  	_ = 	snop  }
0x7: {  	_ = 	snop  }
__scs_overlays_trampoline_lowered:
0x8: {  	[smem:$0x3F9E] =	sst s0  }
0x9: {  	[smem:$0x3F9F] =	sst s1  }
0xa: {  	[smem:$0x3FA0] =	sst s2  }
0xb: {  	[smem:$0x3FA1] =	sst s3  }
0xc: {  	[smem:$0x3FA2] =	sst s4  }
0xd: {  	[smem:$0x3FA3] =	sst s5  }
0xe: {  	[smem:$0x3FA4] =	sst s6  }
0xf: {  	[smem:$0x3FA5] =	sst s7  }
0x10: {  	[smem:$0x3FA6] =	sst s8  }
0x11: {  	[smem:$0x3FA7] =	sst s9;
	s0 =	simm.s32 @!p0 $0x0  }
0x12: {  	s1 =	sld [smem:$0x3F8D];
	s0 =	simm.s32 @p0 $0x1  }
0x13: {  	[smem:$0x3FA8] =	sst s0;
	s0 =	simm.s32 @!p1 $0x0  }
0x14: {  	s2 =	sld [smem:$0x3F8C];
	s0 =	simm.s32 @p1 $0x1  }
0x15: {  	[smem:$0x3FA9] =	sst s0;
	s0 =	simm.s32 @!p2 $0x0  }
0x16: {  	s3 =	sld [smem:$0x3FDB];
	s0 =	simm.s32 @p2 $0x1  }
0x17: {  	s4 =	simm.s32 $0x1BF5;
	[smem:$0x3FAB] =	sst s0  }
0x18: {  	s0 =	sld [smem:$0x3F8E];
	_ =	swait.ge [sflag:s4], $0x0  }
0x19: {  	s7 =	sld [smem:$0x3F8F]  }
0x1a: {  	s8 =	sadd.s32 $0xFFFFE003, lr  }
0x1b: {  	s9 =	sadd.s32 $0xFFFFFEF7, lr;
	s5 =	simm.s32 $0xFFFFFFFF;
	p2 =	slt.u32 s8, $0xFFFFF086  }
0x1c: {  	p1 =	slt.u32 s9, $0xF7A;
	s5 =	simm.s32 @!p2 $0x0  }
0x1d: {  	s5 =	simm.s32 @p1 $0x1;
	p0 =	seq.s32 s7, s2  }
0x1e: {  	s7 =	smul.u32 @!p0 $0xF7A, s2;
	p2 =	seq.s32 @!p0 s5, $0x0  }
0x1f: {  	s9 =	smul.u32 $0xF7A, s1;
	s8 =	simm.s32 @!p0 $0x1BF5;
	p2 =	por !p2, p0  }
0x20: {  	[sflag:s8] =	ssyncset.s32 @!p0 $0xFFFFF086;
	s6 =	sadd.s32 @!p0 s3, s7;
	s7 =	simm.s32 @!p0 $0x108  }
0x21: {  	s3 =	sadd.s32 s3, s9;
	s6 =	sadd.s32 @!p0 $0x88, s6;
	s7 =	simm.s32 @p2 $0x1082  }
0x22: {  	[simem:s7], [sflag:s8] =	dma.local @!p0 [hbm:s6], $0xF7A  }
0x23: {  	s9 =	sor.u32 $0xD0000000, s2;
	s6 =	simm.s32 $0x108;
	_ =	swait.ge @!p0 [sflag:s8], $0x0  }
0x24: {  	s3 =	sadd.s32 $0x88, s3;
	s6 =	simm.s32 @!p1 $0x1082;
	[sflag:s4] =	ssyncset.s32 $0xFFFFF086  }
0x25: {  	[simem:s6], [sflag:s4] =	dma.local [hbm:s3], $0xF7A  }
0x26: {  	[smem:$0x3F8F] =	sst s1;
	(tag) =	ssettag s2;
	_ =	strace s9  }
0x27: {  	s1 =	sld [smem:$0x3F9F]  }
0x28: {  	s2 =	sld [smem:$0x3FA0]  }
0x29: {  	s4 =	sld [smem:$0x3FA2]  }
0x2a: {  	p0 =	seq.s32 s5, $0x0;
	s5 =	sld [smem:$0x3FA3]  }
0x2b: {  	s6 =	sld [smem:$0x3FA4]  }
0x2c: {  	s7 =	sld [smem:$0x3FA5]  }
0x2d: {  	s3 =	simm.s32 $0x108;
	s8 =	sld [smem:$0x3FA6]  }
0x2e: {  	s3 =	simm.s32 @!p0 $0x1082;
	s9 =	sld [smem:$0x3FA7]  }
0x2f: {  	lr =	sadd.s32 s0, s3;
	s0 =	sld [smem:$0x3F9E]  }
0x30: {  	s3 =	sld [smem:$0x3FA1]  }
0x31: {  	[smem:$0x3FAA] =	sst s10  }
0x32: {  	s10 =	sld [smem:$0x3FA8];
	_ =	sdelay $0x3  }
0x33: {  	p0 =	seq.s32 s10, $0x1;
	s10 =	sld [smem:$0x3FAA];
	_ =	sdelay $0x3  }
0x34: {  	[smem:$0x3FAA] =	sst s10  }
0x35: {  	s10 =	sld [smem:$0x3FA9];
	_ =	sdelay $0x3  }
0x36: {  	p1 =	seq.s32 s10, $0x1;
	s10 =	sld [smem:$0x3FAA];
	_ =	sdelay $0x3  }
0x37: {  	[smem:$0x3FAA] =	sst s10  }
0x38: {  	s10 =	sld [smem:$0x3FAB]  }
0x39: {  	_ = 	snop;
	(pc) =	sbr.ind lr, $3  }
0x3a: {  	_ = 	snop  }
0x3b: {  	_ = 	snop  }
0x3c: {  	p2 =	seq.s32 s10, $0x1;
	s10 =	sld [smem:$0x3FAA]  }
0x3d: {  	_ =	shalt  }
0x3e: {  	_ =	shalt  }
0x3f: {  	_ =	shalt  }
0x40: {  	_ =	shalt  }
0x41: {  	_ =	shalt  }
0x42: {  	_ =	shalt  }
0x43: {  	_ =	shalt  }
0x44: {  	_ =	shalt  }
0x45: {  	_ =	shalt  }
0x46: {  	_ =	shalt  }
0x47: {  	_ =	shalt  }
0x48: {  	_ =	shalt  }
0x49: {  	_ =	shalt  }
0x4a: {  	_ =	shalt  }
0x4b: {  	_ =	shalt  }
0x4c: {  	_ =	shalt  }
0x4d: {  	_ =	shalt  }
0x4e: {  	_ =	shalt  }
0x4f: {  	_ =	shalt  }
0x50: {  	_ =	shalt  }
0x51: {  	_ =	shalt  }
0x52: {  	_ =	shalt  }
0x53: {  	_ =	shalt  }
0x54: {  	_ =	shalt  }
0x55: {  	_ =	shalt  }
0x56: {  	_ =	shalt  }
0x57: {  	_ =	shalt  }
0x58: {  	_ =	shalt  }
0x59: {  	_ =	shalt  }
0x5a: {  	_ =	shalt  }
0x5b: {  	_ =	shalt  }
0x5c: {  	_ =	shalt  }
0x5d: {  	_ =	shalt  }
0x5e: {  	_ =	shalt  }
0x5f: {  	_ =	shalt  }
0x60: {  	_ =	shalt  }
0x61: {  	_ =	shalt  }
0x62: {  	_ =	shalt  }
0x63: {  	_ =	shalt  }
0x64: {  	_ =	shalt  }
0x65: {  	_ =	shalt  }
0x66: {  	_ =	shalt  }
0x67: {  	_ =	shalt  }
0x68: {  	_ =	shalt  }
0x69: {  	_ =	shalt  }
0x6a: {  	_ =	shalt  }
0x6b: {  	_ =	shalt  }
0x6c: {  	_ =	shalt  }
0x6d: {  	_ =	shalt  }
0x6e: {  	_ =	shalt  }
0x6f: {  	_ =	shalt  }
0x70: {  	_ =	shalt  }
0x71: {  	_ =	shalt  }
0x72: {  	_ =	shalt  }
0x73: {  	_ =	shalt  }
0x74: {  	_ =	shalt  }
0x75: {  	_ =	shalt  }
0x76: {  	_ =	shalt  }
0x77: {  	_ =	shalt  }
0x78: {  	_ =	shalt  }
0x79: {  	_ =	shalt  }
0x7a: {  	_ =	shalt  }
0x7b: {  	_ =	shalt  }
0x7c: {  	_ =	shalt  }
0x7d: {  	_ =	shalt  }
0x7e: {  	_ =	shalt  }
0x7f: {  	_ =	shalt  }
0x80: {  	_ =	shalt  }
0x81: {  	_ =	shalt  }
0x82: {  	_ =	shalt  }
0x83: {  	_ =	shalt  }
0x84: {  	_ =	shalt  }
0x85: {  	_ =	shalt  }
0x86: {  	_ =	shalt  }
0x87: {  	_ =	shalt  }
.Lfunc_end0:
.L_simem_size_0:
called_computation.2_lowered:
.L_overlay_start_0:
0x88: {  	s2 =	sld [smem:$0x3FD9]  }
0x89: {  	s3 =	sld [smem:$0x3FFE];
	_ =	sdelay $0x1  }
0x8a: {  	s1 =	srdreg.scid  }
0x8b: {  	s0 =	sand.u32 $0x1, s1  }
0x8c: {  	s16 =	sshll.u32 s0, $0xA;
	s2 =	sadd.s32 s3, s2  }
0x8d: {  	s2 =	sadd.s32 s2, s16  }
0x8e: {  	[smem:$0x3FB6] =	sst s2  }
0x8f: {  	_ = 	snop  }
0x90: {  	(tm) =	ssettm $0x1  }
0x91: {  	s17 =	sld [smem:$0x3FFB];
	_ =	sdelay $0x3  }
0x92: {  	_ =	strace s17  }
0x93: {  	s2 =	sld [smem:$0x3FFC];
	_ =	sdelay $0x3  }
0x94: {  	_ =	strace s2  }
0x95: {  	s2 =	sld [smem:$0x3FFD];
	_ =	sdelay $0x3  }
0x96: {  	_ =	strace s2  }
0x97: {  	_ =	strace $0x8FFFFFFF  }
0x98: {  	s18 =	sld [smem:$0x3FDB];
	_ =	sdelay $0x1  }
0x99: {  	s19 =	simm.s32 $_scs_section_size  }
0x9a: {  	s4 =	simm.s32 $_size__tile_overlayer_lowered;
	s5 =	simm.s32 $_tile_overlayer_lowered  }
0x9b: {  	s22 =	simm.s32 $0x1BFF;
	s21 =	sshll.u32 s5, $0x1;
	s2 =	sadd.s32 s19, s18  }
0x9c: {  	s6 =	simm.s32 $0x0;
	s20 =	sshll.u32 s4, $0x1;
	s4 =	sadd.s32 s21, s2  }
0x9d: {  	[timem:s6], [sflag:s22] =	dma.local [hbm:s4], s20  }
0x9e: {  	_ =	swait.ge [sflag:s22], s20  }
0x9f: {  	s3 =	ssub.s32 $0x0, s20;
	[sflag:s22] =	ssyncset.done $0x0  }
0xa0: {  	[sflag:s22] =	ssyncadd.s32 s3;
	_ =	sdelay $0x1  }
0xa1: {  	s23 =	simm.s32 $0x1B8B  }
0xa2: {  	_ =	swait.ge [sflag:s23], $0x1  }
0xa3: {  	[sflag:s23] =	ssyncset.done $0x0  }
0xa4: {  	s25 =	simm.s32 $0x1B8E;
	s24 =	sld [smem:$0x3FFE];
	[sflag:s23] =	ssyncadd.s32 $0xFFFFFFFF  }
0xa5: {  	s26 =	simm.s32 $execute0_lowered;
	[smem:$0x3FD2] =	sst s25  }
0xa6: {  	s4 =	sshll.u32 s26, $0x1;
	_ =	strace $0x8000004C;
	[dreg:$0x1] =	wrdreg $0xFFFFFFFF  }
0xa7: {  	s28 =	simm.s32 $_size_execute0_lowered;
	s2 =	sadd.s32 s2, s4;
	[dreg:$0x0] =	wrdreg $0x0  }
0xa8: {  	s4 =	sshll.u32 s28, $0x1;
	[dreg:$0x2] =	wrdreg s2  }
0xa9: {  	[dreg:$0x3] =	wrdreg s4  }
0xaa: {  	[dreg:$0x4] =	wrdreg $0xC0  }
0xab: {  	_ =	task [dreg:s6], $0x5FFFF  }
0xac: {  	[dreg:$0x1] =	wrdreg $0xFFFFFFFF  }
0xad: {  	[dreg:$0x0] =	wrdreg $0x60  }
0xae: {  	[dreg:$0x2] =	wrdreg s24  }
0xaf: {  	[dreg:$0x3] =	wrdreg $0x77B00  }
0xb0: {  	[dreg:$0x4] =	wrdreg $0x9  }
0xb1: {  	_ =	task.clear_ibuf [dreg:s6], $0x5FFFF;
	_ =	strace $0x9000004C  }
0xb2: {  	s29 =	simm.s32 $0x9;
	_ =	strace $0x8000004E  }
0xb3: {  	_ =	swait.ge [sflag:s29], $0x1  }
0xb4: {  	[sflag:s29] =	ssyncadd.s32 $0xFFFFFFFF  }
0xb5: {  	_ =	strace $0x9000004E  }
0xb6: {  	_ =	sfence  }
0xb7: {  	s30 =	sld [smem:$0x0];
	_ =	sdelay $0x2  }
0xb8: {  	s31 =	sshll.u32 s1, $0xD;
	s1 =	sshrl.u32 s1, $0x2  }
0xb9: {  	s3 =	sand.u32 $0x4000, s31;
	s1 =	sadd.s32 s1, s30  }
0xba: {  	s0 =	sor.u32 s3, s0;
	s1 =	sshll.u32 s1, $0x11  }
0xbb: {  	s0 =	sor.u32 s1, s0  }
0xbc: {  	s0 =	sadd.s32 $0x8F2B, s0  }
0xbd: {  	[sflag:s0] =	ssyncadd.remote.s32 $0x1  }
0xbe: {  	_ =	sfence.sel $0xFFFF  }
0xbf: {  	[dreg:$0x0] =	wrdreg $0xFFFFFFFF;
	(pc) =	sbr.abs _section_cstart, $3  }
0xc0: {  	[dreg:$0x1] =	wrdreg $0xFFFFFFFF  }
0xc1: {  	_ =	task.clear_ibuf [dreg:s6], $0x2FFFF;
	_ =	strace $0x9FFFFFFF  }
0xc2: {  	(tm) =	ssettm $0x7FFFFFFF  }
0xc3: {  	_ =	shalt  }
tec
execute0_lowered:
.L_overlay_start_1:
0x0: {  	(tag) =	ssettag $0x1  }
0x1: {  	s0 =	srdreg.scid;
	s8 =	rddreg [dreg:$0x0]  }
0x2: {  	s22 =	stileid.u32;
	s2 =	rddreg [dreg:$0x1];
	s3 =	simm.s32 $0x0  }
0x3: {  	s18 =	simm.s32 $0xA0;
	s19 =	simm.s32 $0x5;
	s20 =	simm.s32 $0x4  }
0x4: {  	s21 =	simm.s32 $0x1;
	s28 =	simm.s32 $0x0;
	s10 =	smul.u32 $0x2800, s22  }
0x5: {  	s7 =	sand.u32 $0x1, s0;
	[smem:$0x7FF] =	sst s3;
	s13 =	smul.u32 $0x50000, s22  }
0x6: {  	s4 =	sadd.s32 $0x27800, s8;
	s5 =	sadd.s32 $0x1DA00, s8;
	s29 =	smul.u32 $0x2760, s22  }
0x7: {  	s1 =	sshll.u32 s7, $0x4;
	_ =	strace $0x8000004D;
	s11 =	smul.u32 $0x28000, s7  }
0x8: {  	s23 =	ssub.s32 $0x2, s7;
	s24 =	smul.u32 $0x27600, s7;
	s7 =	sshll.u32 s22, $0x6  }
0x9: {  	s9 =	sor.u32 s22, s1;
	s25 =	sshrl.u32 s23, $0x1;
	s26 =	sshrl.u32 s13, $0x2  }
0xa: {  	s22 =	simm.s32 $0x2;
	s6 =	smul.u32 $0x4E2, s9;
	s10 =	sadd.s32 s10, s11  }
0xb: {  	s9 =	smul.u32 $0x2760, s9;
	s15 =	ssub.s32 s23, s25;
	s16 =	sadd.s32 s26, s2  }
0xc: {  	s17 =	sadd.s32 s29, s24;
	s23 =	simm.s32 $0x27B0;
	s24 =	simm.s32 $0x3  }
0xd: {  	s25 =	simm.s32 $0x4FB0;
	s26 =	simm.s32 $0x2760;
	s14 =	sadd.s32 s10, s8  }
0xe: {  	s13 =	sadd.s32 $0xF0, s17;
	s16 =	sshrl.u32 s16, $0x3;
	s12 =	sadd.s32 s6, s8  }
0xf: {  	s6 =	sadd.s32 $0x77800, s8;
	s30 =	sshrl.u32 s9, $0x3;
	s9 =	sor.u32 $0x1C04, s7  }
0x10: {  	s31 =	sshrl.u32 s13, $0x3;
	s13 =	smax.u32 s15, $0x1;
	s15 =	sadd.s32 $0xA0, s17  }
0x11: {  	s17 =	simm.s32 $0x50;
	s8 =	sadd.s32 s5, s30;
	s11 =	sadd.s32 $0x4A00, s12  }
0x12: {  	s12 =	sadd.s32 $0x7A000, s14;
	s14 =	sadd.s32 s31, s5;
	s10 =	sadd.s32 $0xA, s8  }
.LBB2_1:
0x13: {  	[spmem:s16], [sflag:s9] =	dma.local [hbm:s6], $0x2800  }
0x14: {  	[tilespmem:s3], [sflag:$0x1] =	stream.linear.gather [hbm4b:s8+s3], $0x50, $0x38;
	[tilespmem:$0x1B7B0] =	vst v63  }
0x15: {  	_ = 	snop  }
0x16: {  	[tilespmem:s17], [sflag:$0x2] =	stream.linear.gather [hbm4b:s10+s3], $0x50, $0x38;
	[tilespmem:$0x1B7B0] =	vst v63  }
0x17: {  	_ = 	snop  }
0x18: {  	[tilespmem:s18], [sflag:$0x5] =	stream.linear.gather [hbm4b:s11+s3], $0x2710, $0x38;
	[tilespmem:$0x1B7B0] =	vst v63  }
0x19: {  	_ =	swait.ge [sflag:s19], $0x2710  }
0x1a: {  	[sflag:s19] =	ssyncset.done $0x0  }
0x1b: {  	[sflag:s19] =	ssyncadd.s32 $0xFFFFD8F0  }
0x1c: {  	_ =	swait.ge [sflag:s20], $0x2800  }
0x1d: {  	[sflag:s20] =	ssyncset.done $0x0  }
0x1e: {  	[sflag:s20] =	ssyncadd.s32 $0xFFFFD800  }
0x1f: {  	_ =	swait.ge [sflag:s21], $0x50  }
0x20: {  	[sflag:s21] =	ssyncset.done $0x0  }
0x21: {  	[sflag:s21] =	ssyncadd.s32 $0xFFFFFFB0  }
0x22: {  	_ =	swait.ge [sflag:s22], $0x50  }
0x23: {  	[sflag:s22] =	ssyncset.done $0x0  }
0x24: {  	[sflag:s22] =	ssyncadd.s32 $0xFFFFFFB0  }
0x25: {  	[tilespmem:s23], [sflag:$0x3] =	stream.indirect.gather [hbm4b:s4+s17], $0x80, s3, s17, $0xb8;
	[tilespmem:$0x1B7B0] =	vst v63  }
0x26: {  	[bflag:$0x0] =	sbarrier.arrive $0xFFFF  }
0x27: {  	_ =	swait.ge [sflag:s24], $0x2800  }
0x28: {  	s29 =	sshrl.u32 s15, $0x3;
	[sflag:s24] =	ssyncset.done $0x0  }
0x29: {  	s29 =	sadd.s32 s5, s29;
	[sflag:s24] =	ssyncadd.s32 $0xFFFFD800  }
0x2a: {  	[tilespmem:s3], [sflag:$0x1] =	stream.linear.gather [hbm4b:s29+s3], $0x50, $0x38;
	[tilespmem:$0x1B7B0] =	vst v63  }
0x2b: {  	_ = 	snop  }
0x2c: {  	[tilespmem:s25], [sflag:$0x4] =	stream.indirect.gather [hbm4b:s4+s17], $0x80, s17, s17, $0xb8;
	[tilespmem:$0x1B7B0] =	vst v63  }
0x2d: {  	s29 =	simm.s32 $0xA0  }
0x2e: {  	[spmem:s2] =	stream.indirect.scatter.add.f32 [tilespmem:s23], [sflag:$0x5], $0x80, s29, s17, $0xb8;
	[tilespmem:$0x1B7B0] =	vst v63  }
0x2f: {  	_ =	swait.ge [sflag:s19], $0x2800  }
0x30: {  	[sflag:s19] =	ssyncset.done $0x0  }
0x31: {  	[sflag:s19] =	ssyncadd.s32 $0xFFFFD800  }
0x32: {  	_ =	swait.ge [sflag:s20], $0x2800  }
0x33: {  	[sflag:s20] =	ssyncset.done $0x0  }
0x34: {  	[sflag:s20] =	ssyncadd.s32 $0xFFFFD800  }
0x35: {  	_ =	swait.ge [sflag:s21], $0x50  }
0x36: {  	[sflag:s21] =	ssyncset.done $0x0  }
0x37: {  	s29 =	sadd.s32 $0x0, s14;
	[sflag:s21] =	ssyncadd.s32 $0xFFFFFFB0  }
0x38: {  	[tilespmem:s17], [sflag:$0x2] =	stream.linear.gather [hbm4b:s29+s3], $0x50, $0x38;
	[tilespmem:$0x1B7B0] =	vst v63  }
0x39: {  	_ = 	snop  }
0x3a: {  	[tilespmem:s23], [sflag:$0x3] =	stream.indirect.gather [hbm4b:s4+s17], $0x80, s3, s17, $0xb8;
	[tilespmem:$0x1B7B0] =	vst v63  }
0x3b: {  	s29 =	simm.s32 $0xF0  }
0x3c: {  	[spmem:s2] =	stream.indirect.scatter.add.f32 [tilespmem:s25], [sflag:$0x5], $0x80, s29, s17, $0xb8;
	[tilespmem:$0x1B7B0] =	vst v63  }
0x3d: {  	_ =	swait.ge [sflag:s19], $0x2800  }
0x3e: {  	[sflag:s19] =	ssyncset.done $0x0  }
0x3f: {  	[sflag:s19] =	ssyncadd.s32 $0xFFFFD800  }
0x40: {  	_ =	swait.ge [sflag:s22], $0x50  }
0x41: {  	s30 =	simm.s32 $0x14;
	s31 =	smov.u32 s15;
	[sflag:s22] =	ssyncset.done $0x0  }
.LBB2_2:
0x42: {  	[sflag:s22] =	ssyncadd.s32 $0xFFFFFFB0  }
0x43: {  	s29 =	sadd.s32 $0xA0, s29;
	s31 =	sadd.s32 $0xA0, s31;
	s1 =	smov.u32 s30  }
0x44: {  	p0 =	sne.s32 s30, $0x4C4;
	s30 =	sadd.s32 $0x14, s30;
	_ =	swait.ge [sflag:s24], $0x2800  }
0x45: {  	s0 =	sshrl.u32 s31, $0x3;
	[sflag:s24] =	ssyncset.done $0x0  }
0x46: {  	s0 =	sadd.s32 s5, s0;
	[sflag:s24] =	ssyncadd.s32 $0xFFFFD800  }
0x47: {  	[tilespmem:s3], [sflag:$0x1] =	stream.linear.gather [hbm4b:s0+s3], $0x50, $0x38;
	[tilespmem:$0x1B7B0] =	vst v63  }
0x48: {  	_ = 	snop  }
0x49: {  	[tilespmem:s25], [sflag:$0x4] =	stream.indirect.gather [hbm4b:s4+s17], $0x80, s17, s17, $0xb8;
	[tilespmem:$0x1B7B0] =	vst v63  }
0x4a: {  	s0 =	sadd.s32 $0xFFFFFFB0, s29  }
0x4b: {  	[spmem:s2] =	stream.indirect.scatter.add.f32 [tilespmem:s23], [sflag:$0x5], $0x80, s0, s17, $0xb8;
	[tilespmem:$0x1B7B0] =	vst v63  }
0x4c: {  	_ =	swait.ge [sflag:s19], $0x2800  }
0x4d: {  	[sflag:s19] =	ssyncset.done $0x0  }
0x4e: {  	[sflag:s19] =	ssyncadd.s32 $0xFFFFD800  }
0x4f: {  	_ =	swait.ge [sflag:s20], $0x2800  }
0x50: {  	[sflag:s20] =	ssyncset.done $0x0  }
0x51: {  	[sflag:s20] =	ssyncadd.s32 $0xFFFFD800  }
0x52: {  	_ =	swait.ge [sflag:s21], $0x50  }
0x53: {  	[sflag:s21] =	ssyncset.done $0x0  }
0x54: {  	s0 =	sadd.s32 s1, s14;
	[sflag:s21] =	ssyncadd.s32 $0xFFFFFFB0  }
0x55: {  	[tilespmem:s17], [sflag:$0x2] =	stream.linear.gather [hbm4b:s0+s3], $0x50, $0x38;
	[tilespmem:$0x1B7B0] =	vst v63  }
0x56: {  	_ = 	snop  }
0x57: {  	[tilespmem:s23], [sflag:$0x3] =	stream.indirect.gather [hbm4b:s4+s17], $0x80, s3, s17, $0xb8;
	[tilespmem:$0x1B7B0] =	vst v63  }
0x58: {  	_ = 	snop  }
0x59: {  	[spmem:s2] =	stream.indirect.scatter.add.f32 [tilespmem:s25], [sflag:$0x5], $0x80, s29, s17, $0xb8;
	[tilespmem:$0x1B7B0] =	vst v63  }
.Ltmp0:
0x5a: {  	_ =	swait.ge [sflag:s19], $0x2800;
	(pc) =	sbr.rel @p0 .LBB2_2-.Ltmp0, $4  }
0x5b: {  	[sflag:s19] =	ssyncset.done $0x0  }
0x5c: {  	[sflag:s19] =	ssyncadd.s32 $0xFFFFD800  }
0x5d: {  	_ =	swait.ge [sflag:s22], $0x50  }
0x5e: {  	[sflag:s22] =	ssyncset.done $0x0  }
0x5f: {  	[sflag:s22] =	ssyncadd.s32 $0xFFFFFFB0  }
0x60: {  	_ =	swait.ge [sflag:s24], $0x2800  }
0x61: {  	[sflag:s24] =	ssyncset.done $0x0  }
0x62: {  	[sflag:s24] =	ssyncadd.s32 $0xFFFFD800  }
0x63: {  	[spmem:s2] =	stream.indirect.scatter.add.f32 [tilespmem:s23], [sflag:$0x5], $0x80, s26, s17, $0xb8;
	[tilespmem:$0x1B7B0] =	vst v63  }
0x64: {  	_ =	swait.ge [sflag:s19], $0x2800  }
0x65: {  	s28 =	sadd.s32 $0x1, s28;
	[sflag:s19] =	ssyncset.done $0x0  }
0x66: {  	p0 =	sne.s32 s28, s13;
	[sflag:s19] =	ssyncadd.s32 $0xFFFFD800  }
.Ltmp1:
0x67: {  	s0 =	sor.u32 $0x1C05, s7;
	[bflag:$0x0] =	sbarrier.arrive $0xFFFF;
	(pc) =	sbr.rel @p0 .LBB2_1-.Ltmp1, $4  }
0x68: {  	[hbm:s12], [sflag:s0] =	dma.local [spmem:s16], $0x2800  }
0x69: {  	_ =	swait.ge [sflag:s19], $0x2800  }
0x6a: {  	[sflag:s19] =	ssyncset.done $0x0  }
0x6b: {  	[sflag:s19] =	ssyncadd.s32 $0xFFFFD800  }
0x6c: {  	_ =	sfence.sel $0x180000  }
0x6d: {  	[bflag:$0x0] =	sbarrier.arrive $0xFFFF  }
0x6e: {  	_ =	strace $0x9000004D  }
0x6f: {  	s0 =	stileid.u32;
	[bflag:$0x2] =	sbarrier.arrive $0xFFFF  }
0x70: {  	p0 =	sne.s32 s0, $0x0;
	s0 =	rddreg [dreg:$0x2]  }
0x71: {  	s0 =	sadd.s32 @!p0 $0x100000, s0  }
0x72: {  	[sflag:s0] =	ssyncadd.tile.s32 @!p0 $0x1;
	_ =	shalt  }
.Lfunc_end2:
_tile_overlayer_lowered:
.L_overlay_start_2:
0x73: {  	(tag) =	ssettag $0x2  }
0x74: {  	s0 =	rddreg [dreg:$0x0];
	s2 =	stileid.u32  }
0x75: {  	s1 =	rddreg [dreg:$0x1];
	p0 =	sne.s32 s2, $0x0  }
0x76: {  	s3 =	rddreg [dreg:$0x2];
	[bflag:$0x3] =	sbarrier.arrive $0xFFFF;
	s2 =	simm.s32 @!p0 $0x1C05  }
0x77: {  	[timem:s3], [sflag:s2] =	dma.local @!p0 [hbm:s0], s1  }
0x78: {  	s0 =	simm.s32 @!p0 $0x5  }
0x79: {  	_ =	swait.ge @!p0 [sflag:s0], s1  }
0x7a: {  	s1 =	ssub.s32 @!p0 $0x0, s1;
	[sflag:s0] =	ssyncset.done @!p0 $0x0  }
0x7b: {  	[sflag:s0] =	ssyncadd.s32 @!p0 s1  }
0x7c: {  	[bflag:$0x3] =	sbarrier.arrive $0xFFFF  }
0x7d: {  	_ =	shalt  }

// kernel: kernel.21.cloned.1.call-start
scs
__scs_entry_jumppad:
0x0: {  	(pc) =	sbr.rel $0x88, $3  }
0x1: {  	(tag) =	ssettag $0x0;
	lr =	simm.s32 $0x1  }
0x2: {  	[smem:$0x3F8F] =	sst lr;
	_ =	strace $0xD0000000  }
0x3: {  	_ = 	snop  }
0x4: {  	_ = 	snop  }
0x5: {  	_ = 	snop  }
0x6: {  	_ = 	snop  }
0x7: {  	_ = 	snop  }
__scs_overlays_trampoline_lowered:
0x8: {  	[smem:$0x3F9E] =	sst s0  }
0x9: {  	[smem:$0x3F9F] =	sst s1  }
0xa: {  	[smem:$0x3FA0] =	sst s2  }
0xb: {  	[smem:$0x3FA1] =	sst s3  }
0xc: {  	[smem:$0x3FA2] =	sst s4  }
0xd: {  	[smem:$0x3FA3] =	sst s5  }
0xe: {  	[smem:$0x3FA4] =	sst s6  }
0xf: {  	[smem:$0x3FA5] =	sst s7  }
0x10: {  	[smem:$0x3FA6] =	sst s8  }
0x11: {  	[smem:$0x3FA7] =	sst s9;
	s0 =	simm.s32 @!p0 $0x0  }
0x12: {  	s1 =	sld [smem:$0x3F8D];
	s0 =	simm.s32 @p0 $0x1  }
0x13: {  	[smem:$0x3FA8] =	sst s0;
	s0 =	simm.s32 @!p1 $0x0  }
0x14: {  	s2 =	sld [smem:$0x3F8C];
	s0 =	simm.s32 @p1 $0x1  }
0x15: {  	[smem:$0x3FA9] =	sst s0;
	s0 =	simm.s32 @!p2 $0x0  }
0x16: {  	s3 =	sld [smem:$0x3FDB];
	s0 =	simm.s32 @p2 $0x1  }
0x17: {  	s4 =	simm.s32 $0x1BF5;
	[smem:$0x3FAB] =	sst s0  }
0x18: {  	s0 =	sld [smem:$0x3F8E];
	_ =	swait.ge [sflag:s4], $0x0  }
0x19: {  	s7 =	sld [smem:$0x3F8F]  }
0x1a: {  	s8 =	sadd.s32 $0xFFFFE003, lr  }
0x1b: {  	s9 =	sadd.s32 $0xFFFFFEF7, lr;
	s5 =	simm.s32 $0xFFFFFFFF;
	p2 =	slt.u32 s8, $0xFFFFF086  }
0x1c: {  	p1 =	slt.u32 s9, $0xF7A;
	s5 =	simm.s32 @!p2 $0x0  }
0x1d: {  	s5 =	simm.s32 @p1 $0x1;
	p0 =	seq.s32 s7, s2  }
0x1e: {  	s7 =	smul.u32 @!p0 $0xF7A, s2;
	p2 =	seq.s32 @!p0 s5, $0x0  }
0x1f: {  	s9 =	smul.u32 $0xF7A, s1;
	s8 =	simm.s32 @!p0 $0x1BF5;
	p2 =	por !p2, p0  }
0x20: {  	[sflag:s8] =	ssyncset.s32 @!p0 $0xFFFFF086;
	s6 =	sadd.s32 @!p0 s3, s7;
	s7 =	simm.s32 @!p0 $0x108  }
0x21: {  	s3 =	sadd.s32 s3, s9;
	s6 =	sadd.s32 @!p0 $0x88, s6;
	s7 =	simm.s32 @p2 $0x1082  }
0x22: {  	[simem:s7], [sflag:s8] =	dma.local @!p0 [hbm:s6], $0xF7A  }
0x23: {  	s9 =	sor.u32 $0xD0000000, s2;
	s6 =	simm.s32 $0x108;
	_ =	swait.ge @!p0 [sflag:s8], $0x0  }
0x24: {  	s3 =	sadd.s32 $0x88, s3;
	s6 =	simm.s32 @!p1 $0x1082;
	[sflag:s4] =	ssyncset.s32 $0xFFFFF086  }
0x25: {  	[simem:s6], [sflag:s4] =	dma.local [hbm:s3], $0xF7A  }
0x26: {  	[smem:$0x3F8F] =	sst s1;
	(tag) =	ssettag s2;
	_ =	strace s9  }
0x27: {  	s1 =	sld [smem:$0x3F9F]  }
0x28: {  	s2 =	sld [smem:$0x3FA0]  }
0x29: {  	s4 =	sld [smem:$0x3FA2]  }
0x2a: {  	p0 =	seq.s32 s5, $0x0;
	s5 =	sld [smem:$0x3FA3]  }
0x2b: {  	s6 =	sld [smem:$0x3FA4]  }
0x2c: {  	s7 =	sld [smem:$0x3FA5]  }
0x2d: {  	s3 =	simm.s32 $0x108;
	s8 =	sld [smem:$0x3FA6]  }
0x2e: {  	s3 =	simm.s32 @!p0 $0x1082;
	s9 =	sld [smem:$0x3FA7]  }
0x2f: {  	lr =	sadd.s32 s0, s3;
	s0 =	sld [smem:$0x3F9E]  }
0x30: {  	s3 =	sld [smem:$0x3FA1]  }
0x31: {  	[smem:$0x3FAA] =	sst s10  }
0x32: {  	s10 =	sld [smem:$0x3FA8];
	_ =	sdelay $0x3  }
0x33: {  	p0 =	seq.s32 s10, $0x1;
	s10 =	sld [smem:$0x3FAA];
	_ =	sdelay $0x3  }
0x34: {  	[smem:$0x3FAA] =	sst s10  }
0x35: {  	s10 =	sld [smem:$0x3FA9];
	_ =	sdelay $0x3  }
0x36: {  	p1 =	seq.s32 s10, $0x1;
	s10 =	sld [smem:$0x3FAA];
	_ =	sdelay $0x3  }
0x37: {  	[smem:$0x3FAA] =	sst s10  }
0x38: {  	s10 =	sld [smem:$0x3FAB]  }
0x39: {  	_ = 	snop;
	(pc) =	sbr.ind lr, $3  }
0x3a: {  	_ = 	snop  }
0x3b: {  	_ = 	snop  }
0x3c: {  	p2 =	seq.s32 s10, $0x1;
	s10 =	sld [smem:$0x3FAA]  }
0x3d: {  	_ =	shalt  }
0x3e: {  	_ =	shalt  }
0x3f: {  	_ =	shalt  }
0x40: {  	_ =	shalt  }
0x41: {  	_ =	shalt  }
0x42: {  	_ =	shalt  }
0x43: {  	_ =	shalt  }
0x44: {  	_ =	shalt  }
0x45: {  	_ =	shalt  }
0x46: {  	_ =	shalt  }
0x47: {  	_ =	shalt  }
0x48: {  	_ =	shalt  }
0x49: {  	_ =	shalt  }
0x4a: {  	_ =	shalt  }
0x4b: {  	_ =	shalt  }
0x4c: {  	_ =	shalt  }
0x4d: {  	_ =	shalt  }
0x4e: {  	_ =	shalt  }
0x4f: {  	_ =	shalt  }
0x50: {  	_ =	shalt  }
0x51: {  	_ =	shalt  }
0x52: {  	_ =	shalt  }
0x53: {  	_ =	shalt  }
0x54: {  	_ =	shalt  }
0x55: {  	_ =	shalt  }
0x56: {  	_ =	shalt  }
0x57: {  	_ =	shalt  }
0x58: {  	_ =	shalt  }
0x59: {  	_ =	shalt  }
0x5a: {  	_ =	shalt  }
0x5b: {  	_ =	shalt  }
0x5c: {  	_ =	shalt  }
0x5d: {  	_ =	shalt  }
0x5e: {  	_ =	shalt  }
0x5f: {  	_ =	shalt  }
0x60: {  	_ =	shalt  }
0x61: {  	_ =	shalt  }
0x62: {  	_ =	shalt  }
0x63: {  	_ =	shalt  }
0x64: {  	_ =	shalt  }
0x65: {  	_ =	shalt  }
0x66: {  	_ =	shalt  }
0x67: {  	_ =	shalt  }
0x68: {  	_ =	shalt  }
0x69: {  	_ =	shalt  }
0x6a: {  	_ =	shalt  }
0x6b: {  	_ =	shalt  }
0x6c: {  	_ =	shalt  }
0x6d: {  	_ =	shalt  }
0x6e: {  	_ =	shalt  }
0x6f: {  	_ =	shalt  }
0x70: {  	_ =	shalt  }
0x71: {  	_ =	shalt  }
0x72: {  	_ =	shalt  }
0x73: {  	_ =	shalt  }
0x74: {  	_ =	shalt  }
0x75: {  	_ =	shalt  }
0x76: {  	_ =	shalt  }
0x77: {  	_ =	shalt  }
0x78: {  	_ =	shalt  }
0x79: {  	_ =	shalt  }
0x7a: {  	_ =	shalt  }
0x7b: {  	_ =	shalt  }
0x7c: {  	_ =	shalt  }
0x7d: {  	_ =	shalt  }
0x7e: {  	_ =	shalt  }
0x7f: {  	_ =	shalt  }
0x80: {  	_ =	shalt  }
0x81: {  	_ =	shalt  }
0x82: {  	_ =	shalt  }
0x83: {  	_ =	shalt  }
0x84: {  	_ =	shalt  }
0x85: {  	_ =	shalt  }
0x86: {  	_ =	shalt  }
0x87: {  	_ =	shalt  }
.Lfunc_end0:
.L_simem_size_0:
called_computation.3_lowered:
.L_overlay_start_0:
0x88: {  	s2 =	sld [smem:$0x3FD9]  }
0x89: {  	s3 =	sld [smem:$0x3FFE];
	_ =	sdelay $0x1  }
0x8a: {  	s1 =	srdreg.scid  }
0x8b: {  	s0 =	sand.u32 $0x1, s1  }
0x8c: {  	s16 =	sshll.u32 s0, $0xA;
	s2 =	sadd.s32 s3, s2  }
0x8d: {  	s2 =	sadd.s32 s2, s16  }
0x8e: {  	[smem:$0x3FB6] =	sst s2  }
0x8f: {  	_ = 	snop  }
0x90: {  	(tm) =	ssettm $0x1  }
0x91: {  	s17 =	sld [smem:$0x3FFB];
	_ =	sdelay $0x3  }
0x92: {  	_ =	strace s17  }
0x93: {  	s2 =	sld [smem:$0x3FFC];
	_ =	sdelay $0x3  }
0x94: {  	_ =	strace s2  }
0x95: {  	s2 =	sld [smem:$0x3FFD];
	_ =	sdelay $0x3  }
0x96: {  	_ =	strace s2  }
0x97: {  	_ =	strace $0x8FFFFFFF  }
0x98: {  	s18 =	sld [smem:$0x3FDB];
	_ =	sdelay $0x1  }
0x99: {  	s19 =	simm.s32 $_scs_section_size  }
0x9a: {  	s4 =	simm.s32 $_size__tile_overlayer_lowered;
	s5 =	simm.s32 $_tile_overlayer_lowered  }
0x9b: {  	s22 =	simm.s32 $0x1BFF;
	s21 =	sshll.u32 s5, $0x1;
	s2 =	sadd.s32 s19, s18  }
0x9c: {  	s6 =	simm.s32 $0x0;
	s20 =	sshll.u32 s4, $0x1;
	s4 =	sadd.s32 s21, s2  }
0x9d: {  	[timem:s6], [sflag:s22] =	dma.local [hbm:s4], s20  }
0x9e: {  	_ =	swait.ge [sflag:s22], s20  }
0x9f: {  	s3 =	ssub.s32 $0x0, s20;
	[sflag:s22] =	ssyncset.done $0x0  }
0xa0: {  	[sflag:s22] =	ssyncadd.s32 s3;
	_ =	sdelay $0x1  }
0xa1: {  	s23 =	simm.s32 $0x1B8B  }
0xa2: {  	_ =	swait.ge [sflag:s23], $0x1  }
0xa3: {  	[sflag:s23] =	ssyncset.done $0x0  }
0xa4: {  	s25 =	simm.s32 $0x1B8E;
	s24 =	sld [smem:$0x3FFE];
	[sflag:s23] =	ssyncadd.s32 $0xFFFFFFFF  }
0xa5: {  	s26 =	simm.s32 $execute0_lowered;
	[smem:$0x3FD2] =	sst s25  }
0xa6: {  	s4 =	sshll.u32 s26, $0x1;
	_ =	strace $0x8000004F;
	[dreg:$0x1] =	wrdreg $0xFFFFFFFF  }
0xa7: {  	s28 =	simm.s32 $_size_execute0_lowered;
	s2 =	sadd.s32 s2, s4;
	[dreg:$0x0] =	wrdreg $0x0  }
0xa8: {  	s4 =	sshll.u32 s28, $0x1;
	[dreg:$0x2] =	wrdreg s2  }
0xa9: {  	[dreg:$0x3] =	wrdreg s4  }
0xaa: {  	[dreg:$0x4] =	wrdreg $0xC0  }
0xab: {  	_ =	task [dreg:s6], $0x5FFFF  }
0xac: {  	[dreg:$0x1] =	wrdreg $0xFFFFFFFF  }
0xad: {  	[dreg:$0x0] =	wrdreg $0x60  }
0xae: {  	[dreg:$0x2] =	wrdreg s24  }
0xaf: {  	[dreg:$0x3] =	wrdreg $0x77B00  }
0xb0: {  	[dreg:$0x4] =	wrdreg $0x9  }
0xb1: {  	_ =	task.clear_ibuf [dreg:s6], $0x5FFFF;
	_ =	strace $0x9000004F  }
0xb2: {  	s29 =	simm.s32 $0x9;
	_ =	strace $0x80000051  }
0xb3: {  	_ =	swait.ge [sflag:s29], $0x1  }
0xb4: {  	[sflag:s29] =	ssyncadd.s32 $0xFFFFFFFF  }
0xb5: {  	_ =	strace $0x90000051  }
0xb6: {  	_ =	sfence  }
0xb7: {  	s30 =	sld [smem:$0x0];
	_ =	sdelay $0x2  }
0xb8: {  	s31 =	sshll.u32 s1, $0xD;
	s1 =	sshrl.u32 s1, $0x2  }
0xb9: {  	s3 =	sand.u32 $0x4000, s31;
	s1 =	sadd.s32 s1, s30  }
0xba: {  	s0 =	sor.u32 s3, s0;
	s1 =	sshll.u32 s1, $0x11  }
0xbb: {  	s0 =	sor.u32 s1, s0  }
0xbc: {  	s0 =	sadd.s32 $0x8F2B, s0  }
0xbd: {  	[sflag:s0] =	ssyncadd.remote.s32 $0x1  }
0xbe: {  	_ =	sfence.sel $0xFFFF  }
0xbf: {  	[dreg:$0x0] =	wrdreg $0xFFFFFFFF;
	(pc) =	sbr.abs _section_cstart, $3  }
0xc0: {  	[dreg:$0x1] =	wrdreg $0xFFFFFFFF  }
0xc1: {  	_ =	task.clear_ibuf [dreg:s6], $0x2FFFF;
	_ =	strace $0x9FFFFFFF  }
0xc2: {  	(tm) =	ssettm $0x7FFFFFFF  }
0xc3: {  	_ =	shalt  }
tec
execute0_lowered:
.L_overlay_start_1:
0x0: {  	(tag) =	ssettag $0x1  }
0x1: {  	s0 =	srdreg.scid;
	s8 =	rddreg [dreg:$0x0]  }
0x2: {  	s22 =	stileid.u32;
	s2 =	rddreg [dreg:$0x1];
	s3 =	simm.s32 $0x0  }
0x3: {  	s18 =	simm.s32 $0xA0;
	s19 =	simm.s32 $0x5;
	s20 =	simm.s32 $0x4  }
0x4: {  	s21 =	simm.s32 $0x1;
	s28 =	simm.s32 $0x0;
	s10 =	smul.u32 $0x2800, s22  }
0x5: {  	s7 =	sand.u32 $0x1, s0;
	[smem:$0x7FF] =	sst s3;
	s13 =	smul.u32 $0x50000, s22  }
0x6: {  	s4 =	sadd.s32 $0x27800, s8;
	s5 =	sadd.s32 $0x1DA00, s8;
	s29 =	smul.u32 $0x2760, s22  }
0x7: {  	s1 =	sshll.u32 s7, $0x4;
	_ =	strace $0x80000050;
	s11 =	smul.u32 $0x28000, s7  }
0x8: {  	s23 =	ssub.s32 $0x2, s7;
	s24 =	smul.u32 $0x27600, s7;
	s7 =	sshll.u32 s22, $0x6  }
0x9: {  	s9 =	sor.u32 s22, s1;
	s25 =	sshrl.u32 s23, $0x1;
	s26 =	sshrl.u32 s13, $0x2  }
0xa: {  	s22 =	simm.s32 $0x2;
	s6 =	smul.u32 $0x4E2, s9;
	s10 =	sadd.s32 s10, s11  }
0xb: {  	s9 =	smul.u32 $0x2760, s9;
	s15 =	ssub.s32 s23, s25;
	s16 =	sadd.s32 s26, s2  }
0xc: {  	s17 =	sadd.s32 s29, s24;
	s23 =	simm.s32 $0x27B0;
	s24 =	simm.s32 $0x3  }
0xd: {  	s25 =	simm.s32 $0x4FB0;
	s26 =	simm.s32 $0x2760;
	s14 =	sadd.s32 s10, s8  }
0xe: {  	s13 =	sadd.s32 $0xF0, s17;
	s16 =	sshrl.u32 s16, $0x3;
	s12 =	sadd.s32 s6, s8  }
0xf: {  	s6 =	sadd.s32 $0x77800, s8;
	s30 =	sshrl.u32 s9, $0x3;
	s9 =	sor.u32 $0x1C04, s7  }
0x10: {  	s31 =	sshrl.u32 s13, $0x3;
	s13 =	smax.u32 s15, $0x1;
	s15 =	sadd.s32 $0xA0, s17  }
0x11: {  	s17 =	simm.s32 $0x50;
	s8 =	sadd.s32 s5, s30;
	s11 =	sadd.s32 $0x4A00, s12  }
0x12: {  	s12 =	sadd.s32 $0x7A000, s14;
	s14 =	sadd.s32 s31, s5;
	s10 =	sadd.s32 $0xA, s8  }
.LBB2_1:
0x13: {  	[spmem:s16], [sflag:s9] =	dma.local [hbm:s6], $0x2800  }
0x14: {  	[tilespmem:s3], [sflag:$0x1] =	stream.linear.gather [hbm4b:s8+s3], $0x50, $0x38;
	[tilespmem:$0x1B7B0] =	vst v63  }
0x15: {  	_ = 	snop  }
0x16: {  	[tilespmem:s17], [sflag:$0x2] =	stream.linear.gather [hbm4b:s10+s3], $0x50, $0x38;
	[tilespmem:$0x1B7B0] =	vst v63  }
0x17: {  	_ = 	snop  }
0x18: {  	[tilespmem:s18], [sflag:$0x5] =	stream.linear.gather [hbm4b:s11+s3], $0x2710, $0x38;
	[tilespmem:$0x1B7B0] =	vst v63  }
0x19: {  	_ =	swait.ge [sflag:s19], $0x2710  }
0x1a: {  	[sflag:s19] =	ssyncset.done $0x0  }
0x1b: {  	[sflag:s19] =	ssyncadd.s32 $0xFFFFD8F0  }
0x1c: {  	_ =	swait.ge [sflag:s20], $0x2800  }
0x1d: {  	[sflag:s20] =	ssyncset.done $0x0  }
0x1e: {  	[sflag:s20] =	ssyncadd.s32 $0xFFFFD800  }
0x1f: {  	_ =	swait.ge [sflag:s21], $0x50  }
0x20: {  	[sflag:s21] =	ssyncset.done $0x0  }
0x21: {  	[sflag:s21] =	ssyncadd.s32 $0xFFFFFFB0  }
0x22: {  	_ =	swait.ge [sflag:s22], $0x50  }
0x23: {  	[sflag:s22] =	ssyncset.done $0x0  }
0x24: {  	[sflag:s22] =	ssyncadd.s32 $0xFFFFFFB0  }
0x25: {  	[tilespmem:s23], [sflag:$0x3] =	stream.indirect.gather [hbm4b:s4+s17], $0x80, s3, s17, $0xb8;
	[tilespmem:$0x1B7B0] =	vst v63  }
0x26: {  	[bflag:$0x0] =	sbarrier.arrive $0xFFFF  }
0x27: {  	_ =	swait.ge [sflag:s24], $0x2800  }
0x28: {  	s29 =	sshrl.u32 s15, $0x3;
	[sflag:s24] =	ssyncset.done $0x0  }
0x29: {  	s29 =	sadd.s32 s5, s29;
	[sflag:s24] =	ssyncadd.s32 $0xFFFFD800  }
0x2a: {  	[tilespmem:s3], [sflag:$0x1] =	stream.linear.gather [hbm4b:s29+s3], $0x50, $0x38;
	[tilespmem:$0x1B7B0] =	vst v63  }
0x2b: {  	_ = 	snop  }
0x2c: {  	[tilespmem:s25], [sflag:$0x4] =	stream.indirect.gather [hbm4b:s4+s17], $0x80, s17, s17, $0xb8;
	[tilespmem:$0x1B7B0] =	vst v63  }
0x2d: {  	s29 =	simm.s32 $0xA0  }
0x2e: {  	[spmem:s2] =	stream.indirect.scatter.add.f32 [tilespmem:s23], [sflag:$0x5], $0x80, s29, s17, $0xb8;
	[tilespmem:$0x1B7B0] =	vst v63  }
0x2f: {  	_ =	swait.ge [sflag:s19], $0x2800  }
0x30: {  	[sflag:s19] =	ssyncset.done $0x0  }
0x31: {  	[sflag:s19] =	ssyncadd.s32 $0xFFFFD800  }
0x32: {  	_ =	swait.ge [sflag:s20], $0x2800  }
0x33: {  	[sflag:s20] =	ssyncset.done $0x0  }
0x34: {  	[sflag:s20] =	ssyncadd.s32 $0xFFFFD800  }
0x35: {  	_ =	swait.ge [sflag:s21], $0x50  }
0x36: {  	[sflag:s21] =	ssyncset.done $0x0  }
0x37: {  	s29 =	sadd.s32 $0x0, s14;
	[sflag:s21] =	ssyncadd.s32 $0xFFFFFFB0  }
0x38: {  	[tilespmem:s17], [sflag:$0x2] =	stream.linear.gather [hbm4b:s29+s3], $0x50, $0x38;
	[tilespmem:$0x1B7B0] =	vst v63  }
0x39: {  	_ = 	snop  }
0x3a: {  	[tilespmem:s23], [sflag:$0x3] =	stream.indirect.gather [hbm4b:s4+s17], $0x80, s3, s17, $0xb8;
	[tilespmem:$0x1B7B0] =	vst v63  }
0x3b: {  	s29 =	simm.s32 $0xF0  }
0x3c: {  	[spmem:s2] =	stream.indirect.scatter.add.f32 [tilespmem:s25], [sflag:$0x5], $0x80, s29, s17, $0xb8;
	[tilespmem:$0x1B7B0] =	vst v63  }
0x3d: {  	_ =	swait.ge [sflag:s19], $0x2800  }
0x3e: {  	[sflag:s19] =	ssyncset.done $0x0  }
0x3f: {  	[sflag:s19] =	ssyncadd.s32 $0xFFFFD800  }
0x40: {  	_ =	swait.ge [sflag:s22], $0x50  }
0x41: {  	s30 =	simm.s32 $0x14;
	s31 =	smov.u32 s15;
	[sflag:s22] =	ssyncset.done $0x0  }
.LBB2_2:
0x42: {  	[sflag:s22] =	ssyncadd.s32 $0xFFFFFFB0  }
0x43: {  	s29 =	sadd.s32 $0xA0, s29;
	s31 =	sadd.s32 $0xA0, s31;
	s1 =	smov.u32 s30  }
0x44: {  	p0 =	sne.s32 s30, $0x4C4;
	s30 =	sadd.s32 $0x14, s30;
	_ =	swait.ge [sflag:s24], $0x2800  }
0x45: {  	s0 =	sshrl.u32 s31, $0x3;
	[sflag:s24] =	ssyncset.done $0x0  }
0x46: {  	s0 =	sadd.s32 s5, s0;
	[sflag:s24] =	ssyncadd.s32 $0xFFFFD800  }
0x47: {  	[tilespmem:s3], [sflag:$0x1] =	stream.linear.gather [hbm4b:s0+s3], $0x50, $0x38;
	[tilespmem:$0x1B7B0] =	vst v63  }
0x48: {  	_ = 	snop  }
0x49: {  	[tilespmem:s25], [sflag:$0x4] =	stream.indirect.gather [hbm4b:s4+s17], $0x80, s17, s17, $0xb8;
	[tilespmem:$0x1B7B0] =	vst v63  }
0x4a: {  	s0 =	sadd.s32 $0xFFFFFFB0, s29  }
0x4b: {  	[spmem:s2] =	stream.indirect.scatter.add.f32 [tilespmem:s23], [sflag:$0x5], $0x80, s0, s17, $0xb8;
	[tilespmem:$0x1B7B0] =	vst v63  }
0x4c: {  	_ =	swait.ge [sflag:s19], $0x2800  }
0x4d: {  	[sflag:s19] =	ssyncset.done $0x0  }
0x4e: {  	[sflag:s19] =	ssyncadd.s32 $0xFFFFD800  }
0x4f: {  	_ =	swait.ge [sflag:s20], $0x2800  }
0x50: {  	[sflag:s20] =	ssyncset.done $0x0  }
0x51: {  	[sflag:s20] =	ssyncadd.s32 $0xFFFFD800  }
0x52: {  	_ =	swait.ge [sflag:s21], $0x50  }
0x53: {  	[sflag:s21] =	ssyncset.done $0x0  }
0x54: {  	s0 =	sadd.s32 s1, s14;
	[sflag:s21] =	ssyncadd.s32 $0xFFFFFFB0  }
0x55: {  	[tilespmem:s17], [sflag:$0x2] =	stream.linear.gather [hbm4b:s0+s3], $0x50, $0x38;
	[tilespmem:$0x1B7B0] =	vst v63  }
0x56: {  	_ = 	snop  }
0x57: {  	[tilespmem:s23], [sflag:$0x3] =	stream.indirect.gather [hbm4b:s4+s17], $0x80, s3, s17, $0xb8;
	[tilespmem:$0x1B7B0] =	vst v63  }
0x58: {  	_ = 	snop  }
0x59: {  	[spmem:s2] =	stream.indirect.scatter.add.f32 [tilespmem:s25], [sflag:$0x5], $0x80, s29, s17, $0xb8;
	[tilespmem:$0x1B7B0] =	vst v63  }
.Ltmp0:
0x5a: {  	_ =	swait.ge [sflag:s19], $0x2800;
	(pc) =	sbr.rel @p0 .LBB2_2-.Ltmp0, $4  }
0x5b: {  	[sflag:s19] =	ssyncset.done $0x0  }
0x5c: {  	[sflag:s19] =	ssyncadd.s32 $0xFFFFD800  }
0x5d: {  	_ =	swait.ge [sflag:s22], $0x50  }
0x5e: {  	[sflag:s22] =	ssyncset.done $0x0  }
0x5f: {  	[sflag:s22] =	ssyncadd.s32 $0xFFFFFFB0  }
0x60: {  	_ =	swait.ge [sflag:s24], $0x2800  }
0x61: {  	[sflag:s24] =	ssyncset.done $0x0  }
0x62: {  	[sflag:s24] =	ssyncadd.s32 $0xFFFFD800  }
0x63: {  	[spmem:s2] =	stream.indirect.scatter.add.f32 [tilespmem:s23], [sflag:$0x5], $0x80, s26, s17, $0xb8;
	[tilespmem:$0x1B7B0] =	vst v63  }
0x64: {  	_ =	swait.ge [sflag:s19], $0x2800  }
0x65: {  	s28 =	sadd.s32 $0x1, s28;
	[sflag:s19] =	ssyncset.done $0x0  }
0x66: {  	p0 =	sne.s32 s28, s13;
	[sflag:s19] =	ssyncadd.s32 $0xFFFFD800  }
.Ltmp1:
0x67: {  	s0 =	sor.u32 $0x1C05, s7;
	[bflag:$0x0] =	sbarrier.arrive $0xFFFF;
	(pc) =	sbr.rel @p0 .LBB2_1-.Ltmp1, $4  }
0x68: {  	[hbm:s12], [sflag:s0] =	dma.local [spmem:s16], $0x2800  }
0x69: {  	_ =	swait.ge [sflag:s19], $0x2800  }
0x6a: {  	[sflag:s19] =	ssyncset.done $0x0  }
0x6b: {  	[sflag:s19] =	ssyncadd.s32 $0xFFFFD800  }
0x6c: {  	_ =	sfence.sel $0x180000  }
0x6d: {  	[bflag:$0x0] =	sbarrier.arrive $0xFFFF  }
0x6e: {  	_ =	strace $0x90000050  }
0x6f: {  	s0 =	stileid.u32;
	[bflag:$0x2] =	sbarrier.arrive $0xFFFF  }
0x70: {  	p0 =	sne.s32 s0, $0x0;
	s0 =	rddreg [dreg:$0x2]  }
0x71: {  	s0 =	sadd.s32 @!p0 $0x100000, s0  }
0x72: {  	[sflag:s0] =	ssyncadd.tile.s32 @!p0 $0x1;
	_ =	shalt  }
.Lfunc_end2:
_tile_overlayer_lowered:
.L_overlay_start_2:
0x73: {  	(tag) =	ssettag $0x2  }
0x74: {  	s0 =	rddreg [dreg:$0x0];
	s2 =	stileid.u32  }
0x75: {  	s1 =	rddreg [dreg:$0x1];
	p0 =	sne.s32 s2, $0x0  }
0x76: {  	s3 =	rddreg [dreg:$0x2];
	[bflag:$0x3] =	sbarrier.arrive $0xFFFF;
	s2 =	simm.s32 @!p0 $0x1C05  }
0x77: {  	[timem:s3], [sflag:s2] =	dma.local @!p0 [hbm:s0], s1  }
0x78: {  	s0 =	simm.s32 @!p0 $0x5  }
0x79: {  	_ =	swait.ge @!p0 [sflag:s0], s1  }
0x7a: {  	s1 =	ssub.s32 @!p0 $0x0, s1;
	[sflag:s0] =	ssyncset.done @!p0 $0x0  }
0x7b: {  	[sflag:s0] =	ssyncadd.s32 @!p0 s1  }
0x7c: {  	[bflag:$0x3] =	sbarrier.arrive $0xFFFF  }
0x7d: {  	_ =	shalt  }

</sc_bundles>
